<compile_context>
chip_gen: v7x
topology: tpu7x:2x2x1
jax: 0.10.2.dev20260603
libtpu: 0.0.44.dev20260713+nightly
codegen_flags: <defaults>
</compile_context>

<pallas_src>
import functools

import jax
import jax.numpy as jnp
from jax import lax
from jax.experimental import pallas as pl
from jax.experimental.pallas import tpu as pltpu
from jax.experimental.pallas import tpu_sc as plsc

_G = 5
_KORD = 3
_NLAYERS = 3
_NGRAPHS = 64
_NB = _G + _KORD

_NC, _NS = 2, 16
_NW = _NC * _NS


def _make_sc_scatter_add(n_acc, n_edges, d, ch):
  epw = n_edges // _NW
  assert epw * _NW == n_edges and epw % ch == 0
  nch = epw // ch
  rps = n_acc // _NS
  assert rps * _NS == n_acc and rps % 8 == 0
  mesh = plsc.VectorSubcoreMesh(
      core_axis_name="c", subcore_axis_name="s", num_cores=_NC,
      num_subcores=_NS)

  @functools.partial(
      pl.kernel,
      mesh=mesh,
      out_type=jax.ShapeDtypeStruct((_NC, n_acc, d), jnp.float32),
      scratch_types=[
          pltpu.VMEM((ch,), jnp.int32),
          pltpu.VMEM((ch,), jnp.int32),
          pltpu.VMEM((ch, d), jnp.float32),
          pltpu.VMEM_SHARED((n_acc, d), jnp.float32),
          pltpu.SemaphoreType.DMA,
      ],
  )
  def sc_kernel(x_hbm, src_hbm, dst_hbm, zeros_hbm, out_hbm,
                src_v, dst_v, rows_v, acc_sh, gsem):
    c = lax.axis_index("c")
    s = lax.axis_index("s")
    wid = c * _NS + s
    pltpu.sync_copy(zeros_hbm.at[pl.ds(s * rps, rps)],
                    acc_sh.at[pl.ds(s * rps, rps)])
    plsc.subcore_barrier()
    base = wid * epw

    def step(t, carry):
      off = pl.multiple_of(base + t * ch, 8)
      pltpu.sync_copy(src_hbm.at[pl.ds(off, ch)], src_v)
      pltpu.sync_copy(dst_hbm.at[pl.ds(off, ch)], dst_v)
      pltpu.async_copy(x_hbm.at[src_v], rows_v, gsem).wait()
      pltpu.sync_copy(rows_v, acc_sh.at[dst_v], add=True)
      return carry

    lax.fori_loop(0, nch, step, 0)
    plsc.subcore_barrier()
    pltpu.sync_copy(acc_sh.at[pl.ds(s * rps, rps)],
                    out_hbm.at[c, pl.ds(s * rps, rps)])

  return sc_kernel


def _kan_block(x, bw, sw):
  out = jnp.dot(jax.nn.silu(x), bw, preferred_element_type=jnp.float32)
  tb, fin = x.shape
  xr = jnp.repeat(x, _NB, axis=1)
  jq = lax.broadcasted_iota(jnp.int32, (tb, fin * _NB), 1) % _NB
  jf = jq.astype(jnp.float32)
  gc = [(jf + float(c - _KORD)) * (2.0 / _G) - 1.0 for c in range(5)]
  b0 = [jnp.where((xr >= gc[m]) & (xr < gc[m + 1]), 1.0, 0.0)
        for m in range(4)]
  b1 = [(xr - gc[m]) / (gc[m + 1] - gc[m]) * b0[m]
        + (gc[m + 2] - xr) / (gc[m + 2] - gc[m + 1]) * b0[m + 1]
        for m in range(3)]
  b2 = [(xr - gc[m]) / (gc[m + 2] - gc[m]) * b1[m]
        + (gc[m + 3] - xr) / (gc[m + 3] - gc[m + 1]) * b1[m + 1]
        for m in range(2)]
  b3 = ((xr - gc[0]) / (gc[3] - gc[0]) * b2[0]
        + (gc[4] - xr) / (gc[4] - gc[1]) * b2[1])
  out = out + jnp.dot(b3, sw, preferred_element_type=jnp.float32)
  return out


def _kan_pair_body(x_ref, agg_ref, bw0_ref, sw0_ref, bw1_ref, sw1_ref,
                   h_ref, s1_ref, s2_ref):
  xin = x_ref[...] + agg_ref[0] + agg_ref[1]
  h1 = _kan_block(xin, bw0_ref[...], sw0_ref[...])
  h2 = _kan_block(h1, bw1_ref[...], sw1_ref[...])
  h_ref[...] = h2
  ps = jnp.sum(h2, axis=0, keepdims=True)
  pq = jnp.sum(h2 * h2, axis=0, keepdims=True)

  @pl.when(pl.program_id(0) == 0)
  def _init():
    s1_ref[...] = ps
    s2_ref[...] = pq

  @pl.when(pl.program_id(0) > 0)
  def _acc():
    s1_ref[...] += ps
    s2_ref[...] += pq


def _kan_pair(x, agg2, bw0, sw0, bw1, sw1, tb):
  n, d = x.shape
  full = lambda shape: pl.BlockSpec(shape, lambda i: tuple(0 for _ in shape))
  return pl.pallas_call(
      _kan_pair_body,
      grid=(n // tb,),
      in_specs=[
          pl.BlockSpec((tb, d), lambda i: (i, 0)),
          pl.BlockSpec((2, tb, d), lambda i: (0, i, 0)),
          full((d, d)),
          full((_NB * d, d)),
          full((d, d)),
          full((_NB * d, d)),
      ],
      out_specs=[
          pl.BlockSpec((tb, d), lambda i: (i, 0)),
          pl.BlockSpec((1, d), lambda i: (0, 0)),
          pl.BlockSpec((1, d), lambda i: (0, 0)),
      ],
      out_shape=[
          jax.ShapeDtypeStruct((n, d), jnp.float32),
          jax.ShapeDtypeStruct((1, d), jnp.float32),
          jax.ShapeDtypeStruct((1, d), jnp.float32),
      ],
      compiler_params=pltpu.CompilerParams(
          dimension_semantics=("arbitrary",)),
  )(x, agg2, bw0, sw0, bw1, sw1)


def _bn_body(n, h_ref, s1_ref, s2_ref, gm_ref, bt_ref, o_ref):
  mean = s1_ref[...] * (1.0 / n)
  var = s2_ref[...] * (1.0 / n) - mean * mean
  a = gm_ref[...] * lax.rsqrt(var + 1e-5)
  b = bt_ref[...] - mean * a
  o_ref[...] = h_ref[...] * a + b


def _bn_apply(h, s1, s2, gamma, beta, tb):
  n, d = h.shape
  vec = pl.BlockSpec((1, d), lambda i: (0, 0))
  return pl.pallas_call(
      functools.partial(_bn_body, n),
      grid=(n // tb,),
      in_specs=[pl.BlockSpec((tb, d), lambda i: (i, 0)), vec, vec, vec, vec],
      out_specs=pl.BlockSpec((tb, d), lambda i: (i, 0)),
      out_shape=jax.ShapeDtypeStruct((n, d), jnp.float32),
  )(h, s1, s2, gamma, beta)


def _head_body(nclass, p_ref, bw0_ref, sw0_ref, bw1_ref, sw1_ref, o_ref):
  x = p_ref[0] + p_ref[1]
  h1 = _kan_block(x, bw0_ref[...], sw0_ref[...])
  h2 = _kan_block(h1, bw1_ref[...], sw1_ref[...])
  colid = lax.broadcasted_iota(jnp.int32, h2.shape, 1)
  valid = colid < nclass
  masked = jnp.where(valid, h2, -1e30)
  m = jnp.max(masked, axis=1, keepdims=True)
  e = jnp.where(valid, jnp.exp(h2 - m), 0.0)
  lse = m + jnp.log(jnp.sum(e, axis=1, keepdims=True))
  o_ref[...] = h2 - lse


def _head(pooled2, bw0, sw0, bw1, sw1, nclass, g):
  d = pooled2.shape[-1]
  full = lambda shape: pl.BlockSpec(shape, lambda: tuple(0 for _ in shape))
  return pl.pallas_call(
      functools.partial(_head_body, nclass),
      in_specs=[full((2, g, d)), full((d, d)), full((_NB * d, d)),
                full((d, d)), full((_NB * d, d))],
      out_specs=full((g, d)),
      out_shape=jax.ShapeDtypeStruct((g, d), jnp.float32),
  )(pooled2, bw0, sw0, bw1, sw1)


def _prep_kan_layer_fm(p, dpad=None):
  bw = p['base_w']
  sw = p['spline_w'] * p['spline_s'][..., None]
  fout, fin = bw.shape
  bw_t = bw.T
  sw_t = jnp.transpose(sw, (1, 2, 0)).reshape(fin * _NB, fout)
  if dpad is not None and fout < dpad:
    bw_t = jnp.pad(bw_t, ((0, 0), (0, dpad - fout)))
    sw_t = jnp.pad(sw_t, ((0, 0), (0, dpad - fout)))
  return bw_t, sw_t


def kernel(x, edge_index, batch, params):
  n, d = x.shape
  e = edge_index.shape[1]
  src = edge_index[0].astype(jnp.int32)
  dst = edge_index[1].astype(jnp.int32)

  n_pad = 10240
  pool_rows = 128
  e_pool = 10240
  npad = e_pool - n
  pad_ids = jnp.arange(npad, dtype=jnp.int32)
  pool_src = jnp.concatenate(
      [jnp.arange(n, dtype=jnp.int32), (pad_ids * 997) % n])
  pool_dst = jnp.concatenate(
      [batch.astype(jnp.int32), _NGRAPHS + (pad_ids % 16)])

  edge_agg = _make_sc_scatter_add(n_pad, e, d, ch=80)
  pool_agg = _make_sc_scatter_add(pool_rows, e_pool, d, ch=80)
  zeros_n = jnp.zeros((n_pad, d), jnp.float32)
  zeros_p = jnp.zeros((pool_rows, d), jnp.float32)

  tb = 400
  order = jnp.argsort(dst, stable=True)
  src_s = src[order]
  dst_s = dst[order]
  cur = x
  for i in range(_NLAYERS):
    agg2 = edge_agg(cur, src_s, dst_s, zeros_n)[:, :n]
    bw0, sw0 = _prep_kan_layer_fm(params['gin'][i][0])
    bw1, sw1 = _prep_kan_layer_fm(params['gin'][i][1])
    h, s1, s2 = _kan_pair(cur, agg2, bw0, sw0, bw1, sw1, tb)
    gamma = params['bn'][i]['gamma'].reshape(1, d)
    beta = params['bn'][i]['beta'].reshape(1, d)
    cur = _bn_apply(h, s1, s2, gamma, beta, tb)

  pooled2 = pool_agg(cur, pool_src, pool_dst, zeros_p)[:, :_NGRAPHS]
  hb0, hs0 = _prep_kan_layer_fm(params['head'][0])
  hb1, hs1 = _prep_kan_layer_fm(params['head'][1], dpad=d)
  nclass = params['head'][1]['base_w'].shape[0]
  out = _head(pooled2, hb0, hs0, hb1, hs1, nclass, _NGRAPHS)
  return out[:, :nclass]

# --- scband reference (transcript-rebuilt; emitter-appended) ---
"""Pipeline reference for scband-kagin-6640019439794 (READ-ONLY COPY).

The authoritative reference and input builder live on the scoring server;
editing this copy changes nothing except your own understanding.
"""

import jax, jax.numpy as jnp
import numpy as np

GRID_SIZE = 5
SPLINE_ORDER = 3
GNN_LAYERS = 3
NUM_GRAPHS = 64


def make_grid(in_features, G=GRID_SIZE, k=SPLINE_ORDER):
    h = 2.0 / G
    g = jnp.arange(-k, G + k + 1, dtype=jnp.float32) * h - 1.0
    return jnp.broadcast_to(g, (in_features, g.shape[0]))


def b_splines(x, grid, k=SPLINE_ORDER):
    # x: (B, in), grid: (in, G + 2k + 1) -> (B, in, G + k)
    xe = x[..., None]
    bases = ((xe >= grid[:, :-1]) & (xe < grid[:, 1:])).astype(x.dtype)
    for d in range(1, k + 1):
        left = (xe - grid[:, : -(d + 1)]) / (grid[:, d:-1] - grid[:, : -(d + 1)]) * bases[..., :-1]
        right = (grid[:, d + 1:] - xe) / (grid[:, d + 1:] - grid[:, 1:-d]) * bases[..., 1:]
        bases = left + right
    return bases


def kan_linear(x, p):
    grid = make_grid(x.shape[1])
    base = jax.nn.silu(x) @ p['base_w'].T
    B = b_splines(x, grid)
    sw = p['spline_w'] * p['spline_s'][..., None]
    spline = B.reshape(B.shape[0], -1) @ sw.reshape(sw.shape[0], -1).T
    return base + spline


def kan_forward(x, layers):
    for p in layers:
        x = kan_linear(x, p)
    return x


def make_kan_params(key, sizes):
    layers = []
    for i in range(len(sizes) - 1):
        fin, fout = sizes[i], sizes[i + 1]
        key, k1, k2 = jax.random.split(key, 3)
        layers.append({
            'base_w': jax.random.normal(k1, (fout, fin), dtype=jnp.float32) / np.sqrt(fin),
            'spline_w': jax.random.normal(k2, (fout, fin, GRID_SIZE + SPLINE_ORDER), dtype=jnp.float32) * 0.1,
            'spline_s': jnp.ones((fout, fin), dtype=jnp.float32),
        })
    return layers, key


def setup_inputs(seed: int = 0):
    key = jax.random.key(seed)
    N, E, D, H, C = 10000, 320000, 128, 128, 10
    key, kx, ke, kb = jax.random.split(key, 4)
    x = jax.random.normal(kx, (N, D), dtype=jnp.float32)
    edge_index = jax.random.randint(ke, (2, E), 0, N)
    batch = jnp.sort(jax.random.randint(kb, (N,), 0, NUM_GRAPHS))
    gin = []
    for i in range(GNN_LAYERS):
        sizes = [D if i == 0 else H, H, H]
        lay, key = make_kan_params(key, sizes)
        gin.append(lay)
    bn = [{'gamma': jnp.ones((H,), dtype=jnp.float32), 'beta': jnp.zeros((H,), dtype=jnp.float32)} for _ in range(GNN_LAYERS)]
    head, key = make_kan_params(key, [H, H, C])
    params = {'gin': gin, 'bn': bn, 'head': head}
    return {'x': x, 'edge_index': edge_index, 'batch': batch, 'params': params}


def reference(x, edge_index, batch, params):
    src = edge_index[0]
    dst = edge_index[1]
    for i in range(GNN_LAYERS):
        # GINConv: nn((1 + eps) * x + sum_{j in N(i)} x_j), eps = 0
        agg = jnp.zeros(x.shape, dtype=x.dtype).at[dst].add(x[src])
        h = x + agg
        h = kan_forward(h, params['gin'][i])
        # BatchNorm1d (training-mode batch statistics)
        mean = h.mean(axis=0)
        var = h.var(axis=0)
        h = (h - mean) / jnp.sqrt(var + 1e-5) * params['bn'][i]['gamma'] + params['bn'][i]['beta']
        x = h  # dropout p=0.0 -> identity
    pooled = jax.ops.segment_sum(x, batch, num_segments=NUM_GRAPHS)
    out = kan_forward(pooled, params['head'])
    return jax.nn.log_softmax(out, axis=1)

if __name__ == "__main__":
    import jax
    _d = setup_inputs()
    print(jax.jit(kernel)(*tuple(_d.values())))

</pallas_src>

<mosaic_0001>
#map = affine_map<(d0, d1) -> (0, 0)>
#map1 = affine_map<(d0, d1) -> (0)>
#map2 = affine_map<(d0, d1) -> (0, 0, 0)>
module attributes {stable_mosaic.version = 14 : i64} {
  func.func @sc_kernel(%arg0: i32, %arg1: i32, %arg2: memref<10000x128xf32, #tpu.memory_space<hbm>>, %arg3: memref<320000xi32, #tpu.memory_space<hbm>>, %arg4: memref<320000xi32, #tpu.memory_space<hbm>>, %arg5: memref<10240x128xf32, #tpu.memory_space<hbm>>, %arg6: memref<2x10240x128xf32, #tpu.memory_space<hbm>>, %arg7: memref<80xi32, #tpu.memory_space<vmem>>, %arg8: memref<80xi32, #tpu.memory_space<vmem>>, %arg9: memref<80x128xf32, #tpu.memory_space<vmem>>, %arg10: memref<10240x128xf32, #tpu.memory_space<vmem_shared>>, %arg11: memref<!tpu.dma_semaphore, #tpu.memory_space<semaphore_mem>>) attributes {dimension_semantics = [#tpu.dimension_semantics<core_parallel>, #tpu.dimension_semantics<subcore_parallel>], iteration_bounds = array<i64: 2, 16>, scalar_prefetch = 0 : i64, scratch_operands = 5 : i64, tpu.core_type = #tpu.core_type<sc_vector_subcore>, window_params = [{transform_indices = #map}, {transform_indices = #map1}, {transform_indices = #map1}, {transform_indices = #map}, {transform_indices = #map2}]} {
    %mul3A = arith.constant 16 : i32
    %mul3A_0 = arith.muli %arg0, %mul3A : i32
    %add3A = arith.addi %mul3A_0, %arg1 : i32
    %mul3A_1 = arith.constant 640 : i32
    %mul3A_2 = arith.muli %arg1, %mul3A_1 : i32
    %mul3A_3 = arith.constant 640 : i32
    %mul3A_4 = arith.muli %arg1, %mul3A_3 : i32
    "tpu.region"() ({
      %run_scoped3A = tpu.sem_alloc : memref<!tpu.dma_semaphore, #tpu.memory_space<semaphore_mem>>
      %dma_start3A = arith.constant 0 : i32
      %dma_start3A_17 = tpu.memref_slice %arg10[%mul3A_4, %dma_start3A] : memref<10240x128xf32, #tpu.memory_space<vmem_shared>> -> memref<640x128xf32, #tpu.memory_space<vmem_shared>>
      %dma_start3A_18 = arith.constant 0 : i32
      %dma_start3A_19 = tpu.memref_slice %arg5[%mul3A_2, %dma_start3A_18] : memref<10240x128xf32, #tpu.memory_space<hbm>> -> memref<640x128xf32, #tpu.memory_space<hbm>>
      tpu.enqueue_dma source(%dma_start3A_19 : memref<640x128xf32, #tpu.memory_space<hbm>>) target(%dma_start3A_17 : memref<640x128xf32, #tpu.memory_space<vmem_shared>>) target_semaphore(%run_scoped3A : memref<!tpu.dma_semaphore, #tpu.memory_space<semaphore_mem>>)
      %dma_wait3A = arith.constant 0 : i32
      %dma_wait3A_20 = tpu.memref_slice %arg10[%mul3A_4, %dma_wait3A] : memref<10240x128xf32, #tpu.memory_space<vmem_shared>> -> memref<640x128xf32, #tpu.memory_space<vmem_shared>>
      %dma_wait3A_21 = arith.constant 0 : i32
      %dma_wait3A_22 = tpu.memref_slice %arg5[%mul3A_2, %dma_wait3A_21] : memref<10240x128xf32, #tpu.memory_space<hbm>> -> memref<640x128xf32, #tpu.memory_space<hbm>>
      tpu.wait_dma2 semaphore(%run_scoped3A : memref<!tpu.dma_semaphore, #tpu.memory_space<semaphore_mem>>) src(%dma_wait3A_22 : memref<640x128xf32, #tpu.memory_space<hbm>>) dst(%dma_wait3A_20 : memref<640x128xf32, #tpu.memory_space<vmem_shared>>)
      tpu.yield
    }) : () -> ()
    %barrier3A = arith.constant 0 : index
    tpu.barrier barrier_id(%barrier3A)
    %mul3A_5 = arith.constant 10000 : i32
    %mul3A_6 = arith.muli %add3A, %mul3A_5 : i32
    %scan3A = arith.constant 0 : i32
    %scan3A_7 = arith.constant 0 : i32
    %scan3A_8 = arith.constant 125 : i32
    %scan3A_9 = arith.addi %scan3A_7, %scan3A_8 : i32
    %scan3A_10 = arith.constant 1 : i32
    scf.for %scan3A_17 = %scan3A_7 to %scan3A_9 step %scan3A_10  : i32 {
      %mul3A_18 = arith.constant 80 : i32
      %mul3A_19 = arith.muli %scan3A_17, %mul3A_18 : i32
      %add3A_20 = arith.addi %mul3A_6, %mul3A_19 : i32
      %multiple_of3A = tpu.assume_multiple %add3A_20, 8 : i32
      "tpu.region"() ({
        %run_scoped3A = tpu.sem_alloc : memref<!tpu.dma_semaphore, #tpu.memory_space<semaphore_mem>>
        %dma_start3A_25 = tpu.memref_slice %arg3[%multiple_of3A] : memref<320000xi32, #tpu.memory_space<hbm>> -> memref<80xi32, #tpu.memory_space<hbm>>
        %dma_start3A_26 = tpu.memref_slice %arg3[%multiple_of3A] : memref<320000xi32, #tpu.memory_space<hbm>> -> memref<80xi32, #tpu.memory_space<hbm>>
        tpu.enqueue_dma source(%dma_start3A_26 : memref<80xi32, #tpu.memory_space<hbm>>) target(%arg7 : memref<80xi32, #tpu.memory_space<vmem>>) target_semaphore(%run_scoped3A : memref<!tpu.dma_semaphore, #tpu.memory_space<semaphore_mem>>)
        %dma_wait3A_27 = tpu.memref_slice %arg3[%multiple_of3A] : memref<320000xi32, #tpu.memory_space<hbm>> -> memref<80xi32, #tpu.memory_space<hbm>>
        %dma_wait3A_28 = tpu.memref_slice %arg3[%multiple_of3A] : memref<320000xi32, #tpu.memory_space<hbm>> -> memref<80xi32, #tpu.memory_space<hbm>>
        tpu.wait_dma2 semaphore(%run_scoped3A : memref<!tpu.dma_semaphore, #tpu.memory_space<semaphore_mem>>) src(%dma_wait3A_28 : memref<80xi32, #tpu.memory_space<hbm>>) dst(%arg7 : memref<80xi32, #tpu.memory_space<vmem>>)
        tpu.yield
      }) : () -> ()
      "tpu.region"() ({
        %run_scoped3A = tpu.sem_alloc : memref<!tpu.dma_semaphore, #tpu.memory_space<semaphore_mem>>
        %dma_start3A_25 = tpu.memref_slice %arg4[%multiple_of3A] : memref<320000xi32, #tpu.memory_space<hbm>> -> memref<80xi32, #tpu.memory_space<hbm>>
        %dma_start3A_26 = tpu.memref_slice %arg4[%multiple_of3A] : memref<320000xi32, #tpu.memory_space<hbm>> -> memref<80xi32, #tpu.memory_space<hbm>>
        tpu.enqueue_dma source(%dma_start3A_26 : memref<80xi32, #tpu.memory_space<hbm>>) target(%arg8 : memref<80xi32, #tpu.memory_space<vmem>>) target_semaphore(%run_scoped3A : memref<!tpu.dma_semaphore, #tpu.memory_space<semaphore_mem>>)
        %dma_wait3A_27 = tpu.memref_slice %arg4[%multiple_of3A] : memref<320000xi32, #tpu.memory_space<hbm>> -> memref<80xi32, #tpu.memory_space<hbm>>
        %dma_wait3A_28 = tpu.memref_slice %arg4[%multiple_of3A] : memref<320000xi32, #tpu.memory_space<hbm>> -> memref<80xi32, #tpu.memory_space<hbm>>
        tpu.wait_dma2 semaphore(%run_scoped3A : memref<!tpu.dma_semaphore, #tpu.memory_space<semaphore_mem>>) src(%dma_wait3A_28 : memref<80xi32, #tpu.memory_space<hbm>>) dst(%arg8 : memref<80xi32, #tpu.memory_space<vmem>>)
        tpu.yield
      }) : () -> ()
      %dma_start3A = arith.constant 0 : i32
      %dma_start3A_21 = arith.constant 0 : i32
      %dma_start3A_22 = tpu.memref_slice %arg2[%dma_start3A, %dma_start3A_21] : memref<10000x128xf32, #tpu.memory_space<hbm>> -> memref<10000x128xf32, #tpu.memory_space<hbm>>
      tpu.enqueue_indirect_dma source(%dma_start3A_22 : memref<10000x128xf32, #tpu.memory_space<hbm>>) target(%arg9 : memref<80x128xf32, #tpu.memory_space<vmem>>) offsets(%arg7 : memref<80xi32, #tpu.memory_space<vmem>>) semaphore(%arg11 : memref<!tpu.dma_semaphore, #tpu.memory_space<semaphore_mem>>)
      %dma_wait3A = arith.constant 0 : i32
      %dma_wait3A_23 = arith.constant 0 : i32
      %dma_wait3A_24 = tpu.memref_slice %arg2[%dma_wait3A, %dma_wait3A_23] : memref<10000x128xf32, #tpu.memory_space<hbm>> -> memref<10000x128xf32, #tpu.memory_space<hbm>>
      tpu.wait_indirect_dma semaphore(%arg11 : memref<!tpu.dma_semaphore, #tpu.memory_space<semaphore_mem>>) src(%dma_wait3A_24 : memref<10000x128xf32, #tpu.memory_space<hbm>>) dst(%arg9 : memref<80x128xf32, #tpu.memory_space<vmem>>)
      "tpu.region"() ({
        %run_scoped3A = tpu.sem_alloc : memref<!tpu.dma_semaphore, #tpu.memory_space<semaphore_mem>>
        %dma_start3A_25 = arith.constant 0 : i32
        %dma_start3A_26 = arith.constant 0 : i32
        %dma_start3A_27 = tpu.memref_slice %arg10[%dma_start3A_25, %dma_start3A_26] : memref<10240x128xf32, #tpu.memory_space<vmem_shared>> -> memref<10240x128xf32, #tpu.memory_space<vmem_shared>>
        tpu.enqueue_indirect_dma source(%arg9 : memref<80x128xf32, #tpu.memory_space<vmem>>) target(%dma_start3A_27 : memref<10240x128xf32, #tpu.memory_space<vmem_shared>>) offsets(%arg8 : memref<80xi32, #tpu.memory_space<vmem>>) semaphore(%run_scoped3A : memref<!tpu.dma_semaphore, #tpu.memory_space<semaphore_mem>>) {add = true}
        %dma_wait3A_28 = arith.constant 0 : i32
        %dma_wait3A_29 = arith.constant 0 : i32
        %dma_wait3A_30 = tpu.memref_slice %arg10[%dma_wait3A_28, %dma_wait3A_29] : memref<10240x128xf32, #tpu.memory_space<vmem_shared>> -> memref<10240x128xf32, #tpu.memory_space<vmem_shared>>
        tpu.wait_indirect_dma semaphore(%run_scoped3A : memref<!tpu.dma_semaphore, #tpu.memory_space<semaphore_mem>>) src(%arg9 : memref<80x128xf32, #tpu.memory_space<vmem>>) dst(%dma_wait3A_30 : memref<10240x128xf32, #tpu.memory_space<vmem_shared>>)
        tpu.yield
      }) : () -> ()
    }
    %scan3A_11 = arith.constant 125 : i32
    %barrier3A_12 = arith.constant 0 : index
    tpu.barrier barrier_id(%barrier3A_12)
    %mul3A_13 = arith.constant 640 : i32
    %mul3A_14 = arith.muli %arg1, %mul3A_13 : i32
    %mul3A_15 = arith.constant 640 : i32
    %mul3A_16 = arith.muli %arg1, %mul3A_15 : i32
    "tpu.region"() ({
      %run_scoped3A = tpu.sem_alloc : memref<!tpu.dma_semaphore, #tpu.memory_space<semaphore_mem>>
      %dma_start3A = arith.constant 0 : i32
      %dma_start3A_17 = tpu.memref_slice %arg6[%arg0, %mul3A_16, %dma_start3A] : memref<2x10240x128xf32, #tpu.memory_space<hbm>> -> memref<1x640x128xf32, #tpu.memory_space<hbm>>
      %dma_start3A_18 = tpu.memref_squeeze %dma_start3A_17 : memref<1x640x128xf32, #tpu.memory_space<hbm>> -> memref<640x128xf32, #tpu.memory_space<hbm>>
      %dma_start3A_19 = arith.constant 0 : i32
      %dma_start3A_20 = tpu.memref_slice %arg10[%mul3A_14, %dma_start3A_19] : memref<10240x128xf32, #tpu.memory_space<vmem_shared>> -> memref<640x128xf32, #tpu.memory_space<vmem_shared>>
      tpu.enqueue_dma source(%dma_start3A_20 : memref<640x128xf32, #tpu.memory_space<vmem_shared>>) target(%dma_start3A_18 : memref<640x128xf32, #tpu.memory_space<hbm>>) target_semaphore(%run_scoped3A : memref<!tpu.dma_semaphore, #tpu.memory_space<semaphore_mem>>)
      %dma_wait3A = arith.constant 0 : i32
      %dma_wait3A_21 = tpu.memref_slice %arg6[%arg0, %mul3A_16, %dma_wait3A] : memref<2x10240x128xf32, #tpu.memory_space<hbm>> -> memref<1x640x128xf32, #tpu.memory_space<hbm>>
      %dma_wait3A_22 = tpu.memref_squeeze %dma_wait3A_21 : memref<1x640x128xf32, #tpu.memory_space<hbm>> -> memref<640x128xf32, #tpu.memory_space<hbm>>
      %dma_wait3A_23 = arith.constant 0 : i32
      %dma_wait3A_24 = tpu.memref_slice %arg10[%mul3A_14, %dma_wait3A_23] : memref<10240x128xf32, #tpu.memory_space<vmem_shared>> -> memref<640x128xf32, #tpu.memory_space<vmem_shared>>
      tpu.wait_dma2 semaphore(%run_scoped3A : memref<!tpu.dma_semaphore, #tpu.memory_space<semaphore_mem>>) src(%dma_wait3A_24 : memref<640x128xf32, #tpu.memory_space<vmem_shared>>) dst(%dma_wait3A_22 : memref<640x128xf32, #tpu.memory_space<hbm>>)
      tpu.yield
    }) : () -> ()
    return
  }
}

#map = affine_map<(d0, d1) -> (0, 0)>
#map1 = affine_map<(d0, d1) -> (0)>
#map2 = affine_map<(d0, d1) -> (0, 0, 0)>
module attributes {stable_mosaic.version = 14 : i64} {
  func.func @sc_kernel(%arg0: i32, %arg1: i32, %arg2: memref<10000x128xf32, #tpu.memory_space<hbm>>, %arg3: memref<10240xi32, #tpu.memory_space<hbm>>, %arg4: memref<10240xi32, #tpu.memory_space<hbm>>, %arg5: memref<128x128xf32, #tpu.memory_space<hbm>>, %arg6: memref<2x128x128xf32, #tpu.memory_space<hbm>>, %arg7: memref<80xi32, #tpu.memory_space<vmem>>, %arg8: memref<80xi32, #tpu.memory_space<vmem>>, %arg9: memref<80x128xf32, #tpu.memory_space<vmem>>, %arg10: memref<128x128xf32, #tpu.memory_space<vmem_shared>>, %arg11: memref<!tpu.dma_semaphore, #tpu.memory_space<semaphore_mem>>) attributes {dimension_semantics = [#tpu.dimension_semantics<core_parallel>, #tpu.dimension_semantics<subcore_parallel>], iteration_bounds = array<i64: 2, 16>, scalar_prefetch = 0 : i64, scratch_operands = 5 : i64, tpu.core_type = #tpu.core_type<sc_vector_subcore>, window_params = [{transform_indices = #map}, {transform_indices = #map1}, {transform_indices = #map1}, {transform_indices = #map}, {transform_indices = #map2}]} {
    %mul3A = arith.constant 16 : i32
    %mul3A_0 = arith.muli %arg0, %mul3A : i32
    %add3A = arith.addi %mul3A_0, %arg1 : i32
    %mul3A_1 = arith.constant 8 : i32
    %mul3A_2 = arith.muli %arg1, %mul3A_1 : i32
    %mul3A_3 = arith.constant 8 : i32
    %mul3A_4 = arith.muli %arg1, %mul3A_3 : i32
    "tpu.region"() ({
      %run_scoped3A = tpu.sem_alloc : memref<!tpu.dma_semaphore, #tpu.memory_space<semaphore_mem>>
      %dma_start3A = arith.constant 0 : i32
      %dma_start3A_17 = tpu.memref_slice %arg10[%mul3A_4, %dma_start3A] : memref<128x128xf32, #tpu.memory_space<vmem_shared>> -> memref<8x128xf32, #tpu.memory_space<vmem_shared>>
      %dma_start3A_18 = arith.constant 0 : i32
      %dma_start3A_19 = tpu.memref_slice %arg5[%mul3A_2, %dma_start3A_18] : memref<128x128xf32, #tpu.memory_space<hbm>> -> memref<8x128xf32, #tpu.memory_space<hbm>>
      tpu.enqueue_dma source(%dma_start3A_19 : memref<8x128xf32, #tpu.memory_space<hbm>>) target(%dma_start3A_17 : memref<8x128xf32, #tpu.memory_space<vmem_shared>>) target_semaphore(%run_scoped3A : memref<!tpu.dma_semaphore, #tpu.memory_space<semaphore_mem>>)
      %dma_wait3A = arith.constant 0 : i32
      %dma_wait3A_20 = tpu.memref_slice %arg10[%mul3A_4, %dma_wait3A] : memref<128x128xf32, #tpu.memory_space<vmem_shared>> -> memref<8x128xf32, #tpu.memory_space<vmem_shared>>
      %dma_wait3A_21 = arith.constant 0 : i32
      %dma_wait3A_22 = tpu.memref_slice %arg5[%mul3A_2, %dma_wait3A_21] : memref<128x128xf32, #tpu.memory_space<hbm>> -> memref<8x128xf32, #tpu.memory_space<hbm>>
      tpu.wait_dma2 semaphore(%run_scoped3A : memref<!tpu.dma_semaphore, #tpu.memory_space<semaphore_mem>>) src(%dma_wait3A_22 : memref<8x128xf32, #tpu.memory_space<hbm>>) dst(%dma_wait3A_20 : memref<8x128xf32, #tpu.memory_space<vmem_shared>>)
      tpu.yield
    }) : () -> ()
    %barrier3A = arith.constant 0 : index
    tpu.barrier barrier_id(%barrier3A)
    %mul3A_5 = arith.constant 320 : i32
    %mul3A_6 = arith.muli %add3A, %mul3A_5 : i32
    %scan3A = arith.constant 0 : i32
    %scan3A_7 = arith.constant 0 : i32
    %scan3A_8 = arith.constant 4 : i32
    %scan3A_9 = arith.addi %scan3A_7, %scan3A_8 : i32
    %scan3A_10 = arith.constant 1 : i32
    scf.for %scan3A_17 = %scan3A_7 to %scan3A_9 step %scan3A_10  : i32 {
      %mul3A_18 = arith.constant 80 : i32
      %mul3A_19 = arith.muli %scan3A_17, %mul3A_18 : i32
      %add3A_20 = arith.addi %mul3A_6, %mul3A_19 : i32
      %multiple_of3A = tpu.assume_multiple %add3A_20, 8 : i32
      "tpu.region"() ({
        %run_scoped3A = tpu.sem_alloc : memref<!tpu.dma_semaphore, #tpu.memory_space<semaphore_mem>>
        %dma_start3A_25 = tpu.memref_slice %arg3[%multiple_of3A] : memref<10240xi32, #tpu.memory_space<hbm>> -> memref<80xi32, #tpu.memory_space<hbm>>
        %dma_start3A_26 = tpu.memref_slice %arg3[%multiple_of3A] : memref<10240xi32, #tpu.memory_space<hbm>> -> memref<80xi32, #tpu.memory_space<hbm>>
        tpu.enqueue_dma source(%dma_start3A_26 : memref<80xi32, #tpu.memory_space<hbm>>) target(%arg7 : memref<80xi32, #tpu.memory_space<vmem>>) target_semaphore(%run_scoped3A : memref<!tpu.dma_semaphore, #tpu.memory_space<semaphore_mem>>)
        %dma_wait3A_27 = tpu.memref_slice %arg3[%multiple_of3A] : memref<10240xi32, #tpu.memory_space<hbm>> -> memref<80xi32, #tpu.memory_space<hbm>>
        %dma_wait3A_28 = tpu.memref_slice %arg3[%multiple_of3A] : memref<10240xi32, #tpu.memory_space<hbm>> -> memref<80xi32, #tpu.memory_space<hbm>>
        tpu.wait_dma2 semaphore(%run_scoped3A : memref<!tpu.dma_semaphore, #tpu.memory_space<semaphore_mem>>) src(%dma_wait3A_28 : memref<80xi32, #tpu.memory_space<hbm>>) dst(%arg7 : memref<80xi32, #tpu.memory_space<vmem>>)
        tpu.yield
      }) : () -> ()
      "tpu.region"() ({
        %run_scoped3A = tpu.sem_alloc : memref<!tpu.dma_semaphore, #tpu.memory_space<semaphore_mem>>
        %dma_start3A_25 = tpu.memref_slice %arg4[%multiple_of3A] : memref<10240xi32, #tpu.memory_space<hbm>> -> memref<80xi32, #tpu.memory_space<hbm>>
        %dma_start3A_26 = tpu.memref_slice %arg4[%multiple_of3A] : memref<10240xi32, #tpu.memory_space<hbm>> -> memref<80xi32, #tpu.memory_space<hbm>>
        tpu.enqueue_dma source(%dma_start3A_26 : memref<80xi32, #tpu.memory_space<hbm>>) target(%arg8 : memref<80xi32, #tpu.memory_space<vmem>>) target_semaphore(%run_scoped3A : memref<!tpu.dma_semaphore, #tpu.memory_space<semaphore_mem>>)
        %dma_wait3A_27 = tpu.memref_slice %arg4[%multiple_of3A] : memref<10240xi32, #tpu.memory_space<hbm>> -> memref<80xi32, #tpu.memory_space<hbm>>
        %dma_wait3A_28 = tpu.memref_slice %arg4[%multiple_of3A] : memref<10240xi32, #tpu.memory_space<hbm>> -> memref<80xi32, #tpu.memory_space<hbm>>
        tpu.wait_dma2 semaphore(%run_scoped3A : memref<!tpu.dma_semaphore, #tpu.memory_space<semaphore_mem>>) src(%dma_wait3A_28 : memref<80xi32, #tpu.memory_space<hbm>>) dst(%arg8 : memref<80xi32, #tpu.memory_space<vmem>>)
        tpu.yield
      }) : () -> ()
      %dma_start3A = arith.constant 0 : i32
      %dma_start3A_21 = arith.constant 0 : i32
      %dma_start3A_22 = tpu.memref_slice %arg2[%dma_start3A, %dma_start3A_21] : memref<10000x128xf32, #tpu.memory_space<hbm>> -> memref<10000x128xf32, #tpu.memory_space<hbm>>
      tpu.enqueue_indirect_dma source(%dma_start3A_22 : memref<10000x128xf32, #tpu.memory_space<hbm>>) target(%arg9 : memref<80x128xf32, #tpu.memory_space<vmem>>) offsets(%arg7 : memref<80xi32, #tpu.memory_space<vmem>>) semaphore(%arg11 : memref<!tpu.dma_semaphore, #tpu.memory_space<semaphore_mem>>)
      %dma_wait3A = arith.constant 0 : i32
      %dma_wait3A_23 = arith.constant 0 : i32
      %dma_wait3A_24 = tpu.memref_slice %arg2[%dma_wait3A, %dma_wait3A_23] : memref<10000x128xf32, #tpu.memory_space<hbm>> -> memref<10000x128xf32, #tpu.memory_space<hbm>>
      tpu.wait_indirect_dma semaphore(%arg11 : memref<!tpu.dma_semaphore, #tpu.memory_space<semaphore_mem>>) src(%dma_wait3A_24 : memref<10000x128xf32, #tpu.memory_space<hbm>>) dst(%arg9 : memref<80x128xf32, #tpu.memory_space<vmem>>)
      "tpu.region"() ({
        %run_scoped3A = tpu.sem_alloc : memref<!tpu.dma_semaphore, #tpu.memory_space<semaphore_mem>>
        %dma_start3A_25 = arith.constant 0 : i32
        %dma_start3A_26 = arith.constant 0 : i32
        %dma_start3A_27 = tpu.memref_slice %arg10[%dma_start3A_25, %dma_start3A_26] : memref<128x128xf32, #tpu.memory_space<vmem_shared>> -> memref<128x128xf32, #tpu.memory_space<vmem_shared>>
        tpu.enqueue_indirect_dma source(%arg9 : memref<80x128xf32, #tpu.memory_space<vmem>>) target(%dma_start3A_27 : memref<128x128xf32, #tpu.memory_space<vmem_shared>>) offsets(%arg8 : memref<80xi32, #tpu.memory_space<vmem>>) semaphore(%run_scoped3A : memref<!tpu.dma_semaphore, #tpu.memory_space<semaphore_mem>>) {add = true}
        %dma_wait3A_28 = arith.constant 0 : i32
        %dma_wait3A_29 = arith.constant 0 : i32
        %dma_wait3A_30 = tpu.memref_slice %arg10[%dma_wait3A_28, %dma_wait3A_29] : memref<128x128xf32, #tpu.memory_space<vmem_shared>> -> memref<128x128xf32, #tpu.memory_space<vmem_shared>>
        tpu.wait_indirect_dma semaphore(%run_scoped3A : memref<!tpu.dma_semaphore, #tpu.memory_space<semaphore_mem>>) src(%arg9 : memref<80x128xf32, #tpu.memory_space<vmem>>) dst(%dma_wait3A_30 : memref<128x128xf32, #tpu.memory_space<vmem_shared>>)
        tpu.yield
      }) : () -> ()
    }
    %scan3A_11 = arith.constant 4 : i32
    %barrier3A_12 = arith.constant 0 : index
    tpu.barrier barrier_id(%barrier3A_12)
    %mul3A_13 = arith.constant 8 : i32
    %mul3A_14 = arith.muli %arg1, %mul3A_13 : i32
    %mul3A_15 = arith.constant 8 : i32
    %mul3A_16 = arith.muli %arg1, %mul3A_15 : i32
    "tpu.region"() ({
      %run_scoped3A = tpu.sem_alloc : memref<!tpu.dma_semaphore, #tpu.memory_space<semaphore_mem>>
      %dma_start3A = arith.constant 0 : i32
      %dma_start3A_17 = tpu.memref_slice %arg6[%arg0, %mul3A_16, %dma_start3A] : memref<2x128x128xf32, #tpu.memory_space<hbm>> -> memref<1x8x128xf32, #tpu.memory_space<hbm>>
      %dma_start3A_18 = tpu.memref_squeeze %dma_start3A_17 : memref<1x8x128xf32, #tpu.memory_space<hbm>> -> memref<8x128xf32, #tpu.memory_space<hbm>>
      %dma_start3A_19 = arith.constant 0 : i32
      %dma_start3A_20 = tpu.memref_slice %arg10[%mul3A_14, %dma_start3A_19] : memref<128x128xf32, #tpu.memory_space<vmem_shared>> -> memref<8x128xf32, #tpu.memory_space<vmem_shared>>
      tpu.enqueue_dma source(%dma_start3A_20 : memref<8x128xf32, #tpu.memory_space<vmem_shared>>) target(%dma_start3A_18 : memref<8x128xf32, #tpu.memory_space<hbm>>) target_semaphore(%run_scoped3A : memref<!tpu.dma_semaphore, #tpu.memory_space<semaphore_mem>>)
      %dma_wait3A = arith.constant 0 : i32
      %dma_wait3A_21 = tpu.memref_slice %arg6[%arg0, %mul3A_16, %dma_wait3A] : memref<2x128x128xf32, #tpu.memory_space<hbm>> -> memref<1x8x128xf32, #tpu.memory_space<hbm>>
      %dma_wait3A_22 = tpu.memref_squeeze %dma_wait3A_21 : memref<1x8x128xf32, #tpu.memory_space<hbm>> -> memref<8x128xf32, #tpu.memory_space<hbm>>
      %dma_wait3A_23 = arith.constant 0 : i32
      %dma_wait3A_24 = tpu.memref_slice %arg10[%mul3A_14, %dma_wait3A_23] : memref<128x128xf32, #tpu.memory_space<vmem_shared>> -> memref<8x128xf32, #tpu.memory_space<vmem_shared>>
      tpu.wait_dma2 semaphore(%run_scoped3A : memref<!tpu.dma_semaphore, #tpu.memory_space<semaphore_mem>>) src(%dma_wait3A_24 : memref<8x128xf32, #tpu.memory_space<vmem_shared>>) dst(%dma_wait3A_22 : memref<8x128xf32, #tpu.memory_space<hbm>>)
      tpu.yield
    }) : () -> ()
    return
  }
}

#map = affine_map<(d0, d1) -> (0, 0)>
#map1 = affine_map<(d0, d1) -> (0)>
#map2 = affine_map<(d0, d1) -> (0, 0, 0)>
module attributes {stable_mosaic.version = 14 : i64} {
  func.func @sc_kernel(%arg0: i32, %arg1: i32, %arg2: memref<10000x128xf32, #tpu.memory_space<hbm>>, %arg3: memref<320000xi32, #tpu.memory_space<hbm>>, %arg4: memref<320000xi32, #tpu.memory_space<hbm>>, %arg5: memref<10240x128xf32, #tpu.memory_space<hbm>>, %arg6: memref<2x10240x128xf32, #tpu.memory_space<hbm>>, %arg7: memref<80xi32, #tpu.memory_space<vmem>>, %arg8: memref<80xi32, #tpu.memory_space<vmem>>, %arg9: memref<80x128xf32, #tpu.memory_space<vmem>>, %arg10: memref<10240x128xf32, #tpu.memory_space<vmem_shared>>, %arg11: memref<!tpu.dma_semaphore, #tpu.memory_space<semaphore_mem>>) attributes {dimension_semantics = [#tpu.dimension_semantics<core_parallel>, #tpu.dimension_semantics<subcore_parallel>], iteration_bounds = array<i64: 2, 16>, scalar_prefetch = 0 : i64, scratch_operands = 5 : i64, tpu.core_type = #tpu.core_type<sc_vector_subcore>, window_params = [{transform_indices = #map}, {transform_indices = #map1}, {transform_indices = #map1}, {transform_indices = #map}, {transform_indices = #map2}]} {
    %mul3A = arith.constant 16 : i32
    %mul3A_0 = arith.muli %arg0, %mul3A : i32
    %add3A = arith.addi %mul3A_0, %arg1 : i32
    %mul3A_1 = arith.constant 640 : i32
    %mul3A_2 = arith.muli %arg1, %mul3A_1 : i32
    %mul3A_3 = arith.constant 640 : i32
    %mul3A_4 = arith.muli %arg1, %mul3A_3 : i32
    "tpu.region"() ({
      %run_scoped3A = tpu.sem_alloc : memref<!tpu.dma_semaphore, #tpu.memory_space<semaphore_mem>>
      %dma_start3A = arith.constant 0 : i32
      %dma_start3A_17 = tpu.memref_slice %arg10[%mul3A_4, %dma_start3A] : memref<10240x128xf32, #tpu.memory_space<vmem_shared>> -> memref<640x128xf32, #tpu.memory_space<vmem_shared>>
      %dma_start3A_18 = arith.constant 0 : i32
      %dma_start3A_19 = tpu.memref_slice %arg5[%mul3A_2, %dma_start3A_18] : memref<10240x128xf32, #tpu.memory_space<hbm>> -> memref<640x128xf32, #tpu.memory_space<hbm>>
      tpu.enqueue_dma source(%dma_start3A_19 : memref<640x128xf32, #tpu.memory_space<hbm>>) target(%dma_start3A_17 : memref<640x128xf32, #tpu.memory_space<vmem_shared>>) target_semaphore(%run_scoped3A : memref<!tpu.dma_semaphore, #tpu.memory_space<semaphore_mem>>)
      %dma_wait3A = arith.constant 0 : i32
      %dma_wait3A_20 = tpu.memref_slice %arg10[%mul3A_4, %dma_wait3A] : memref<10240x128xf32, #tpu.memory_space<vmem_shared>> -> memref<640x128xf32, #tpu.memory_space<vmem_shared>>
      %dma_wait3A_21 = arith.constant 0 : i32
      %dma_wait3A_22 = tpu.memref_slice %arg5[%mul3A_2, %dma_wait3A_21] : memref<10240x128xf32, #tpu.memory_space<hbm>> -> memref<640x128xf32, #tpu.memory_space<hbm>>
      tpu.wait_dma2 semaphore(%run_scoped3A : memref<!tpu.dma_semaphore, #tpu.memory_space<semaphore_mem>>) src(%dma_wait3A_22 : memref<640x128xf32, #tpu.memory_space<hbm>>) dst(%dma_wait3A_20 : memref<640x128xf32, #tpu.memory_space<vmem_shared>>)
      tpu.yield
    }) : () -> ()
    %barrier3A = arith.constant 0 : index
    tpu.barrier barrier_id(%barrier3A)
    %mul3A_5 = arith.constant 10000 : i32
    %mul3A_6 = arith.muli %add3A, %mul3A_5 : i32
    %scan3A = arith.constant 0 : i32
    %scan3A_7 = arith.constant 0 : i32
    %scan3A_8 = arith.constant 125 : i32
    %scan3A_9 = arith.addi %scan3A_7, %scan3A_8 : i32
    %scan3A_10 = arith.constant 1 : i32
    scf.for %scan3A_17 = %scan3A_7 to %scan3A_9 step %scan3A_10  : i32 {
      %mul3A_18 = arith.constant 80 : i32
      %mul3A_19 = arith.muli %scan3A_17, %mul3A_18 : i32
      %add3A_20 = arith.addi %mul3A_6, %mul3A_19 : i32
      %multiple_of3A = tpu.assume_multiple %add3A_20, 8 : i32
      "tpu.region"() ({
        %run_scoped3A = tpu.sem_alloc : memref<!tpu.dma_semaphore, #tpu.memory_space<semaphore_mem>>
        %dma_start3A_25 = tpu.memref_slice %arg3[%multiple_of3A] : memref<320000xi32, #tpu.memory_space<hbm>> -> memref<80xi32, #tpu.memory_space<hbm>>
        %dma_start3A_26 = tpu.memref_slice %arg3[%multiple_of3A] : memref<320000xi32, #tpu.memory_space<hbm>> -> memref<80xi32, #tpu.memory_space<hbm>>
        tpu.enqueue_dma source(%dma_start3A_26 : memref<80xi32, #tpu.memory_space<hbm>>) target(%arg7 : memref<80xi32, #tpu.memory_space<vmem>>) target_semaphore(%run_scoped3A : memref<!tpu.dma_semaphore, #tpu.memory_space<semaphore_mem>>)
        %dma_wait3A_27 = tpu.memref_slice %arg3[%multiple_of3A] : memref<320000xi32, #tpu.memory_space<hbm>> -> memref<80xi32, #tpu.memory_space<hbm>>
        %dma_wait3A_28 = tpu.memref_slice %arg3[%multiple_of3A] : memref<320000xi32, #tpu.memory_space<hbm>> -> memref<80xi32, #tpu.memory_space<hbm>>
        tpu.wait_dma2 semaphore(%run_scoped3A : memref<!tpu.dma_semaphore, #tpu.memory_space<semaphore_mem>>) src(%dma_wait3A_28 : memref<80xi32, #tpu.memory_space<hbm>>) dst(%arg7 : memref<80xi32, #tpu.memory_space<vmem>>)
        tpu.yield
      }) : () -> ()
      "tpu.region"() ({
        %run_scoped3A = tpu.sem_alloc : memref<!tpu.dma_semaphore, #tpu.memory_space<semaphore_mem>>
        %dma_start3A_25 = tpu.memref_slice %arg4[%multiple_of3A] : memref<320000xi32, #tpu.memory_space<hbm>> -> memref<80xi32, #tpu.memory_space<hbm>>
        %dma_start3A_26 = tpu.memref_slice %arg4[%multiple_of3A] : memref<320000xi32, #tpu.memory_space<hbm>> -> memref<80xi32, #tpu.memory_space<hbm>>
        tpu.enqueue_dma source(%dma_start3A_26 : memref<80xi32, #tpu.memory_space<hbm>>) target(%arg8 : memref<80xi32, #tpu.memory_space<vmem>>) target_semaphore(%run_scoped3A : memref<!tpu.dma_semaphore, #tpu.memory_space<semaphore_mem>>)
        %dma_wait3A_27 = tpu.memref_slice %arg4[%multiple_of3A] : memref<320000xi32, #tpu.memory_space<hbm>> -> memref<80xi32, #tpu.memory_space<hbm>>
        %dma_wait3A_28 = tpu.memref_slice %arg4[%multiple_of3A] : memref<320000xi32, #tpu.memory_space<hbm>> -> memref<80xi32, #tpu.memory_space<hbm>>
        tpu.wait_dma2 semaphore(%run_scoped3A : memref<!tpu.dma_semaphore, #tpu.memory_space<semaphore_mem>>) src(%dma_wait3A_28 : memref<80xi32, #tpu.memory_space<hbm>>) dst(%arg8 : memref<80xi32, #tpu.memory_space<vmem>>)
        tpu.yield
      }) : () -> ()
      %dma_start3A = arith.constant 0 : i32
      %dma_start3A_21 = arith.constant 0 : i32
      %dma_start3A_22 = tpu.memref_slice %arg2[%dma_start3A, %dma_start3A_21] : memref<10000x128xf32, #tpu.memory_space<hbm>> -> memref<10000x128xf32, #tpu.memory_space<hbm>>
      tpu.enqueue_indirect_dma source(%dma_start3A_22 : memref<10000x128xf32, #tpu.memory_space<hbm>>) target(%arg9 : memref<80x128xf32, #tpu.memory_space<vmem>>) offsets(%arg7 : memref<80xi32, #tpu.memory_space<vmem>>) semaphore(%arg11 : memref<!tpu.dma_semaphore, #tpu.memory_space<semaphore_mem>>)
      %dma_wait3A = arith.constant 0 : i32
      %dma_wait3A_23 = arith.constant 0 : i32
      %dma_wait3A_24 = tpu.memref_slice %arg2[%dma_wait3A, %dma_wait3A_23] : memref<10000x128xf32, #tpu.memory_space<hbm>> -> memref<10000x128xf32, #tpu.memory_space<hbm>>
      tpu.wait_indirect_dma semaphore(%arg11 : memref<!tpu.dma_semaphore, #tpu.memory_space<semaphore_mem>>) src(%dma_wait3A_24 : memref<10000x128xf32, #tpu.memory_space<hbm>>) dst(%arg9 : memref<80x128xf32, #tpu.memory_space<vmem>>)
      "tpu.region"() ({
        %run_scoped3A = tpu.sem_alloc : memref<!tpu.dma_semaphore, #tpu.memory_space<semaphore_mem>>
        %dma_start3A_25 = arith.constant 0 : i32
        %dma_start3A_26 = arith.constant 0 : i32
        %dma_start3A_27 = tpu.memref_slice %arg10[%dma_start3A_25, %dma_start3A_26] : memref<10240x128xf32, #tpu.memory_space<vmem_shared>> -> memref<10240x128xf32, #tpu.memory_space<vmem_shared>>
        tpu.enqueue_indirect_dma source(%arg9 : memref<80x128xf32, #tpu.memory_space<vmem>>) target(%dma_start3A_27 : memref<10240x128xf32, #tpu.memory_space<vmem_shared>>) offsets(%arg8 : memref<80xi32, #tpu.memory_space<vmem>>) semaphore(%run_scoped3A : memref<!tpu.dma_semaphore, #tpu.memory_space<semaphore_mem>>) {add = true}
        %dma_wait3A_28 = arith.constant 0 : i32
        %dma_wait3A_29 = arith.constant 0 : i32
        %dma_wait3A_30 = tpu.memref_slice %arg10[%dma_wait3A_28, %dma_wait3A_29] : memref<10240x128xf32, #tpu.memory_space<vmem_shared>> -> memref<10240x128xf32, #tpu.memory_space<vmem_shared>>
        tpu.wait_indirect_dma semaphore(%run_scoped3A : memref<!tpu.dma_semaphore, #tpu.memory_space<semaphore_mem>>) src(%arg9 : memref<80x128xf32, #tpu.memory_space<vmem>>) dst(%dma_wait3A_30 : memref<10240x128xf32, #tpu.memory_space<vmem_shared>>)
        tpu.yield
      }) : () -> ()
    }
    %scan3A_11 = arith.constant 125 : i32
    %barrier3A_12 = arith.constant 0 : index
    tpu.barrier barrier_id(%barrier3A_12)
    %mul3A_13 = arith.constant 640 : i32
    %mul3A_14 = arith.muli %arg1, %mul3A_13 : i32
    %mul3A_15 = arith.constant 640 : i32
    %mul3A_16 = arith.muli %arg1, %mul3A_15 : i32
    "tpu.region"() ({
      %run_scoped3A = tpu.sem_alloc : memref<!tpu.dma_semaphore, #tpu.memory_space<semaphore_mem>>
      %dma_start3A = arith.constant 0 : i32
      %dma_start3A_17 = tpu.memref_slice %arg6[%arg0, %mul3A_16, %dma_start3A] : memref<2x10240x128xf32, #tpu.memory_space<hbm>> -> memref<1x640x128xf32, #tpu.memory_space<hbm>>
      %dma_start3A_18 = tpu.memref_squeeze %dma_start3A_17 : memref<1x640x128xf32, #tpu.memory_space<hbm>> -> memref<640x128xf32, #tpu.memory_space<hbm>>
      %dma_start3A_19 = arith.constant 0 : i32
      %dma_start3A_20 = tpu.memref_slice %arg10[%mul3A_14, %dma_start3A_19] : memref<10240x128xf32, #tpu.memory_space<vmem_shared>> -> memref<640x128xf32, #tpu.memory_space<vmem_shared>>
      tpu.enqueue_dma source(%dma_start3A_20 : memref<640x128xf32, #tpu.memory_space<vmem_shared>>) target(%dma_start3A_18 : memref<640x128xf32, #tpu.memory_space<hbm>>) target_semaphore(%run_scoped3A : memref<!tpu.dma_semaphore, #tpu.memory_space<semaphore_mem>>)
      %dma_wait3A = arith.constant 0 : i32
      %dma_wait3A_21 = tpu.memref_slice %arg6[%arg0, %mul3A_16, %dma_wait3A] : memref<2x10240x128xf32, #tpu.memory_space<hbm>> -> memref<1x640x128xf32, #tpu.memory_space<hbm>>
      %dma_wait3A_22 = tpu.memref_squeeze %dma_wait3A_21 : memref<1x640x128xf32, #tpu.memory_space<hbm>> -> memref<640x128xf32, #tpu.memory_space<hbm>>
      %dma_wait3A_23 = arith.constant 0 : i32
      %dma_wait3A_24 = tpu.memref_slice %arg10[%mul3A_14, %dma_wait3A_23] : memref<10240x128xf32, #tpu.memory_space<vmem_shared>> -> memref<640x128xf32, #tpu.memory_space<vmem_shared>>
      tpu.wait_dma2 semaphore(%run_scoped3A : memref<!tpu.dma_semaphore, #tpu.memory_space<semaphore_mem>>) src(%dma_wait3A_24 : memref<640x128xf32, #tpu.memory_space<vmem_shared>>) dst(%dma_wait3A_22 : memref<640x128xf32, #tpu.memory_space<hbm>>)
      tpu.yield
    }) : () -> ()
    return
  }
}

#map = affine_map<(d0, d1) -> (0, 0)>
#map1 = affine_map<(d0, d1) -> (0)>
#map2 = affine_map<(d0, d1) -> (0, 0, 0)>
module attributes {stable_mosaic.version = 14 : i64} {
  func.func @sc_kernel(%arg0: i32, %arg1: i32, %arg2: memref<10000x128xf32, #tpu.memory_space<hbm>>, %arg3: memref<320000xi32, #tpu.memory_space<hbm>>, %arg4: memref<320000xi32, #tpu.memory_space<hbm>>, %arg5: memref<10240x128xf32, #tpu.memory_space<hbm>>, %arg6: memref<2x10240x128xf32, #tpu.memory_space<hbm>>, %arg7: memref<80xi32, #tpu.memory_space<vmem>>, %arg8: memref<80xi32, #tpu.memory_space<vmem>>, %arg9: memref<80x128xf32, #tpu.memory_space<vmem>>, %arg10: memref<10240x128xf32, #tpu.memory_space<vmem_shared>>, %arg11: memref<!tpu.dma_semaphore, #tpu.memory_space<semaphore_mem>>) attributes {dimension_semantics = [#tpu.dimension_semantics<core_parallel>, #tpu.dimension_semantics<subcore_parallel>], iteration_bounds = array<i64: 2, 16>, scalar_prefetch = 0 : i64, scratch_operands = 5 : i64, tpu.core_type = #tpu.core_type<sc_vector_subcore>, window_params = [{transform_indices = #map}, {transform_indices = #map1}, {transform_indices = #map1}, {transform_indices = #map}, {transform_indices = #map2}]} {
    %mul3A = arith.constant 16 : i32
    %mul3A_0 = arith.muli %arg0, %mul3A : i32
    %add3A = arith.addi %mul3A_0, %arg1 : i32
    %mul3A_1 = arith.constant 640 : i32
    %mul3A_2 = arith.muli %arg1, %mul3A_1 : i32
    %mul3A_3 = arith.constant 640 : i32
    %mul3A_4 = arith.muli %arg1, %mul3A_3 : i32
    "tpu.region"() ({
      %run_scoped3A = tpu.sem_alloc : memref<!tpu.dma_semaphore, #tpu.memory_space<semaphore_mem>>
      %dma_start3A = arith.constant 0 : i32
      %dma_start3A_17 = tpu.memref_slice %arg10[%mul3A_4, %dma_start3A] : memref<10240x128xf32, #tpu.memory_space<vmem_shared>> -> memref<640x128xf32, #tpu.memory_space<vmem_shared>>
      %dma_start3A_18 = arith.constant 0 : i32
      %dma_start3A_19 = tpu.memref_slice %arg5[%mul3A_2, %dma_start3A_18] : memref<10240x128xf32, #tpu.memory_space<hbm>> -> memref<640x128xf32, #tpu.memory_space<hbm>>
      tpu.enqueue_dma source(%dma_start3A_19 : memref<640x128xf32, #tpu.memory_space<hbm>>) target(%dma_start3A_17 : memref<640x128xf32, #tpu.memory_space<vmem_shared>>) target_semaphore(%run_scoped3A : memref<!tpu.dma_semaphore, #tpu.memory_space<semaphore_mem>>)
      %dma_wait3A = arith.constant 0 : i32
      %dma_wait3A_20 = tpu.memref_slice %arg10[%mul3A_4, %dma_wait3A] : memref<10240x128xf32, #tpu.memory_space<vmem_shared>> -> memref<640x128xf32, #tpu.memory_space<vmem_shared>>
      %dma_wait3A_21 = arith.constant 0 : i32
      %dma_wait3A_22 = tpu.memref_slice %arg5[%mul3A_2, %dma_wait3A_21] : memref<10240x128xf32, #tpu.memory_space<hbm>> -> memref<640x128xf32, #tpu.memory_space<hbm>>
      tpu.wait_dma2 semaphore(%run_scoped3A : memref<!tpu.dma_semaphore, #tpu.memory_space<semaphore_mem>>) src(%dma_wait3A_22 : memref<640x128xf32, #tpu.memory_space<hbm>>) dst(%dma_wait3A_20 : memref<640x128xf32, #tpu.memory_space<vmem_shared>>)
      tpu.yield
    }) : () -> ()
    %barrier3A = arith.constant 0 : index
    tpu.barrier barrier_id(%barrier3A)
    %mul3A_5 = arith.constant 10000 : i32
    %mul3A_6 = arith.muli %add3A, %mul3A_5 : i32
    %scan3A = arith.constant 0 : i32
    %scan3A_7 = arith.constant 0 : i32
    %scan3A_8 = arith.constant 125 : i32
    %scan3A_9 = arith.addi %scan3A_7, %scan3A_8 : i32
    %scan3A_10 = arith.constant 1 : i32
    scf.for %scan3A_17 = %scan3A_7 to %scan3A_9 step %scan3A_10  : i32 {
      %mul3A_18 = arith.constant 80 : i32
      %mul3A_19 = arith.muli %scan3A_17, %mul3A_18 : i32
      %add3A_20 = arith.addi %mul3A_6, %mul3A_19 : i32
      %multiple_of3A = tpu.assume_multiple %add3A_20, 8 : i32
      "tpu.region"() ({
        %run_scoped3A = tpu.sem_alloc : memref<!tpu.dma_semaphore, #tpu.memory_space<semaphore_mem>>
        %dma_start3A_25 = tpu.memref_slice %arg3[%multiple_of3A] : memref<320000xi32, #tpu.memory_space<hbm>> -> memref<80xi32, #tpu.memory_space<hbm>>
        %dma_start3A_26 = tpu.memref_slice %arg3[%multiple_of3A] : memref<320000xi32, #tpu.memory_space<hbm>> -> memref<80xi32, #tpu.memory_space<hbm>>
        tpu.enqueue_dma source(%dma_start3A_26 : memref<80xi32, #tpu.memory_space<hbm>>) target(%arg7 : memref<80xi32, #tpu.memory_space<vmem>>) target_semaphore(%run_scoped3A : memref<!tpu.dma_semaphore, #tpu.memory_space<semaphore_mem>>)
        %dma_wait3A_27 = tpu.memref_slice %arg3[%multiple_of3A] : memref<320000xi32, #tpu.memory_space<hbm>> -> memref<80xi32, #tpu.memory_space<hbm>>
        %dma_wait3A_28 = tpu.memref_slice %arg3[%multiple_of3A] : memref<320000xi32, #tpu.memory_space<hbm>> -> memref<80xi32, #tpu.memory_space<hbm>>
        tpu.wait_dma2 semaphore(%run_scoped3A : memref<!tpu.dma_semaphore, #tpu.memory_space<semaphore_mem>>) src(%dma_wait3A_28 : memref<80xi32, #tpu.memory_space<hbm>>) dst(%arg7 : memref<80xi32, #tpu.memory_space<vmem>>)
        tpu.yield
      }) : () -> ()
      "tpu.region"() ({
        %run_scoped3A = tpu.sem_alloc : memref<!tpu.dma_semaphore, #tpu.memory_space<semaphore_mem>>
        %dma_start3A_25 = tpu.memref_slice %arg4[%multiple_of3A] : memref<320000xi32, #tpu.memory_space<hbm>> -> memref<80xi32, #tpu.memory_space<hbm>>
        %dma_start3A_26 = tpu.memref_slice %arg4[%multiple_of3A] : memref<320000xi32, #tpu.memory_space<hbm>> -> memref<80xi32, #tpu.memory_space<hbm>>
        tpu.enqueue_dma source(%dma_start3A_26 : memref<80xi32, #tpu.memory_space<hbm>>) target(%arg8 : memref<80xi32, #tpu.memory_space<vmem>>) target_semaphore(%run_scoped3A : memref<!tpu.dma_semaphore, #tpu.memory_space<semaphore_mem>>)
        %dma_wait3A_27 = tpu.memref_slice %arg4[%multiple_of3A] : memref<320000xi32, #tpu.memory_space<hbm>> -> memref<80xi32, #tpu.memory_space<hbm>>
        %dma_wait3A_28 = tpu.memref_slice %arg4[%multiple_of3A] : memref<320000xi32, #tpu.memory_space<hbm>> -> memref<80xi32, #tpu.memory_space<hbm>>
        tpu.wait_dma2 semaphore(%run_scoped3A : memref<!tpu.dma_semaphore, #tpu.memory_space<semaphore_mem>>) src(%dma_wait3A_28 : memref<80xi32, #tpu.memory_space<hbm>>) dst(%arg8 : memref<80xi32, #tpu.memory_space<vmem>>)
        tpu.yield
      }) : () -> ()
      %dma_start3A = arith.constant 0 : i32
      %dma_start3A_21 = arith.constant 0 : i32
      %dma_start3A_22 = tpu.memref_slice %arg2[%dma_start3A, %dma_start3A_21] : memref<10000x128xf32, #tpu.memory_space<hbm>> -> memref<10000x128xf32, #tpu.memory_space<hbm>>
      tpu.enqueue_indirect_dma source(%dma_start3A_22 : memref<10000x128xf32, #tpu.memory_space<hbm>>) target(%arg9 : memref<80x128xf32, #tpu.memory_space<vmem>>) offsets(%arg7 : memref<80xi32, #tpu.memory_space<vmem>>) semaphore(%arg11 : memref<!tpu.dma_semaphore, #tpu.memory_space<semaphore_mem>>)
      %dma_wait3A = arith.constant 0 : i32
      %dma_wait3A_23 = arith.constant 0 : i32
      %dma_wait3A_24 = tpu.memref_slice %arg2[%dma_wait3A, %dma_wait3A_23] : memref<10000x128xf32, #tpu.memory_space<hbm>> -> memref<10000x128xf32, #tpu.memory_space<hbm>>
      tpu.wait_indirect_dma semaphore(%arg11 : memref<!tpu.dma_semaphore, #tpu.memory_space<semaphore_mem>>) src(%dma_wait3A_24 : memref<10000x128xf32, #tpu.memory_space<hbm>>) dst(%arg9 : memref<80x128xf32, #tpu.memory_space<vmem>>)
      "tpu.region"() ({
        %run_scoped3A = tpu.sem_alloc : memref<!tpu.dma_semaphore, #tpu.memory_space<semaphore_mem>>
        %dma_start3A_25 = arith.constant 0 : i32
        %dma_start3A_26 = arith.constant 0 : i32
        %dma_start3A_27 = tpu.memref_slice %arg10[%dma_start3A_25, %dma_start3A_26] : memref<10240x128xf32, #tpu.memory_space<vmem_shared>> -> memref<10240x128xf32, #tpu.memory_space<vmem_shared>>
        tpu.enqueue_indirect_dma source(%arg9 : memref<80x128xf32, #tpu.memory_space<vmem>>) target(%dma_start3A_27 : memref<10240x128xf32, #tpu.memory_space<vmem_shared>>) offsets(%arg8 : memref<80xi32, #tpu.memory_space<vmem>>) semaphore(%run_scoped3A : memref<!tpu.dma_semaphore, #tpu.memory_space<semaphore_mem>>) {add = true}
        %dma_wait3A_28 = arith.constant 0 : i32
        %dma_wait3A_29 = arith.constant 0 : i32
        %dma_wait3A_30 = tpu.memref_slice %arg10[%dma_wait3A_28, %dma_wait3A_29] : memref<10240x128xf32, #tpu.memory_space<vmem_shared>> -> memref<10240x128xf32, #tpu.memory_space<vmem_shared>>
        tpu.wait_indirect_dma semaphore(%run_scoped3A : memref<!tpu.dma_semaphore, #tpu.memory_space<semaphore_mem>>) src(%arg9 : memref<80x128xf32, #tpu.memory_space<vmem>>) dst(%dma_wait3A_30 : memref<10240x128xf32, #tpu.memory_space<vmem_shared>>)
        tpu.yield
      }) : () -> ()
    }
    %scan3A_11 = arith.constant 125 : i32
    %barrier3A_12 = arith.constant 0 : index
    tpu.barrier barrier_id(%barrier3A_12)
    %mul3A_13 = arith.constant 640 : i32
    %mul3A_14 = arith.muli %arg1, %mul3A_13 : i32
    %mul3A_15 = arith.constant 640 : i32
    %mul3A_16 = arith.muli %arg1, %mul3A_15 : i32
    "tpu.region"() ({
      %run_scoped3A = tpu.sem_alloc : memref<!tpu.dma_semaphore, #tpu.memory_space<semaphore_mem>>
      %dma_start3A = arith.constant 0 : i32
      %dma_start3A_17 = tpu.memref_slice %arg6[%arg0, %mul3A_16, %dma_start3A] : memref<2x10240x128xf32, #tpu.memory_space<hbm>> -> memref<1x640x128xf32, #tpu.memory_space<hbm>>
      %dma_start3A_18 = tpu.memref_squeeze %dma_start3A_17 : memref<1x640x128xf32, #tpu.memory_space<hbm>> -> memref<640x128xf32, #tpu.memory_space<hbm>>
      %dma_start3A_19 = arith.constant 0 : i32
      %dma_start3A_20 = tpu.memref_slice %arg10[%mul3A_14, %dma_start3A_19] : memref<10240x128xf32, #tpu.memory_space<vmem_shared>> -> memref<640x128xf32, #tpu.memory_space<vmem_shared>>
      tpu.enqueue_dma source(%dma_start3A_20 : memref<640x128xf32, #tpu.memory_space<vmem_shared>>) target(%dma_start3A_18 : memref<640x128xf32, #tpu.memory_space<hbm>>) target_semaphore(%run_scoped3A : memref<!tpu.dma_semaphore, #tpu.memory_space<semaphore_mem>>)
      %dma_wait3A = arith.constant 0 : i32
      %dma_wait3A_21 = tpu.memref_slice %arg6[%arg0, %mul3A_16, %dma_wait3A] : memref<2x10240x128xf32, #tpu.memory_space<hbm>> -> memref<1x640x128xf32, #tpu.memory_space<hbm>>
      %dma_wait3A_22 = tpu.memref_squeeze %dma_wait3A_21 : memref<1x640x128xf32, #tpu.memory_space<hbm>> -> memref<640x128xf32, #tpu.memory_space<hbm>>
      %dma_wait3A_23 = arith.constant 0 : i32
      %dma_wait3A_24 = tpu.memref_slice %arg10[%mul3A_14, %dma_wait3A_23] : memref<10240x128xf32, #tpu.memory_space<vmem_shared>> -> memref<640x128xf32, #tpu.memory_space<vmem_shared>>
      tpu.wait_dma2 semaphore(%run_scoped3A : memref<!tpu.dma_semaphore, #tpu.memory_space<semaphore_mem>>) src(%dma_wait3A_24 : memref<640x128xf32, #tpu.memory_space<vmem_shared>>) dst(%dma_wait3A_22 : memref<640x128xf32, #tpu.memory_space<hbm>>)
      tpu.yield
    }) : () -> ()
    return
  }
}

module attributes {stable_mosaic.version = 14 : i64} {
  func.func @_kan_pair_body(%arg0: i32, %arg1: memref<400x128xf32, #tpu.memory_space<vmem>>, %arg2: memref<2x400x128xf32, #tpu.memory_space<vmem>>, %arg3: memref<128x128xf32, #tpu.memory_space<vmem>>, %arg4: memref<1024x128xf32, #tpu.memory_space<vmem>>, %arg5: memref<128x128xf32, #tpu.memory_space<vmem>>, %arg6: memref<1024x128xf32, #tpu.memory_space<vmem>>, %arg7: memref<400x128xf32, #tpu.memory_space<vmem>>, %arg8: memref<1x128xf32, #tpu.memory_space<vmem>>, %arg9: memref<1x128xf32, #tpu.memory_space<vmem>>) attributes {dimension_semantics = [#tpu.dimension_semantics<arbitrary>], iteration_bounds = array<i64: 25>, scalar_prefetch = 0 : i64, scratch_operands = 0 : i64, tpu.core_type = #tpu.core_type<tc>, window_params = [{transform_indices = @transform_0, window_bounds = array<i64: 400, 128>}, {transform_indices = @transform_1, window_bounds = array<i64: 2, 400, 128>}, {pipeline_mode = #tpu.pipeline_mode<synchronous>, transform_indices = @transform_2, window_bounds = array<i64: 128, 128>}, {pipeline_mode = #tpu.pipeline_mode<synchronous>, transform_indices = @transform_3, window_bounds = array<i64: 1024, 128>}, {pipeline_mode = #tpu.pipeline_mode<synchronous>, transform_indices = @transform_4, window_bounds = array<i64: 128, 128>}, {pipeline_mode = #tpu.pipeline_mode<synchronous>, transform_indices = @transform_5, window_bounds = array<i64: 1024, 128>}, {transform_indices = @transform_6, window_bounds = array<i64: 400, 128>}, {pipeline_mode = #tpu.pipeline_mode<synchronous>, transform_indices = @transform_7, window_bounds = array<i64: 1, 128>}, {pipeline_mode = #tpu.pipeline_mode<synchronous>, transform_indices = @transform_8, window_bounds = array<i64: 1, 128>}]} {
    %get3A = arith.constant 0 : index
    %get3A_0 = arith.constant 0 : index
    %get3A_1 = vector.load %arg1[%get3A, %get3A_0] : memref<400x128xf32, #tpu.memory_space<vmem>>, vector<400x128xf32>
    %get3A_2 = arith.constant 0 : index
    %get3A_3 = arith.constant 0 : index
    %get3A_4 = arith.constant 0 : index
    %get3A_5 = vector.load %arg2[%get3A_2, %get3A_3, %get3A_4] : memref<2x400x128xf32, #tpu.memory_space<vmem>>, vector<1x400x128xf32>
    %get3A_6 = vector.shape_cast %get3A_5 : vector<1x400x128xf32> to vector<400x128xf32>
    %add3A = arith.addf %get3A_1, %get3A_6 : vector<400x128xf32>
    %get3A_7 = arith.constant 1 : index
    %get3A_8 = arith.constant 0 : index
    %get3A_9 = arith.constant 0 : index
    %get3A_10 = vector.load %arg2[%get3A_7, %get3A_8, %get3A_9] : memref<2x400x128xf32, #tpu.memory_space<vmem>>, vector<1x400x128xf32>
    %get3A_11 = vector.shape_cast %get3A_10 : vector<1x400x128xf32> to vector<400x128xf32>
    %add3A_12 = arith.addf %add3A, %get3A_11 : vector<400x128xf32>
    %get3A_13 = arith.constant 0 : index
    %get3A_14 = arith.constant 0 : index
    %get3A_15 = vector.load %arg3[%get3A_13, %get3A_14] : memref<128x128xf32, #tpu.memory_space<vmem>>, vector<128x128xf32>
    %get3A_16 = arith.constant 0 : index
    %get3A_17 = arith.constant 0 : index
    %get3A_18 = vector.load %arg4[%get3A_16, %get3A_17] : memref<1024x128xf32, #tpu.memory_space<vmem>>, vector<1024x128xf32>
    %logistic3A = arith.negf %add3A_12 : vector<400x128xf32>
    %logistic3A_19 = math.exp %logistic3A : vector<400x128xf32>
    %logistic3A_20 = arith.constant 1.000000e+00 : f32
    %logistic3A_21 = vector.broadcast %logistic3A_20 : f32 to vector<400x128xf32>
    %logistic3A_22 = arith.addf %logistic3A_21, %logistic3A_19 : vector<400x128xf32>
    %logistic3A_23 = arith.divf %logistic3A_21, %logistic3A_22 : vector<400x128xf32>
    %mul3A = arith.mulf %add3A_12, %logistic3A_23 : vector<400x128xf32>
    %dot_general3A = arith.constant dense<0.000000e+00> : vector<400x128xf32>
    %dot_general3A_24 = tpu.matmul %mul3A, %get3A_15, %dot_general3A {dimension_numbers = #tpu.dot_dimension_numbers<[1], [0], [0], [1], [0, 0, 1, 1], [], []>, transpose_lhs_hint = false} : vector<400x128xf32>, vector<128x128xf32>, vector<400x128xf32> -> vector<400x128xf32>
    %broadcast_in_dim3A = vector.shape_cast %add3A_12 : vector<400x128xf32> to vector<400x128x1xf32>
    %broadcast_in_dim3A_25 = vector.broadcast %broadcast_in_dim3A : vector<400x128x1xf32> to vector<400x128x8xf32>
    %reshape3A = vector.shape_cast %broadcast_in_dim3A_25 : vector<400x128x8xf32> to vector<400x1024xf32>
    %iota3A = tpu.iota {dimensions = array<i32: 1>} : vector<400x1024xi32>
    %jit3A = arith.constant 8 : i32
    %eq3A = arith.constant 0 : i32
    %eq3A_26 = arith.cmpi eq, %jit3A, %eq3A : i32
    %jit3A_27 = arith.constant 1 : i32
    %select_n3A = arith.select %eq3A_26, %jit3A_27, %jit3A : i32
    %rem3A = vector.broadcast %select_n3A : i32 to vector<400x1024xi32>
    %rem3A_28 = arith.remsi %iota3A, %rem3A : vector<400x1024xi32>
    %ne3A = arith.constant 0 : i32
    %ne3A_29 = vector.broadcast %ne3A : i32 to vector<400x1024xi32>
    %ne3A_30 = arith.cmpi ne, %rem3A_28, %ne3A_29 : vector<400x1024xi32>
    %lt3A = arith.constant 0 : i32
    %lt3A_31 = vector.broadcast %lt3A : i32 to vector<400x1024xi32>
    %lt3A_32 = arith.cmpi slt, %rem3A_28, %lt3A_31 : vector<400x1024xi32>
    %lt3A_33 = arith.constant 0 : i32
    %lt3A_34 = arith.cmpi slt, %select_n3A, %lt3A_33 : i32
    %ne3A_35 = vector.broadcast %lt3A_34 : i1 to vector<400x1024xi1>
    %ne3A_36 = vector.broadcast %ne3A_35 : vector<400x1024xi1> to vector<400x1024xi1>
    %ne3A_37 = arith.xori %lt3A_32, %ne3A_36 : vector<400x1024xi1>
    %and3A = arith.andi %ne3A_37, %ne3A_30 : vector<400x1024xi1>
    %add3A_38 = vector.broadcast %select_n3A : i32 to vector<400x1024xi32>
    %add3A_39 = arith.addi %rem3A_28, %add3A_38 : vector<400x1024xi32>
    %select_n3A_40 = arith.select %and3A, %add3A_39, %rem3A_28 : vector<400x1024xi1>, vector<400x1024xi32>
    %convert_element_type3A = arith.sitofp %select_n3A_40 : vector<400x1024xi32> to vector<400x1024xf32>
    %add3A_41 = arith.constant -3.000000e+00 : f32
    %add3A_42 = vector.broadcast %add3A_41 : f32 to vector<400x1024xf32>
    %add3A_43 = arith.addf %convert_element_type3A, %add3A_42 : vector<400x1024xf32>
    %mul3A_44 = arith.constant 4.000000e-01 : f32
    %mul3A_45 = vector.broadcast %mul3A_44 : f32 to vector<400x1024xf32>
    %mul3A_46 = arith.mulf %add3A_43, %mul3A_45 : vector<400x1024xf32>
    %sub3A = arith.constant 1.000000e+00 : f32
    %sub3A_47 = vector.broadcast %sub3A : f32 to vector<400x1024xf32>
    %sub3A_48 = arith.subf %mul3A_46, %sub3A_47 : vector<400x1024xf32>
    %add3A_49 = arith.constant -2.000000e+00 : f32
    %add3A_50 = vector.broadcast %add3A_49 : f32 to vector<400x1024xf32>
    %add3A_51 = arith.addf %convert_element_type3A, %add3A_50 : vector<400x1024xf32>
    %mul3A_52 = arith.constant 4.000000e-01 : f32
    %mul3A_53 = vector.broadcast %mul3A_52 : f32 to vector<400x1024xf32>
    %mul3A_54 = arith.mulf %add3A_51, %mul3A_53 : vector<400x1024xf32>
    %sub3A_55 = arith.constant 1.000000e+00 : f32
    %sub3A_56 = vector.broadcast %sub3A_55 : f32 to vector<400x1024xf32>
    %sub3A_57 = arith.subf %mul3A_54, %sub3A_56 : vector<400x1024xf32>
    %add3A_58 = arith.constant -1.000000e+00 : f32
    %add3A_59 = vector.broadcast %add3A_58 : f32 to vector<400x1024xf32>
    %add3A_60 = arith.addf %convert_element_type3A, %add3A_59 : vector<400x1024xf32>
    %mul3A_61 = arith.constant 4.000000e-01 : f32
    %mul3A_62 = vector.broadcast %mul3A_61 : f32 to vector<400x1024xf32>
    %mul3A_63 = arith.mulf %add3A_60, %mul3A_62 : vector<400x1024xf32>
    %sub3A_64 = arith.constant 1.000000e+00 : f32
    %sub3A_65 = vector.broadcast %sub3A_64 : f32 to vector<400x1024xf32>
    %sub3A_66 = arith.subf %mul3A_63, %sub3A_65 : vector<400x1024xf32>
    %add3A_67 = arith.constant 0.000000e+00 : f32
    %add3A_68 = vector.broadcast %add3A_67 : f32 to vector<400x1024xf32>
    %add3A_69 = arith.addf %convert_element_type3A, %add3A_68 : vector<400x1024xf32>
    %mul3A_70 = arith.constant 4.000000e-01 : f32
    %mul3A_71 = vector.broadcast %mul3A_70 : f32 to vector<400x1024xf32>
    %mul3A_72 = arith.mulf %add3A_69, %mul3A_71 : vector<400x1024xf32>
    %sub3A_73 = arith.constant 1.000000e+00 : f32
    %sub3A_74 = vector.broadcast %sub3A_73 : f32 to vector<400x1024xf32>
    %sub3A_75 = arith.subf %mul3A_72, %sub3A_74 : vector<400x1024xf32>
    %add3A_76 = arith.constant 1.000000e+00 : f32
    %add3A_77 = vector.broadcast %add3A_76 : f32 to vector<400x1024xf32>
    %add3A_78 = arith.addf %convert_element_type3A, %add3A_77 : vector<400x1024xf32>
    %mul3A_79 = arith.constant 4.000000e-01 : f32
    %mul3A_80 = vector.broadcast %mul3A_79 : f32 to vector<400x1024xf32>
    %mul3A_81 = arith.mulf %add3A_78, %mul3A_80 : vector<400x1024xf32>
    %sub3A_82 = arith.constant 1.000000e+00 : f32
    %sub3A_83 = vector.broadcast %sub3A_82 : f32 to vector<400x1024xf32>
    %sub3A_84 = arith.subf %mul3A_81, %sub3A_83 : vector<400x1024xf32>
    %ge3A = arith.cmpf oge, %reshape3A, %sub3A_48 : vector<400x1024xf32>
    %lt3A_85 = arith.cmpf olt, %reshape3A, %sub3A_57 : vector<400x1024xf32>
    %and3A_86 = arith.andi %ge3A, %lt3A_85 : vector<400x1024xi1>
    %jit3A_87 = arith.constant 1.000000e+00 : f32
    %jit3A_88 = arith.constant 0.000000e+00 : f32
    %broadcast_in_dim3A_89 = vector.broadcast %jit3A_87 : f32 to vector<400x1024xf32>
    %broadcast_in_dim3A_90 = vector.broadcast %jit3A_88 : f32 to vector<400x1024xf32>
    %select_n3A_91 = arith.select %and3A_86, %broadcast_in_dim3A_89, %broadcast_in_dim3A_90 : vector<400x1024xi1>, vector<400x1024xf32>
    %ge3A_92 = arith.cmpf oge, %reshape3A, %sub3A_57 : vector<400x1024xf32>
    %lt3A_93 = arith.cmpf olt, %reshape3A, %sub3A_66 : vector<400x1024xf32>
    %and3A_94 = arith.andi %ge3A_92, %lt3A_93 : vector<400x1024xi1>
    %jit3A_95 = arith.constant 1.000000e+00 : f32
    %jit3A_96 = arith.constant 0.000000e+00 : f32
    %broadcast_in_dim3A_97 = vector.broadcast %jit3A_95 : f32 to vector<400x1024xf32>
    %broadcast_in_dim3A_98 = vector.broadcast %jit3A_96 : f32 to vector<400x1024xf32>
    %select_n3A_99 = arith.select %and3A_94, %broadcast_in_dim3A_97, %broadcast_in_dim3A_98 : vector<400x1024xi1>, vector<400x1024xf32>
    %ge3A_100 = arith.cmpf oge, %reshape3A, %sub3A_66 : vector<400x1024xf32>
    %lt3A_101 = arith.cmpf olt, %reshape3A, %sub3A_75 : vector<400x1024xf32>
    %and3A_102 = arith.andi %ge3A_100, %lt3A_101 : vector<400x1024xi1>
    %jit3A_103 = arith.constant 1.000000e+00 : f32
    %jit3A_104 = arith.constant 0.000000e+00 : f32
    %broadcast_in_dim3A_105 = vector.broadcast %jit3A_103 : f32 to vector<400x1024xf32>
    %broadcast_in_dim3A_106 = vector.broadcast %jit3A_104 : f32 to vector<400x1024xf32>
    %select_n3A_107 = arith.select %and3A_102, %broadcast_in_dim3A_105, %broadcast_in_dim3A_106 : vector<400x1024xi1>, vector<400x1024xf32>
    %ge3A_108 = arith.cmpf oge, %reshape3A, %sub3A_75 : vector<400x1024xf32>
    %lt3A_109 = arith.cmpf olt, %reshape3A, %sub3A_84 : vector<400x1024xf32>
    %and3A_110 = arith.andi %ge3A_108, %lt3A_109 : vector<400x1024xi1>
    %jit3A_111 = arith.constant 1.000000e+00 : f32
    %jit3A_112 = arith.constant 0.000000e+00 : f32
    %broadcast_in_dim3A_113 = vector.broadcast %jit3A_111 : f32 to vector<400x1024xf32>
    %broadcast_in_dim3A_114 = vector.broadcast %jit3A_112 : f32 to vector<400x1024xf32>
    %select_n3A_115 = arith.select %and3A_110, %broadcast_in_dim3A_113, %broadcast_in_dim3A_114 : vector<400x1024xi1>, vector<400x1024xf32>
    %sub3A_116 = arith.subf %reshape3A, %sub3A_48 : vector<400x1024xf32>
    %sub3A_117 = arith.subf %sub3A_57, %sub3A_48 : vector<400x1024xf32>
    %div3A = arith.divf %sub3A_116, %sub3A_117 : vector<400x1024xf32>
    %mul3A_118 = arith.mulf %div3A, %select_n3A_91 : vector<400x1024xf32>
    %sub3A_119 = arith.subf %sub3A_66, %reshape3A : vector<400x1024xf32>
    %sub3A_120 = arith.subf %sub3A_66, %sub3A_57 : vector<400x1024xf32>
    %div3A_121 = arith.divf %sub3A_119, %sub3A_120 : vector<400x1024xf32>
    %mul3A_122 = arith.mulf %div3A_121, %select_n3A_99 : vector<400x1024xf32>
    %add3A_123 = arith.addf %mul3A_118, %mul3A_122 : vector<400x1024xf32>
    %sub3A_124 = arith.subf %reshape3A, %sub3A_57 : vector<400x1024xf32>
    %sub3A_125 = arith.subf %sub3A_66, %sub3A_57 : vector<400x1024xf32>
    %div3A_126 = arith.divf %sub3A_124, %sub3A_125 : vector<400x1024xf32>
    %mul3A_127 = arith.mulf %div3A_126, %select_n3A_99 : vector<400x1024xf32>
    %sub3A_128 = arith.subf %sub3A_75, %reshape3A : vector<400x1024xf32>
    %sub3A_129 = arith.subf %sub3A_75, %sub3A_66 : vector<400x1024xf32>
    %div3A_130 = arith.divf %sub3A_128, %sub3A_129 : vector<400x1024xf32>
    %mul3A_131 = arith.mulf %div3A_130, %select_n3A_107 : vector<400x1024xf32>
    %add3A_132 = arith.addf %mul3A_127, %mul3A_131 : vector<400x1024xf32>
    %sub3A_133 = arith.subf %reshape3A, %sub3A_66 : vector<400x1024xf32>
    %sub3A_134 = arith.subf %sub3A_75, %sub3A_66 : vector<400x1024xf32>
    %div3A_135 = arith.divf %sub3A_133, %sub3A_134 : vector<400x1024xf32>
    %mul3A_136 = arith.mulf %div3A_135, %select_n3A_107 : vector<400x1024xf32>
    %sub3A_137 = arith.subf %sub3A_84, %reshape3A : vector<400x1024xf32>
    %sub3A_138 = arith.subf %sub3A_84, %sub3A_75 : vector<400x1024xf32>
    %div3A_139 = arith.divf %sub3A_137, %sub3A_138 : vector<400x1024xf32>
    %mul3A_140 = arith.mulf %div3A_139, %select_n3A_115 : vector<400x1024xf32>
    %add3A_141 = arith.addf %mul3A_136, %mul3A_140 : vector<400x1024xf32>
    %sub3A_142 = arith.subf %reshape3A, %sub3A_48 : vector<400x1024xf32>
    %sub3A_143 = arith.subf %sub3A_66, %sub3A_48 : vector<400x1024xf32>
    %div3A_144 = arith.divf %sub3A_142, %sub3A_143 : vector<400x1024xf32>
    %mul3A_145 = arith.mulf %div3A_144, %add3A_123 : vector<400x1024xf32>
    %sub3A_146 = arith.subf %sub3A_75, %reshape3A : vector<400x1024xf32>
    %sub3A_147 = arith.subf %sub3A_75, %sub3A_57 : vector<400x1024xf32>
    %div3A_148 = arith.divf %sub3A_146, %sub3A_147 : vector<400x1024xf32>
    %mul3A_149 = arith.mulf %div3A_148, %add3A_132 : vector<400x1024xf32>
    %add3A_150 = arith.addf %mul3A_145, %mul3A_149 : vector<400x1024xf32>
    %sub3A_151 = arith.subf %reshape3A, %sub3A_57 : vector<400x1024xf32>
    %sub3A_152 = arith.subf %sub3A_75, %sub3A_57 : vector<400x1024xf32>
    %div3A_153 = arith.divf %sub3A_151, %sub3A_152 : vector<400x1024xf32>
    %mul3A_154 = arith.mulf %div3A_153, %add3A_132 : vector<400x1024xf32>
    %sub3A_155 = arith.subf %sub3A_84, %reshape3A : vector<400x1024xf32>
    %sub3A_156 = arith.subf %sub3A_84, %sub3A_66 : vector<400x1024xf32>
    %div3A_157 = arith.divf %sub3A_155, %sub3A_156 : vector<400x1024xf32>
    %mul3A_158 = arith.mulf %div3A_157, %add3A_141 : vector<400x1024xf32>
    %add3A_159 = arith.addf %mul3A_154, %mul3A_158 : vector<400x1024xf32>
    %sub3A_160 = arith.subf %reshape3A, %sub3A_48 : vector<400x1024xf32>
    %sub3A_161 = arith.subf %sub3A_75, %sub3A_48 : vector<400x1024xf32>
    %div3A_162 = arith.divf %sub3A_160, %sub3A_161 : vector<400x1024xf32>
    %mul3A_163 = arith.mulf %div3A_162, %add3A_150 : vector<400x1024xf32>
    %sub3A_164 = arith.subf %sub3A_84, %reshape3A : vector<400x1024xf32>
    %sub3A_165 = arith.subf %sub3A_84, %sub3A_57 : vector<400x1024xf32>
    %div3A_166 = arith.divf %sub3A_164, %sub3A_165 : vector<400x1024xf32>
    %mul3A_167 = arith.mulf %div3A_166, %add3A_159 : vector<400x1024xf32>
    %add3A_168 = arith.addf %mul3A_163, %mul3A_167 : vector<400x1024xf32>
    %dot_general3A_169 = arith.constant dense<0.000000e+00> : vector<400x128xf32>
    %dot_general3A_170 = tpu.matmul %add3A_168, %get3A_18, %dot_general3A_169 {dimension_numbers = #tpu.dot_dimension_numbers<[1], [0], [0], [1], [0, 0, 1, 1], [], []>, transpose_lhs_hint = false} : vector<400x1024xf32>, vector<1024x128xf32>, vector<400x128xf32> -> vector<400x128xf32>
    %add3A_171 = arith.addf %dot_general3A_24, %dot_general3A_170 : vector<400x128xf32>
    %get3A_172 = arith.constant 0 : index
    %get3A_173 = arith.constant 0 : index
    %get3A_174 = vector.load %arg5[%get3A_172, %get3A_173] : memref<128x128xf32, #tpu.memory_space<vmem>>, vector<128x128xf32>
    %get3A_175 = arith.constant 0 : index
    %get3A_176 = arith.constant 0 : index
    %get3A_177 = vector.load %arg6[%get3A_175, %get3A_176] : memref<1024x128xf32, #tpu.memory_space<vmem>>, vector<1024x128xf32>
    %logistic3A_178 = arith.negf %add3A_171 : vector<400x128xf32>
    %logistic3A_179 = math.exp %logistic3A_178 : vector<400x128xf32>
    %logistic3A_180 = arith.constant 1.000000e+00 : f32
    %logistic3A_181 = vector.broadcast %logistic3A_180 : f32 to vector<400x128xf32>
    %logistic3A_182 = arith.addf %logistic3A_181, %logistic3A_179 : vector<400x128xf32>
    %logistic3A_183 = arith.divf %logistic3A_181, %logistic3A_182 : vector<400x128xf32>
    %mul3A_184 = arith.mulf %add3A_171, %logistic3A_183 : vector<400x128xf32>
    %dot_general3A_185 = arith.constant dense<0.000000e+00> : vector<400x128xf32>
    %dot_general3A_186 = tpu.matmul %mul3A_184, %get3A_174, %dot_general3A_185 {dimension_numbers = #tpu.dot_dimension_numbers<[1], [0], [0], [1], [0, 0, 1, 1], [], []>, transpose_lhs_hint = false} : vector<400x128xf32>, vector<128x128xf32>, vector<400x128xf32> -> vector<400x128xf32>
    %broadcast_in_dim3A_187 = vector.shape_cast %add3A_171 : vector<400x128xf32> to vector<400x128x1xf32>
    %broadcast_in_dim3A_188 = vector.broadcast %broadcast_in_dim3A_187 : vector<400x128x1xf32> to vector<400x128x8xf32>
    %reshape3A_189 = vector.shape_cast %broadcast_in_dim3A_188 : vector<400x128x8xf32> to vector<400x1024xf32>
    %iota3A_190 = tpu.iota {dimensions = array<i32: 1>} : vector<400x1024xi32>
    %jit3A_191 = arith.constant 8 : i32
    %eq3A_192 = arith.constant 0 : i32
    %eq3A_193 = arith.cmpi eq, %jit3A_191, %eq3A_192 : i32
    %jit3A_194 = arith.constant 1 : i32
    %select_n3A_195 = arith.select %eq3A_193, %jit3A_194, %jit3A_191 : i32
    %rem3A_196 = vector.broadcast %select_n3A_195 : i32 to vector<400x1024xi32>
    %rem3A_197 = arith.remsi %iota3A_190, %rem3A_196 : vector<400x1024xi32>
    %ne3A_198 = arith.constant 0 : i32
    %ne3A_199 = vector.broadcast %ne3A_198 : i32 to vector<400x1024xi32>
    %ne3A_200 = arith.cmpi ne, %rem3A_197, %ne3A_199 : vector<400x1024xi32>
    %lt3A_201 = arith.constant 0 : i32
    %lt3A_202 = vector.broadcast %lt3A_201 : i32 to vector<400x1024xi32>
    %lt3A_203 = arith.cmpi slt, %rem3A_197, %lt3A_202 : vector<400x1024xi32>
    %lt3A_204 = arith.constant 0 : i32
    %lt3A_205 = arith.cmpi slt, %select_n3A_195, %lt3A_204 : i32
    %ne3A_206 = vector.broadcast %lt3A_205 : i1 to vector<400x1024xi1>
    %ne3A_207 = vector.broadcast %ne3A_206 : vector<400x1024xi1> to vector<400x1024xi1>
    %ne3A_208 = arith.xori %lt3A_203, %ne3A_207 : vector<400x1024xi1>
    %and3A_209 = arith.andi %ne3A_208, %ne3A_200 : vector<400x1024xi1>
    %add3A_210 = vector.broadcast %select_n3A_195 : i32 to vector<400x1024xi32>
    %add3A_211 = arith.addi %rem3A_197, %add3A_210 : vector<400x1024xi32>
    %select_n3A_212 = arith.select %and3A_209, %add3A_211, %rem3A_197 : vector<400x1024xi1>, vector<400x1024xi32>
    %convert_element_type3A_213 = arith.sitofp %select_n3A_212 : vector<400x1024xi32> to vector<400x1024xf32>
    %add3A_214 = arith.constant -3.000000e+00 : f32
    %add3A_215 = vector.broadcast %add3A_214 : f32 to vector<400x1024xf32>
    %add3A_216 = arith.addf %convert_element_type3A_213, %add3A_215 : vector<400x1024xf32>
    %mul3A_217 = arith.constant 4.000000e-01 : f32
    %mul3A_218 = vector.broadcast %mul3A_217 : f32 to vector<400x1024xf32>
    %mul3A_219 = arith.mulf %add3A_216, %mul3A_218 : vector<400x1024xf32>
    %sub3A_220 = arith.constant 1.000000e+00 : f32
    %sub3A_221 = vector.broadcast %sub3A_220 : f32 to vector<400x1024xf32>
    %sub3A_222 = arith.subf %mul3A_219, %sub3A_221 : vector<400x1024xf32>
    %add3A_223 = arith.constant -2.000000e+00 : f32
    %add3A_224 = vector.broadcast %add3A_223 : f32 to vector<400x1024xf32>
    %add3A_225 = arith.addf %convert_element_type3A_213, %add3A_224 : vector<400x1024xf32>
    %mul3A_226 = arith.constant 4.000000e-01 : f32
    %mul3A_227 = vector.broadcast %mul3A_226 : f32 to vector<400x1024xf32>
    %mul3A_228 = arith.mulf %add3A_225, %mul3A_227 : vector<400x1024xf32>
    %sub3A_229 = arith.constant 1.000000e+00 : f32
    %sub3A_230 = vector.broadcast %sub3A_229 : f32 to vector<400x1024xf32>
    %sub3A_231 = arith.subf %mul3A_228, %sub3A_230 : vector<400x1024xf32>
    %add3A_232 = arith.constant -1.000000e+00 : f32
    %add3A_233 = vector.broadcast %add3A_232 : f32 to vector<400x1024xf32>
    %add3A_234 = arith.addf %convert_element_type3A_213, %add3A_233 : vector<400x1024xf32>
    %mul3A_235 = arith.constant 4.000000e-01 : f32
    %mul3A_236 = vector.broadcast %mul3A_235 : f32 to vector<400x1024xf32>
    %mul3A_237 = arith.mulf %add3A_234, %mul3A_236 : vector<400x1024xf32>
    %sub3A_238 = arith.constant 1.000000e+00 : f32
    %sub3A_239 = vector.broadcast %sub3A_238 : f32 to vector<400x1024xf32>
    %sub3A_240 = arith.subf %mul3A_237, %sub3A_239 : vector<400x1024xf32>
    %add3A_241 = arith.constant 0.000000e+00 : f32
    %add3A_242 = vector.broadcast %add3A_241 : f32 to vector<400x1024xf32>
    %add3A_243 = arith.addf %convert_element_type3A_213, %add3A_242 : vector<400x1024xf32>
    %mul3A_244 = arith.constant 4.000000e-01 : f32
    %mul3A_245 = vector.broadcast %mul3A_244 : f32 to vector<400x1024xf32>
    %mul3A_246 = arith.mulf %add3A_243, %mul3A_245 : vector<400x1024xf32>
    %sub3A_247 = arith.constant 1.000000e+00 : f32
    %sub3A_248 = vector.broadcast %sub3A_247 : f32 to vector<400x1024xf32>
    %sub3A_249 = arith.subf %mul3A_246, %sub3A_248 : vector<400x1024xf32>
    %add3A_250 = arith.constant 1.000000e+00 : f32
    %add3A_251 = vector.broadcast %add3A_250 : f32 to vector<400x1024xf32>
    %add3A_252 = arith.addf %convert_element_type3A_213, %add3A_251 : vector<400x1024xf32>
    %mul3A_253 = arith.constant 4.000000e-01 : f32
    %mul3A_254 = vector.broadcast %mul3A_253 : f32 to vector<400x1024xf32>
    %mul3A_255 = arith.mulf %add3A_252, %mul3A_254 : vector<400x1024xf32>
    %sub3A_256 = arith.constant 1.000000e+00 : f32
    %sub3A_257 = vector.broadcast %sub3A_256 : f32 to vector<400x1024xf32>
    %sub3A_258 = arith.subf %mul3A_255, %sub3A_257 : vector<400x1024xf32>
    %ge3A_259 = arith.cmpf oge, %reshape3A_189, %sub3A_222 : vector<400x1024xf32>
    %lt3A_260 = arith.cmpf olt, %reshape3A_189, %sub3A_231 : vector<400x1024xf32>
    %and3A_261 = arith.andi %ge3A_259, %lt3A_260 : vector<400x1024xi1>
    %jit3A_262 = arith.constant 1.000000e+00 : f32
    %jit3A_263 = arith.constant 0.000000e+00 : f32
    %broadcast_in_dim3A_264 = vector.broadcast %jit3A_262 : f32 to vector<400x1024xf32>
    %broadcast_in_dim3A_265 = vector.broadcast %jit3A_263 : f32 to vector<400x1024xf32>
    %select_n3A_266 = arith.select %and3A_261, %broadcast_in_dim3A_264, %broadcast_in_dim3A_265 : vector<400x1024xi1>, vector<400x1024xf32>
    %ge3A_267 = arith.cmpf oge, %reshape3A_189, %sub3A_231 : vector<400x1024xf32>
    %lt3A_268 = arith.cmpf olt, %reshape3A_189, %sub3A_240 : vector<400x1024xf32>
    %and3A_269 = arith.andi %ge3A_267, %lt3A_268 : vector<400x1024xi1>
    %jit3A_270 = arith.constant 1.000000e+00 : f32
    %jit3A_271 = arith.constant 0.000000e+00 : f32
    %broadcast_in_dim3A_272 = vector.broadcast %jit3A_270 : f32 to vector<400x1024xf32>
    %broadcast_in_dim3A_273 = vector.broadcast %jit3A_271 : f32 to vector<400x1024xf32>
    %select_n3A_274 = arith.select %and3A_269, %broadcast_in_dim3A_272, %broadcast_in_dim3A_273 : vector<400x1024xi1>, vector<400x1024xf32>
    %ge3A_275 = arith.cmpf oge, %reshape3A_189, %sub3A_240 : vector<400x1024xf32>
    %lt3A_276 = arith.cmpf olt, %reshape3A_189, %sub3A_249 : vector<400x1024xf32>
    %and3A_277 = arith.andi %ge3A_275, %lt3A_276 : vector<400x1024xi1>
    %jit3A_278 = arith.constant 1.000000e+00 : f32
    %jit3A_279 = arith.constant 0.000000e+00 : f32
    %broadcast_in_dim3A_280 = vector.broadcast %jit3A_278 : f32 to vector<400x1024xf32>
    %broadcast_in_dim3A_281 = vector.broadcast %jit3A_279 : f32 to vector<400x1024xf32>
    %select_n3A_282 = arith.select %and3A_277, %broadcast_in_dim3A_280, %broadcast_in_dim3A_281 : vector<400x1024xi1>, vector<400x1024xf32>
    %ge3A_283 = arith.cmpf oge, %reshape3A_189, %sub3A_249 : vector<400x1024xf32>
    %lt3A_284 = arith.cmpf olt, %reshape3A_189, %sub3A_258 : vector<400x1024xf32>
    %and3A_285 = arith.andi %ge3A_283, %lt3A_284 : vector<400x1024xi1>
    %jit3A_286 = arith.constant 1.000000e+00 : f32
    %jit3A_287 = arith.constant 0.000000e+00 : f32
    %broadcast_in_dim3A_288 = vector.broadcast %jit3A_286 : f32 to vector<400x1024xf32>
    %broadcast_in_dim3A_289 = vector.broadcast %jit3A_287 : f32 to vector<400x1024xf32>
    %select_n3A_290 = arith.select %and3A_285, %broadcast_in_dim3A_288, %broadcast_in_dim3A_289 : vector<400x1024xi1>, vector<400x1024xf32>
    %sub3A_291 = arith.subf %reshape3A_189, %sub3A_222 : vector<400x1024xf32>
    %sub3A_292 = arith.subf %sub3A_231, %sub3A_222 : vector<400x1024xf32>
    %div3A_293 = arith.divf %sub3A_291, %sub3A_292 : vector<400x1024xf32>
    %mul3A_294 = arith.mulf %div3A_293, %select_n3A_266 : vector<400x1024xf32>
    %sub3A_295 = arith.subf %sub3A_240, %reshape3A_189 : vector<400x1024xf32>
    %sub3A_296 = arith.subf %sub3A_240, %sub3A_231 : vector<400x1024xf32>
    %div3A_297 = arith.divf %sub3A_295, %sub3A_296 : vector<400x1024xf32>
    %mul3A_298 = arith.mulf %div3A_297, %select_n3A_274 : vector<400x1024xf32>
    %add3A_299 = arith.addf %mul3A_294, %mul3A_298 : vector<400x1024xf32>
    %sub3A_300 = arith.subf %reshape3A_189, %sub3A_231 : vector<400x1024xf32>
    %sub3A_301 = arith.subf %sub3A_240, %sub3A_231 : vector<400x1024xf32>
    %div3A_302 = arith.divf %sub3A_300, %sub3A_301 : vector<400x1024xf32>
    %mul3A_303 = arith.mulf %div3A_302, %select_n3A_274 : vector<400x1024xf32>
    %sub3A_304 = arith.subf %sub3A_249, %reshape3A_189 : vector<400x1024xf32>
    %sub3A_305 = arith.subf %sub3A_249, %sub3A_240 : vector<400x1024xf32>
    %div3A_306 = arith.divf %sub3A_304, %sub3A_305 : vector<400x1024xf32>
    %mul3A_307 = arith.mulf %div3A_306, %select_n3A_282 : vector<400x1024xf32>
    %add3A_308 = arith.addf %mul3A_303, %mul3A_307 : vector<400x1024xf32>
    %sub3A_309 = arith.subf %reshape3A_189, %sub3A_240 : vector<400x1024xf32>
    %sub3A_310 = arith.subf %sub3A_249, %sub3A_240 : vector<400x1024xf32>
    %div3A_311 = arith.divf %sub3A_309, %sub3A_310 : vector<400x1024xf32>
    %mul3A_312 = arith.mulf %div3A_311, %select_n3A_282 : vector<400x1024xf32>
    %sub3A_313 = arith.subf %sub3A_258, %reshape3A_189 : vector<400x1024xf32>
    %sub3A_314 = arith.subf %sub3A_258, %sub3A_249 : vector<400x1024xf32>
    %div3A_315 = arith.divf %sub3A_313, %sub3A_314 : vector<400x1024xf32>
    %mul3A_316 = arith.mulf %div3A_315, %select_n3A_290 : vector<400x1024xf32>
    %add3A_317 = arith.addf %mul3A_312, %mul3A_316 : vector<400x1024xf32>
    %sub3A_318 = arith.subf %reshape3A_189, %sub3A_222 : vector<400x1024xf32>
    %sub3A_319 = arith.subf %sub3A_240, %sub3A_222 : vector<400x1024xf32>
    %div3A_320 = arith.divf %sub3A_318, %sub3A_319 : vector<400x1024xf32>
    %mul3A_321 = arith.mulf %div3A_320, %add3A_299 : vector<400x1024xf32>
    %sub3A_322 = arith.subf %sub3A_249, %reshape3A_189 : vector<400x1024xf32>
    %sub3A_323 = arith.subf %sub3A_249, %sub3A_231 : vector<400x1024xf32>
    %div3A_324 = arith.divf %sub3A_322, %sub3A_323 : vector<400x1024xf32>
    %mul3A_325 = arith.mulf %div3A_324, %add3A_308 : vector<400x1024xf32>
    %add3A_326 = arith.addf %mul3A_321, %mul3A_325 : vector<400x1024xf32>
    %sub3A_327 = arith.subf %reshape3A_189, %sub3A_231 : vector<400x1024xf32>
    %sub3A_328 = arith.subf %sub3A_249, %sub3A_231 : vector<400x1024xf32>
    %div3A_329 = arith.divf %sub3A_327, %sub3A_328 : vector<400x1024xf32>
    %mul3A_330 = arith.mulf %div3A_329, %add3A_308 : vector<400x1024xf32>
    %sub3A_331 = arith.subf %sub3A_258, %reshape3A_189 : vector<400x1024xf32>
    %sub3A_332 = arith.subf %sub3A_258, %sub3A_240 : vector<400x1024xf32>
    %div3A_333 = arith.divf %sub3A_331, %sub3A_332 : vector<400x1024xf32>
    %mul3A_334 = arith.mulf %div3A_333, %add3A_317 : vector<400x1024xf32>
    %add3A_335 = arith.addf %mul3A_330, %mul3A_334 : vector<400x1024xf32>
    %sub3A_336 = arith.subf %reshape3A_189, %sub3A_222 : vector<400x1024xf32>
    %sub3A_337 = arith.subf %sub3A_249, %sub3A_222 : vector<400x1024xf32>
    %div3A_338 = arith.divf %sub3A_336, %sub3A_337 : vector<400x1024xf32>
    %mul3A_339 = arith.mulf %div3A_338, %add3A_326 : vector<400x1024xf32>
    %sub3A_340 = arith.subf %sub3A_258, %reshape3A_189 : vector<400x1024xf32>
    %sub3A_341 = arith.subf %sub3A_258, %sub3A_231 : vector<400x1024xf32>
    %div3A_342 = arith.divf %sub3A_340, %sub3A_341 : vector<400x1024xf32>
    %mul3A_343 = arith.mulf %div3A_342, %add3A_335 : vector<400x1024xf32>
    %add3A_344 = arith.addf %mul3A_339, %mul3A_343 : vector<400x1024xf32>
    %dot_general3A_345 = arith.constant dense<0.000000e+00> : vector<400x128xf32>
    %dot_general3A_346 = tpu.matmul %add3A_344, %get3A_177, %dot_general3A_345 {dimension_numbers = #tpu.dot_dimension_numbers<[1], [0], [0], [1], [0, 0, 1, 1], [], []>, transpose_lhs_hint = false} : vector<400x1024xf32>, vector<1024x128xf32>, vector<400x128xf32> -> vector<400x128xf32>
    %add3A_347 = arith.addf %dot_general3A_186, %dot_general3A_346 : vector<400x128xf32>
    %swap3A = arith.constant 0 : index
    %swap3A_348 = arith.constant 0 : index
    %swap3A_349 = vector.load %arg7[%swap3A, %swap3A_348] : memref<400x128xf32, #tpu.memory_space<vmem>>, vector<400x128xf32>
    tpu.vector_store %arg7[%swap3A, %swap3A_348], %add3A_347 {strides = array<i32>} : memref<400x128xf32, #tpu.memory_space<vmem>>, vector<400x128xf32>,
    %reduce_sum3A = arith.constant dense<0.000000e+00> : vector<128xf32>
    %reduce_sum3A_350 = vector.multi_reduction <add>, %add3A_347, %reduce_sum3A [0] : vector<400x128xf32> to vector<128xf32>
    %broadcast_in_dim3A_351 = vector.shape_cast %reduce_sum3A_350 : vector<128xf32> to vector<1x128xf32>
    %mul3A_352 = arith.mulf %add3A_347, %add3A_347 : vector<400x128xf32>
    %reduce_sum3A_353 = arith.constant dense<0.000000e+00> : vector<128xf32>
    %reduce_sum3A_354 = vector.multi_reduction <add>, %mul3A_352, %reduce_sum3A_353 [0] : vector<400x128xf32> to vector<128xf32>
    %broadcast_in_dim3A_355 = vector.shape_cast %reduce_sum3A_354 : vector<128xf32> to vector<1x128xf32>
    %eq3A_356 = arith.constant 0 : i32
    %eq3A_357 = arith.cmpi eq, %arg0, %eq3A_356 : i32
    %convert_element_type3A_358 = arith.extui %eq3A_357 : i1 to i32
    %cond3A = arith.constant 0 : i32
    %cond3A_359 = arith.cmpi ne, %convert_element_type3A_358, %cond3A : i32
    scf.if %cond3A_359 {
      %swap3A_364 = arith.constant 0 : index
      %swap3A_365 = arith.constant 0 : index
      %swap3A_366 = vector.load %arg8[%swap3A_364, %swap3A_365] : memref<1x128xf32, #tpu.memory_space<vmem>>, vector<1x128xf32>
      tpu.vector_store %arg8[%swap3A_364, %swap3A_365], %broadcast_in_dim3A_351 {strides = array<i32>} : memref<1x128xf32, #tpu.memory_space<vmem>>, vector<1x128xf32>,
      %swap3A_367 = arith.constant 0 : index
      %swap3A_368 = arith.constant 0 : index
      %swap3A_369 = vector.load %arg9[%swap3A_367, %swap3A_368] : memref<1x128xf32, #tpu.memory_space<vmem>>, vector<1x128xf32>
      tpu.vector_store %arg9[%swap3A_367, %swap3A_368], %broadcast_in_dim3A_355 {strides = array<i32>} : memref<1x128xf32, #tpu.memory_space<vmem>>, vector<1x128xf32>,
    } else {
    }
    %gt3A = arith.constant 0 : i32
    %gt3A_360 = arith.cmpi sgt, %arg0, %gt3A : i32
    %convert_element_type3A_361 = arith.extui %gt3A_360 : i1 to i32
    %cond3A_362 = arith.constant 0 : i32
    %cond3A_363 = arith.cmpi ne, %convert_element_type3A_361, %cond3A_362 : i32
    scf.if %cond3A_363 {
      %get3A_364 = arith.constant 0 : index
      %get3A_365 = arith.constant 0 : index
      %get3A_366 = vector.load %arg8[%get3A_364, %get3A_365] : memref<1x128xf32, #tpu.memory_space<vmem>>, vector<1x128xf32>
      %add3A_367 = arith.addf %get3A_366, %broadcast_in_dim3A_351 : vector<1x128xf32>
      %swap3A_368 = arith.constant 0 : index
      %swap3A_369 = arith.constant 0 : index
      %swap3A_370 = vector.load %arg8[%swap3A_368, %swap3A_369] : memref<1x128xf32, #tpu.memory_space<vmem>>, vector<1x128xf32>
      tpu.vector_store %arg8[%swap3A_368, %swap3A_369], %add3A_367 {strides = array<i32>} : memref<1x128xf32, #tpu.memory_space<vmem>>, vector<1x128xf32>,
      %get3A_371 = arith.constant 0 : index
      %get3A_372 = arith.constant 0 : index
      %get3A_373 = vector.load %arg9[%get3A_371, %get3A_372] : memref<1x128xf32, #tpu.memory_space<vmem>>, vector<1x128xf32>
      %add3A_374 = arith.addf %get3A_373, %broadcast_in_dim3A_355 : vector<1x128xf32>
      %swap3A_375 = arith.constant 0 : index
      %swap3A_376 = arith.constant 0 : index
      %swap3A_377 = vector.load %arg9[%swap3A_375, %swap3A_376] : memref<1x128xf32, #tpu.memory_space<vmem>>, vector<1x128xf32>
      tpu.vector_store %arg9[%swap3A_375, %swap3A_376], %add3A_374 {strides = array<i32>} : memref<1x128xf32, #tpu.memory_space<vmem>>, vector<1x128xf32>,
    } else {
    }
    return
  }
  func.func @transform_0(%arg0: i32) -> (i32, i32) {
    %c0_i32 = arith.constant 0 : i32
    %c0_i32_0 = arith.constant 0 : i32
    return %arg0, %c0_i32 : i32, i32
  }
  func.func @transform_1(%arg0: i32) -> (i32, i32, i32) {
    %c0_i32 = arith.constant 0 : i32
    %c0_i32_0 = arith.constant 0 : i32
    %c0_i32_1 = arith.constant 0 : i32
    return %c0_i32, %arg0, %c0_i32_0 : i32, i32, i32
  }
  func.func @transform_2(%arg0: i32) -> (i32, i32) {
    %c0_i32 = arith.constant 0 : i32
    %c0_i32_0 = arith.constant 0 : i32
    %c0_i32_1 = arith.constant 0 : i32
    return %c0_i32, %c0_i32_0 : i32, i32
  }
  func.func @transform_3(%arg0: i32) -> (i32, i32) {
    %c0_i32 = arith.constant 0 : i32
    %c0_i32_0 = arith.constant 0 : i32
    %c0_i32_1 = arith.constant 0 : i32
    return %c0_i32, %c0_i32_0 : i32, i32
  }
  func.func @transform_4(%arg0: i32) -> (i32, i32) {
    %c0_i32 = arith.constant 0 : i32
    %c0_i32_0 = arith.constant 0 : i32
    %c0_i32_1 = arith.constant 0 : i32
    return %c0_i32, %c0_i32_0 : i32, i32
  }
  func.func @transform_5(%arg0: i32) -> (i32, i32) {
    %c0_i32 = arith.constant 0 : i32
    %c0_i32_0 = arith.constant 0 : i32
    %c0_i32_1 = arith.constant 0 : i32
    return %c0_i32, %c0_i32_0 : i32, i32
  }
  func.func @transform_6(%arg0: i32) -> (i32, i32) {
    %c0_i32 = arith.constant 0 : i32
    %c0_i32_0 = arith.constant 0 : i32
    return %arg0, %c0_i32 : i32, i32
  }
  func.func @transform_7(%arg0: i32) -> (i32, i32) {
    %c0_i32 = arith.constant 0 : i32
    %c0_i32_0 = arith.constant 0 : i32
    %c0_i32_1 = arith.constant 0 : i32
    return %c0_i32, %c0_i32_0 : i32, i32
  }
  func.func @transform_8(%arg0: i32) -> (i32, i32) {
    %c0_i32 = arith.constant 0 : i32
    %c0_i32_0 = arith.constant 0 : i32
    %c0_i32_1 = arith.constant 0 : i32
    return %c0_i32, %c0_i32_0 : i32, i32
  }
}

module attributes {stable_mosaic.version = 14 : i64} {
  func.func @_bn_body(%arg0: i32, %arg1: memref<400x128xf32, #tpu.memory_space<vmem>>, %arg2: memref<1x128xf32, #tpu.memory_space<vmem>>, %arg3: memref<1x128xf32, #tpu.memory_space<vmem>>, %arg4: memref<1x128xf32, #tpu.memory_space<vmem>>, %arg5: memref<1x128xf32, #tpu.memory_space<vmem>>, %arg6: memref<400x128xf32, #tpu.memory_space<vmem>>) attributes {dimension_semantics = [#tpu.dimension_semantics<arbitrary>], iteration_bounds = array<i64: 25>, scalar_prefetch = 0 : i64, scratch_operands = 0 : i64, tpu.core_type = #tpu.core_type<tc>, window_params = [{transform_indices = @transform_0, window_bounds = array<i64: 400, 128>}, {pipeline_mode = #tpu.pipeline_mode<synchronous>, transform_indices = @transform_1, window_bounds = array<i64: 1, 128>}, {pipeline_mode = #tpu.pipeline_mode<synchronous>, transform_indices = @transform_2, window_bounds = array<i64: 1, 128>}, {pipeline_mode = #tpu.pipeline_mode<synchronous>, transform_indices = @transform_3, window_bounds = array<i64: 1, 128>}, {pipeline_mode = #tpu.pipeline_mode<synchronous>, transform_indices = @transform_4, window_bounds = array<i64: 1, 128>}, {transform_indices = @transform_5, window_bounds = array<i64: 400, 128>}]} {
    %get3A = arith.constant 0 : index
    %get3A_0 = arith.constant 0 : index
    %get3A_1 = vector.load %arg2[%get3A, %get3A_0] : memref<1x128xf32, #tpu.memory_space<vmem>>, vector<1x128xf32>
    %mul3A = arith.constant 9.99999974E-5 : f32
    %mul3A_2 = vector.broadcast %mul3A : f32 to vector<1x128xf32>
    %mul3A_3 = arith.mulf %get3A_1, %mul3A_2 : vector<1x128xf32>
    %get3A_4 = arith.constant 0 : index
    %get3A_5 = arith.constant 0 : index
    %get3A_6 = vector.load %arg3[%get3A_4, %get3A_5] : memref<1x128xf32, #tpu.memory_space<vmem>>, vector<1x128xf32>
    %mul3A_7 = arith.constant 9.99999974E-5 : f32
    %mul3A_8 = vector.broadcast %mul3A_7 : f32 to vector<1x128xf32>
    %mul3A_9 = arith.mulf %get3A_6, %mul3A_8 : vector<1x128xf32>
    %mul3A_10 = arith.mulf %mul3A_3, %mul3A_3 : vector<1x128xf32>
    %sub3A = arith.subf %mul3A_9, %mul3A_10 : vector<1x128xf32>
    %get3A_11 = arith.constant 0 : index
    %get3A_12 = arith.constant 0 : index
    %get3A_13 = vector.load %arg4[%get3A_11, %get3A_12] : memref<1x128xf32, #tpu.memory_space<vmem>>, vector<1x128xf32>
    %add3A = arith.constant 9.99999974E-6 : f32
    %add3A_14 = vector.broadcast %add3A : f32 to vector<1x128xf32>
    %add3A_15 = arith.addf %sub3A, %add3A_14 : vector<1x128xf32>
    %rsqrt3A = math.rsqrt %add3A_15 : vector<1x128xf32>
    %mul3A_16 = arith.mulf %get3A_13, %rsqrt3A : vector<1x128xf32>
    %get3A_17 = arith.constant 0 : index
    %get3A_18 = arith.constant 0 : index
    %get3A_19 = vector.load %arg5[%get3A_17, %get3A_18] : memref<1x128xf32, #tpu.memory_space<vmem>>, vector<1x128xf32>
    %mul3A_20 = arith.mulf %mul3A_3, %mul3A_16 : vector<1x128xf32>
    %sub3A_21 = arith.subf %get3A_19, %mul3A_20 : vector<1x128xf32>
    %get3A_22 = arith.constant 0 : index
    %get3A_23 = arith.constant 0 : index
    %get3A_24 = vector.load %arg1[%get3A_22, %get3A_23] : memref<400x128xf32, #tpu.memory_space<vmem>>, vector<400x128xf32>
    %mul3A_25 = vector.broadcast %mul3A_16 : vector<1x128xf32> to vector<400x128xf32>
    %mul3A_26 = arith.mulf %get3A_24, %mul3A_25 : vector<400x128xf32>
    %add3A_27 = vector.broadcast %sub3A_21 : vector<1x128xf32> to vector<400x128xf32>
    %add3A_28 = arith.addf %mul3A_26, %add3A_27 : vector<400x128xf32>
    %swap3A = arith.constant 0 : index
    %swap3A_29 = arith.constant 0 : index
    %swap3A_30 = vector.load %arg6[%swap3A, %swap3A_29] : memref<400x128xf32, #tpu.memory_space<vmem>>, vector<400x128xf32>
    tpu.vector_store %arg6[%swap3A, %swap3A_29], %add3A_28 {strides = array<i32>} : memref<400x128xf32, #tpu.memory_space<vmem>>, vector<400x128xf32>,
    return
  }
  func.func @transform_0(%arg0: i32) -> (i32, i32) {
    %c0_i32 = arith.constant 0 : i32
    %c0_i32_0 = arith.constant 0 : i32
    return %arg0, %c0_i32 : i32, i32
  }
  func.func @transform_1(%arg0: i32) -> (i32, i32) {
    %c0_i32 = arith.constant 0 : i32
    %c0_i32_0 = arith.constant 0 : i32
    %c0_i32_1 = arith.constant 0 : i32
    return %c0_i32, %c0_i32_0 : i32, i32
  }
  func.func @transform_2(%arg0: i32) -> (i32, i32) {
    %c0_i32 = arith.constant 0 : i32
    %c0_i32_0 = arith.constant 0 : i32
    %c0_i32_1 = arith.constant 0 : i32
    return %c0_i32, %c0_i32_0 : i32, i32
  }
  func.func @transform_3(%arg0: i32) -> (i32, i32) {
    %c0_i32 = arith.constant 0 : i32
    %c0_i32_0 = arith.constant 0 : i32
    %c0_i32_1 = arith.constant 0 : i32
    return %c0_i32, %c0_i32_0 : i32, i32
  }
  func.func @transform_4(%arg0: i32) -> (i32, i32) {
    %c0_i32 = arith.constant 0 : i32
    %c0_i32_0 = arith.constant 0 : i32
    %c0_i32_1 = arith.constant 0 : i32
    return %c0_i32, %c0_i32_0 : i32, i32
  }
  func.func @transform_5(%arg0: i32) -> (i32, i32) {
    %c0_i32 = arith.constant 0 : i32
    %c0_i32_0 = arith.constant 0 : i32
    return %arg0, %c0_i32 : i32, i32
  }
}

module attributes {stable_mosaic.version = 14 : i64} {
  func.func @_head_body(%arg0: memref<2x64x128xf32, #tpu.memory_space<vmem>>, %arg1: memref<128x128xf32, #tpu.memory_space<vmem>>, %arg2: memref<1024x128xf32, #tpu.memory_space<vmem>>, %arg3: memref<128x128xf32, #tpu.memory_space<vmem>>, %arg4: memref<1024x128xf32, #tpu.memory_space<vmem>>, %arg5: memref<64x128xf32, #tpu.memory_space<vmem>>) attributes {dimension_semantics = [], scalar_prefetch = 0 : i64, scratch_operands = 0 : i64, tpu.core_type = #tpu.core_type<tc>} {
    %get3A = arith.constant 0 : index
    %get3A_0 = arith.constant 0 : index
    %get3A_1 = arith.constant 0 : index
    %get3A_2 = vector.load %arg0[%get3A, %get3A_0, %get3A_1] : memref<2x64x128xf32, #tpu.memory_space<vmem>>, vector<1x64x128xf32>
    %get3A_3 = vector.shape_cast %get3A_2 : vector<1x64x128xf32> to vector<64x128xf32>
    %get3A_4 = arith.constant 1 : index
    %get3A_5 = arith.constant 0 : index
    %get3A_6 = arith.constant 0 : index
    %get3A_7 = vector.load %arg0[%get3A_4, %get3A_5, %get3A_6] : memref<2x64x128xf32, #tpu.memory_space<vmem>>, vector<1x64x128xf32>
    %get3A_8 = vector.shape_cast %get3A_7 : vector<1x64x128xf32> to vector<64x128xf32>
    %add3A = arith.addf %get3A_3, %get3A_8 : vector<64x128xf32>
    %get3A_9 = arith.constant 0 : index
    %get3A_10 = arith.constant 0 : index
    %get3A_11 = vector.load %arg1[%get3A_9, %get3A_10] : memref<128x128xf32, #tpu.memory_space<vmem>>, vector<128x128xf32>
    %get3A_12 = arith.constant 0 : index
    %get3A_13 = arith.constant 0 : index
    %get3A_14 = vector.load %arg2[%get3A_12, %get3A_13] : memref<1024x128xf32, #tpu.memory_space<vmem>>, vector<1024x128xf32>
    %logistic3A = arith.negf %add3A : vector<64x128xf32>
    %logistic3A_15 = math.exp %logistic3A : vector<64x128xf32>
    %logistic3A_16 = arith.constant 1.000000e+00 : f32
    %logistic3A_17 = vector.broadcast %logistic3A_16 : f32 to vector<64x128xf32>
    %logistic3A_18 = arith.addf %logistic3A_17, %logistic3A_15 : vector<64x128xf32>
    %logistic3A_19 = arith.divf %logistic3A_17, %logistic3A_18 : vector<64x128xf32>
    %mul3A = arith.mulf %add3A, %logistic3A_19 : vector<64x128xf32>
    %dot_general3A = arith.constant dense<0.000000e+00> : vector<64x128xf32>
    %dot_general3A_20 = tpu.matmul %mul3A, %get3A_11, %dot_general3A {dimension_numbers = #tpu.dot_dimension_numbers<[1], [0], [0], [1], [0, 0, 1, 1], [], []>, transpose_lhs_hint = false} : vector<64x128xf32>, vector<128x128xf32>, vector<64x128xf32> -> vector<64x128xf32>
    %broadcast_in_dim3A = vector.shape_cast %add3A : vector<64x128xf32> to vector<64x128x1xf32>
    %broadcast_in_dim3A_21 = vector.broadcast %broadcast_in_dim3A : vector<64x128x1xf32> to vector<64x128x8xf32>
    %reshape3A = vector.shape_cast %broadcast_in_dim3A_21 : vector<64x128x8xf32> to vector<64x1024xf32>
    %iota3A = tpu.iota {dimensions = array<i32: 1>} : vector<64x1024xi32>
    %jit3A = arith.constant 8 : i32
    %eq3A = arith.constant 0 : i32
    %eq3A_22 = arith.cmpi eq, %jit3A, %eq3A : i32
    %jit3A_23 = arith.constant 1 : i32
    %select_n3A = arith.select %eq3A_22, %jit3A_23, %jit3A : i32
    %rem3A = vector.broadcast %select_n3A : i32 to vector<64x1024xi32>
    %rem3A_24 = arith.remsi %iota3A, %rem3A : vector<64x1024xi32>
    %ne3A = arith.constant 0 : i32
    %ne3A_25 = vector.broadcast %ne3A : i32 to vector<64x1024xi32>
    %ne3A_26 = arith.cmpi ne, %rem3A_24, %ne3A_25 : vector<64x1024xi32>
    %lt3A = arith.constant 0 : i32
    %lt3A_27 = vector.broadcast %lt3A : i32 to vector<64x1024xi32>
    %lt3A_28 = arith.cmpi slt, %rem3A_24, %lt3A_27 : vector<64x1024xi32>
    %lt3A_29 = arith.constant 0 : i32
    %lt3A_30 = arith.cmpi slt, %select_n3A, %lt3A_29 : i32
    %ne3A_31 = vector.broadcast %lt3A_30 : i1 to vector<64x1024xi1>
    %ne3A_32 = vector.broadcast %ne3A_31 : vector<64x1024xi1> to vector<64x1024xi1>
    %ne3A_33 = arith.xori %lt3A_28, %ne3A_32 : vector<64x1024xi1>
    %and3A = arith.andi %ne3A_33, %ne3A_26 : vector<64x1024xi1>
    %add3A_34 = vector.broadcast %select_n3A : i32 to vector<64x1024xi32>
    %add3A_35 = arith.addi %rem3A_24, %add3A_34 : vector<64x1024xi32>
    %select_n3A_36 = arith.select %and3A, %add3A_35, %rem3A_24 : vector<64x1024xi1>, vector<64x1024xi32>
    %convert_element_type3A = arith.sitofp %select_n3A_36 : vector<64x1024xi32> to vector<64x1024xf32>
    %add3A_37 = arith.constant -3.000000e+00 : f32
    %add3A_38 = vector.broadcast %add3A_37 : f32 to vector<64x1024xf32>
    %add3A_39 = arith.addf %convert_element_type3A, %add3A_38 : vector<64x1024xf32>
    %mul3A_40 = arith.constant 4.000000e-01 : f32
    %mul3A_41 = vector.broadcast %mul3A_40 : f32 to vector<64x1024xf32>
    %mul3A_42 = arith.mulf %add3A_39, %mul3A_41 : vector<64x1024xf32>
    %sub3A = arith.constant 1.000000e+00 : f32
    %sub3A_43 = vector.broadcast %sub3A : f32 to vector<64x1024xf32>
    %sub3A_44 = arith.subf %mul3A_42, %sub3A_43 : vector<64x1024xf32>
    %add3A_45 = arith.constant -2.000000e+00 : f32
    %add3A_46 = vector.broadcast %add3A_45 : f32 to vector<64x1024xf32>
    %add3A_47 = arith.addf %convert_element_type3A, %add3A_46 : vector<64x1024xf32>
    %mul3A_48 = arith.constant 4.000000e-01 : f32
    %mul3A_49 = vector.broadcast %mul3A_48 : f32 to vector<64x1024xf32>
    %mul3A_50 = arith.mulf %add3A_47, %mul3A_49 : vector<64x1024xf32>
    %sub3A_51 = arith.constant 1.000000e+00 : f32
    %sub3A_52 = vector.broadcast %sub3A_51 : f32 to vector<64x1024xf32>
    %sub3A_53 = arith.subf %mul3A_50, %sub3A_52 : vector<64x1024xf32>
    %add3A_54 = arith.constant -1.000000e+00 : f32
    %add3A_55 = vector.broadcast %add3A_54 : f32 to vector<64x1024xf32>
    %add3A_56 = arith.addf %convert_element_type3A, %add3A_55 : vector<64x1024xf32>
    %mul3A_57 = arith.constant 4.000000e-01 : f32
    %mul3A_58 = vector.broadcast %mul3A_57 : f32 to vector<64x1024xf32>
    %mul3A_59 = arith.mulf %add3A_56, %mul3A_58 : vector<64x1024xf32>
    %sub3A_60 = arith.constant 1.000000e+00 : f32
    %sub3A_61 = vector.broadcast %sub3A_60 : f32 to vector<64x1024xf32>
    %sub3A_62 = arith.subf %mul3A_59, %sub3A_61 : vector<64x1024xf32>
    %add3A_63 = arith.constant 0.000000e+00 : f32
    %add3A_64 = vector.broadcast %add3A_63 : f32 to vector<64x1024xf32>
    %add3A_65 = arith.addf %convert_element_type3A, %add3A_64 : vector<64x1024xf32>
    %mul3A_66 = arith.constant 4.000000e-01 : f32
    %mul3A_67 = vector.broadcast %mul3A_66 : f32 to vector<64x1024xf32>
    %mul3A_68 = arith.mulf %add3A_65, %mul3A_67 : vector<64x1024xf32>
    %sub3A_69 = arith.constant 1.000000e+00 : f32
    %sub3A_70 = vector.broadcast %sub3A_69 : f32 to vector<64x1024xf32>
    %sub3A_71 = arith.subf %mul3A_68, %sub3A_70 : vector<64x1024xf32>
    %add3A_72 = arith.constant 1.000000e+00 : f32
    %add3A_73 = vector.broadcast %add3A_72 : f32 to vector<64x1024xf32>
    %add3A_74 = arith.addf %convert_element_type3A, %add3A_73 : vector<64x1024xf32>
    %mul3A_75 = arith.constant 4.000000e-01 : f32
    %mul3A_76 = vector.broadcast %mul3A_75 : f32 to vector<64x1024xf32>
    %mul3A_77 = arith.mulf %add3A_74, %mul3A_76 : vector<64x1024xf32>
    %sub3A_78 = arith.constant 1.000000e+00 : f32
    %sub3A_79 = vector.broadcast %sub3A_78 : f32 to vector<64x1024xf32>
    %sub3A_80 = arith.subf %mul3A_77, %sub3A_79 : vector<64x1024xf32>
    %ge3A = arith.cmpf oge, %reshape3A, %sub3A_44 : vector<64x1024xf32>
    %lt3A_81 = arith.cmpf olt, %reshape3A, %sub3A_53 : vector<64x1024xf32>
    %and3A_82 = arith.andi %ge3A, %lt3A_81 : vector<64x1024xi1>
    %jit3A_83 = arith.constant 1.000000e+00 : f32
    %jit3A_84 = arith.constant 0.000000e+00 : f32
    %broadcast_in_dim3A_85 = vector.broadcast %jit3A_83 : f32 to vector<64x1024xf32>
    %broadcast_in_dim3A_86 = vector.broadcast %jit3A_84 : f32 to vector<64x1024xf32>
    %select_n3A_87 = arith.select %and3A_82, %broadcast_in_dim3A_85, %broadcast_in_dim3A_86 : vector<64x1024xi1>, vector<64x1024xf32>
    %ge3A_88 = arith.cmpf oge, %reshape3A, %sub3A_53 : vector<64x1024xf32>
    %lt3A_89 = arith.cmpf olt, %reshape3A, %sub3A_62 : vector<64x1024xf32>
    %and3A_90 = arith.andi %ge3A_88, %lt3A_89 : vector<64x1024xi1>
    %jit3A_91 = arith.constant 1.000000e+00 : f32
    %jit3A_92 = arith.constant 0.000000e+00 : f32
    %broadcast_in_dim3A_93 = vector.broadcast %jit3A_91 : f32 to vector<64x1024xf32>
    %broadcast_in_dim3A_94 = vector.broadcast %jit3A_92 : f32 to vector<64x1024xf32>
    %select_n3A_95 = arith.select %and3A_90, %broadcast_in_dim3A_93, %broadcast_in_dim3A_94 : vector<64x1024xi1>, vector<64x1024xf32>
    %ge3A_96 = arith.cmpf oge, %reshape3A, %sub3A_62 : vector<64x1024xf32>
    %lt3A_97 = arith.cmpf olt, %reshape3A, %sub3A_71 : vector<64x1024xf32>
    %and3A_98 = arith.andi %ge3A_96, %lt3A_97 : vector<64x1024xi1>
    %jit3A_99 = arith.constant 1.000000e+00 : f32
    %jit3A_100 = arith.constant 0.000000e+00 : f32
    %broadcast_in_dim3A_101 = vector.broadcast %jit3A_99 : f32 to vector<64x1024xf32>
    %broadcast_in_dim3A_102 = vector.broadcast %jit3A_100 : f32 to vector<64x1024xf32>
    %select_n3A_103 = arith.select %and3A_98, %broadcast_in_dim3A_101, %broadcast_in_dim3A_102 : vector<64x1024xi1>, vector<64x1024xf32>
    %ge3A_104 = arith.cmpf oge, %reshape3A, %sub3A_71 : vector<64x1024xf32>
    %lt3A_105 = arith.cmpf olt, %reshape3A, %sub3A_80 : vector<64x1024xf32>
    %and3A_106 = arith.andi %ge3A_104, %lt3A_105 : vector<64x1024xi1>
    %jit3A_107 = arith.constant 1.000000e+00 : f32
    %jit3A_108 = arith.constant 0.000000e+00 : f32
    %broadcast_in_dim3A_109 = vector.broadcast %jit3A_107 : f32 to vector<64x1024xf32>
    %broadcast_in_dim3A_110 = vector.broadcast %jit3A_108 : f32 to vector<64x1024xf32>
    %select_n3A_111 = arith.select %and3A_106, %broadcast_in_dim3A_109, %broadcast_in_dim3A_110 : vector<64x1024xi1>, vector<64x1024xf32>
    %sub3A_112 = arith.subf %reshape3A, %sub3A_44 : vector<64x1024xf32>
    %sub3A_113 = arith.subf %sub3A_53, %sub3A_44 : vector<64x1024xf32>
    %div3A = arith.divf %sub3A_112, %sub3A_113 : vector<64x1024xf32>
    %mul3A_114 = arith.mulf %div3A, %select_n3A_87 : vector<64x1024xf32>
    %sub3A_115 = arith.subf %sub3A_62, %reshape3A : vector<64x1024xf32>
    %sub3A_116 = arith.subf %sub3A_62, %sub3A_53 : vector<64x1024xf32>
    %div3A_117 = arith.divf %sub3A_115, %sub3A_116 : vector<64x1024xf32>
    %mul3A_118 = arith.mulf %div3A_117, %select_n3A_95 : vector<64x1024xf32>
    %add3A_119 = arith.addf %mul3A_114, %mul3A_118 : vector<64x1024xf32>
    %sub3A_120 = arith.subf %reshape3A, %sub3A_53 : vector<64x1024xf32>
    %sub3A_121 = arith.subf %sub3A_62, %sub3A_53 : vector<64x1024xf32>
    %div3A_122 = arith.divf %sub3A_120, %sub3A_121 : vector<64x1024xf32>
    %mul3A_123 = arith.mulf %div3A_122, %select_n3A_95 : vector<64x1024xf32>
    %sub3A_124 = arith.subf %sub3A_71, %reshape3A : vector<64x1024xf32>
    %sub3A_125 = arith.subf %sub3A_71, %sub3A_62 : vector<64x1024xf32>
    %div3A_126 = arith.divf %sub3A_124, %sub3A_125 : vector<64x1024xf32>
    %mul3A_127 = arith.mulf %div3A_126, %select_n3A_103 : vector<64x1024xf32>
    %add3A_128 = arith.addf %mul3A_123, %mul3A_127 : vector<64x1024xf32>
    %sub3A_129 = arith.subf %reshape3A, %sub3A_62 : vector<64x1024xf32>
    %sub3A_130 = arith.subf %sub3A_71, %sub3A_62 : vector<64x1024xf32>
    %div3A_131 = arith.divf %sub3A_129, %sub3A_130 : vector<64x1024xf32>
    %mul3A_132 = arith.mulf %div3A_131, %select_n3A_103 : vector<64x1024xf32>
    %sub3A_133 = arith.subf %sub3A_80, %reshape3A : vector<64x1024xf32>
    %sub3A_134 = arith.subf %sub3A_80, %sub3A_71 : vector<64x1024xf32>
    %div3A_135 = arith.divf %sub3A_133, %sub3A_134 : vector<64x1024xf32>
    %mul3A_136 = arith.mulf %div3A_135, %select_n3A_111 : vector<64x1024xf32>
    %add3A_137 = arith.addf %mul3A_132, %mul3A_136 : vector<64x1024xf32>
    %sub3A_138 = arith.subf %reshape3A, %sub3A_44 : vector<64x1024xf32>
    %sub3A_139 = arith.subf %sub3A_62, %sub3A_44 : vector<64x1024xf32>
    %div3A_140 = arith.divf %sub3A_138, %sub3A_139 : vector<64x1024xf32>
    %mul3A_141 = arith.mulf %div3A_140, %add3A_119 : vector<64x1024xf32>
    %sub3A_142 = arith.subf %sub3A_71, %reshape3A : vector<64x1024xf32>
    %sub3A_143 = arith.subf %sub3A_71, %sub3A_53 : vector<64x1024xf32>
    %div3A_144 = arith.divf %sub3A_142, %sub3A_143 : vector<64x1024xf32>
    %mul3A_145 = arith.mulf %div3A_144, %add3A_128 : vector<64x1024xf32>
    %add3A_146 = arith.addf %mul3A_141, %mul3A_145 : vector<64x1024xf32>
    %sub3A_147 = arith.subf %reshape3A, %sub3A_53 : vector<64x1024xf32>
    %sub3A_148 = arith.subf %sub3A_71, %sub3A_53 : vector<64x1024xf32>
    %div3A_149 = arith.divf %sub3A_147, %sub3A_148 : vector<64x1024xf32>
    %mul3A_150 = arith.mulf %div3A_149, %add3A_128 : vector<64x1024xf32>
    %sub3A_151 = arith.subf %sub3A_80, %reshape3A : vector<64x1024xf32>
    %sub3A_152 = arith.subf %sub3A_80, %sub3A_62 : vector<64x1024xf32>
    %div3A_153 = arith.divf %sub3A_151, %sub3A_152 : vector<64x1024xf32>
    %mul3A_154 = arith.mulf %div3A_153, %add3A_137 : vector<64x1024xf32>
    %add3A_155 = arith.addf %mul3A_150, %mul3A_154 : vector<64x1024xf32>
    %sub3A_156 = arith.subf %reshape3A, %sub3A_44 : vector<64x1024xf32>
    %sub3A_157 = arith.subf %sub3A_71, %sub3A_44 : vector<64x1024xf32>
    %div3A_158 = arith.divf %sub3A_156, %sub3A_157 : vector<64x1024xf32>
    %mul3A_159 = arith.mulf %div3A_158, %add3A_146 : vector<64x1024xf32>
    %sub3A_160 = arith.subf %sub3A_80, %reshape3A : vector<64x1024xf32>
    %sub3A_161 = arith.subf %sub3A_80, %sub3A_53 : vector<64x1024xf32>
    %div3A_162 = arith.divf %sub3A_160, %sub3A_161 : vector<64x1024xf32>
    %mul3A_163 = arith.mulf %div3A_162, %add3A_155 : vector<64x1024xf32>
    %add3A_164 = arith.addf %mul3A_159, %mul3A_163 : vector<64x1024xf32>
    %dot_general3A_165 = arith.constant dense<0.000000e+00> : vector<64x128xf32>
    %dot_general3A_166 = tpu.matmul %add3A_164, %get3A_14, %dot_general3A_165 {dimension_numbers = #tpu.dot_dimension_numbers<[1], [0], [0], [1], [0, 0, 1, 1], [], []>, transpose_lhs_hint = false} : vector<64x1024xf32>, vector<1024x128xf32>, vector<64x128xf32> -> vector<64x128xf32>
    %add3A_167 = arith.addf %dot_general3A_20, %dot_general3A_166 : vector<64x128xf32>
    %get3A_168 = arith.constant 0 : index
    %get3A_169 = arith.constant 0 : index
    %get3A_170 = vector.load %arg3[%get3A_168, %get3A_169] : memref<128x128xf32, #tpu.memory_space<vmem>>, vector<128x128xf32>
    %get3A_171 = arith.constant 0 : index
    %get3A_172 = arith.constant 0 : index
    %get3A_173 = vector.load %arg4[%get3A_171, %get3A_172] : memref<1024x128xf32, #tpu.memory_space<vmem>>, vector<1024x128xf32>
    %logistic3A_174 = arith.negf %add3A_167 : vector<64x128xf32>
    %logistic3A_175 = math.exp %logistic3A_174 : vector<64x128xf32>
    %logistic3A_176 = arith.constant 1.000000e+00 : f32
    %logistic3A_177 = vector.broadcast %logistic3A_176 : f32 to vector<64x128xf32>
    %logistic3A_178 = arith.addf %logistic3A_177, %logistic3A_175 : vector<64x128xf32>
    %logistic3A_179 = arith.divf %logistic3A_177, %logistic3A_178 : vector<64x128xf32>
    %mul3A_180 = arith.mulf %add3A_167, %logistic3A_179 : vector<64x128xf32>
    %dot_general3A_181 = arith.constant dense<0.000000e+00> : vector<64x128xf32>
    %dot_general3A_182 = tpu.matmul %mul3A_180, %get3A_170, %dot_general3A_181 {dimension_numbers = #tpu.dot_dimension_numbers<[1], [0], [0], [1], [0, 0, 1, 1], [], []>, transpose_lhs_hint = false} : vector<64x128xf32>, vector<128x128xf32>, vector<64x128xf32> -> vector<64x128xf32>
    %broadcast_in_dim3A_183 = vector.shape_cast %add3A_167 : vector<64x128xf32> to vector<64x128x1xf32>
    %broadcast_in_dim3A_184 = vector.broadcast %broadcast_in_dim3A_183 : vector<64x128x1xf32> to vector<64x128x8xf32>
    %reshape3A_185 = vector.shape_cast %broadcast_in_dim3A_184 : vector<64x128x8xf32> to vector<64x1024xf32>
    %iota3A_186 = tpu.iota {dimensions = array<i32: 1>} : vector<64x1024xi32>
    %jit3A_187 = arith.constant 8 : i32
    %eq3A_188 = arith.constant 0 : i32
    %eq3A_189 = arith.cmpi eq, %jit3A_187, %eq3A_188 : i32
    %jit3A_190 = arith.constant 1 : i32
    %select_n3A_191 = arith.select %eq3A_189, %jit3A_190, %jit3A_187 : i32
    %rem3A_192 = vector.broadcast %select_n3A_191 : i32 to vector<64x1024xi32>
    %rem3A_193 = arith.remsi %iota3A_186, %rem3A_192 : vector<64x1024xi32>
    %ne3A_194 = arith.constant 0 : i32
    %ne3A_195 = vector.broadcast %ne3A_194 : i32 to vector<64x1024xi32>
    %ne3A_196 = arith.cmpi ne, %rem3A_193, %ne3A_195 : vector<64x1024xi32>
    %lt3A_197 = arith.constant 0 : i32
    %lt3A_198 = vector.broadcast %lt3A_197 : i32 to vector<64x1024xi32>
    %lt3A_199 = arith.cmpi slt, %rem3A_193, %lt3A_198 : vector<64x1024xi32>
    %lt3A_200 = arith.constant 0 : i32
    %lt3A_201 = arith.cmpi slt, %select_n3A_191, %lt3A_200 : i32
    %ne3A_202 = vector.broadcast %lt3A_201 : i1 to vector<64x1024xi1>
    %ne3A_203 = vector.broadcast %ne3A_202 : vector<64x1024xi1> to vector<64x1024xi1>
    %ne3A_204 = arith.xori %lt3A_199, %ne3A_203 : vector<64x1024xi1>
    %and3A_205 = arith.andi %ne3A_204, %ne3A_196 : vector<64x1024xi1>
    %add3A_206 = vector.broadcast %select_n3A_191 : i32 to vector<64x1024xi32>
    %add3A_207 = arith.addi %rem3A_193, %add3A_206 : vector<64x1024xi32>
    %select_n3A_208 = arith.select %and3A_205, %add3A_207, %rem3A_193 : vector<64x1024xi1>, vector<64x1024xi32>
    %convert_element_type3A_209 = arith.sitofp %select_n3A_208 : vector<64x1024xi32> to vector<64x1024xf32>
    %add3A_210 = arith.constant -3.000000e+00 : f32
    %add3A_211 = vector.broadcast %add3A_210 : f32 to vector<64x1024xf32>
    %add3A_212 = arith.addf %convert_element_type3A_209, %add3A_211 : vector<64x1024xf32>
    %mul3A_213 = arith.constant 4.000000e-01 : f32
    %mul3A_214 = vector.broadcast %mul3A_213 : f32 to vector<64x1024xf32>
    %mul3A_215 = arith.mulf %add3A_212, %mul3A_214 : vector<64x1024xf32>
    %sub3A_216 = arith.constant 1.000000e+00 : f32
    %sub3A_217 = vector.broadcast %sub3A_216 : f32 to vector<64x1024xf32>
    %sub3A_218 = arith.subf %mul3A_215, %sub3A_217 : vector<64x1024xf32>
    %add3A_219 = arith.constant -2.000000e+00 : f32
    %add3A_220 = vector.broadcast %add3A_219 : f32 to vector<64x1024xf32>
    %add3A_221 = arith.addf %convert_element_type3A_209, %add3A_220 : vector<64x1024xf32>
    %mul3A_222 = arith.constant 4.000000e-01 : f32
    %mul3A_223 = vector.broadcast %mul3A_222 : f32 to vector<64x1024xf32>
    %mul3A_224 = arith.mulf %add3A_221, %mul3A_223 : vector<64x1024xf32>
    %sub3A_225 = arith.constant 1.000000e+00 : f32
    %sub3A_226 = vector.broadcast %sub3A_225 : f32 to vector<64x1024xf32>
    %sub3A_227 = arith.subf %mul3A_224, %sub3A_226 : vector<64x1024xf32>
    %add3A_228 = arith.constant -1.000000e+00 : f32
    %add3A_229 = vector.broadcast %add3A_228 : f32 to vector<64x1024xf32>
    %add3A_230 = arith.addf %convert_element_type3A_209, %add3A_229 : vector<64x1024xf32>
    %mul3A_231 = arith.constant 4.000000e-01 : f32
    %mul3A_232 = vector.broadcast %mul3A_231 : f32 to vector<64x1024xf32>
    %mul3A_233 = arith.mulf %add3A_230, %mul3A_232 : vector<64x1024xf32>
    %sub3A_234 = arith.constant 1.000000e+00 : f32
    %sub3A_235 = vector.broadcast %sub3A_234 : f32 to vector<64x1024xf32>
    %sub3A_236 = arith.subf %mul3A_233, %sub3A_235 : vector<64x1024xf32>
    %add3A_237 = arith.constant 0.000000e+00 : f32
    %add3A_238 = vector.broadcast %add3A_237 : f32 to vector<64x1024xf32>
    %add3A_239 = arith.addf %convert_element_type3A_209, %add3A_238 : vector<64x1024xf32>
    %mul3A_240 = arith.constant 4.000000e-01 : f32
    %mul3A_241 = vector.broadcast %mul3A_240 : f32 to vector<64x1024xf32>
    %mul3A_242 = arith.mulf %add3A_239, %mul3A_241 : vector<64x1024xf32>
    %sub3A_243 = arith.constant 1.000000e+00 : f32
    %sub3A_244 = vector.broadcast %sub3A_243 : f32 to vector<64x1024xf32>
    %sub3A_245 = arith.subf %mul3A_242, %sub3A_244 : vector<64x1024xf32>
    %add3A_246 = arith.constant 1.000000e+00 : f32
    %add3A_247 = vector.broadcast %add3A_246 : f32 to vector<64x1024xf32>
    %add3A_248 = arith.addf %convert_element_type3A_209, %add3A_247 : vector<64x1024xf32>
    %mul3A_249 = arith.constant 4.000000e-01 : f32
    %mul3A_250 = vector.broadcast %mul3A_249 : f32 to vector<64x1024xf32>
    %mul3A_251 = arith.mulf %add3A_248, %mul3A_250 : vector<64x1024xf32>
    %sub3A_252 = arith.constant 1.000000e+00 : f32
    %sub3A_253 = vector.broadcast %sub3A_252 : f32 to vector<64x1024xf32>
    %sub3A_254 = arith.subf %mul3A_251, %sub3A_253 : vector<64x1024xf32>
    %ge3A_255 = arith.cmpf oge, %reshape3A_185, %sub3A_218 : vector<64x1024xf32>
    %lt3A_256 = arith.cmpf olt, %reshape3A_185, %sub3A_227 : vector<64x1024xf32>
    %and3A_257 = arith.andi %ge3A_255, %lt3A_256 : vector<64x1024xi1>
    %jit3A_258 = arith.constant 1.000000e+00 : f32
    %jit3A_259 = arith.constant 0.000000e+00 : f32
    %broadcast_in_dim3A_260 = vector.broadcast %jit3A_258 : f32 to vector<64x1024xf32>
    %broadcast_in_dim3A_261 = vector.broadcast %jit3A_259 : f32 to vector<64x1024xf32>
    %select_n3A_262 = arith.select %and3A_257, %broadcast_in_dim3A_260, %broadcast_in_dim3A_261 : vector<64x1024xi1>, vector<64x1024xf32>
    %ge3A_263 = arith.cmpf oge, %reshape3A_185, %sub3A_227 : vector<64x1024xf32>
    %lt3A_264 = arith.cmpf olt, %reshape3A_185, %sub3A_236 : vector<64x1024xf32>
    %and3A_265 = arith.andi %ge3A_263, %lt3A_264 : vector<64x1024xi1>
    %jit3A_266 = arith.constant 1.000000e+00 : f32
    %jit3A_267 = arith.constant 0.000000e+00 : f32
    %broadcast_in_dim3A_268 = vector.broadcast %jit3A_266 : f32 to vector<64x1024xf32>
    %broadcast_in_dim3A_269 = vector.broadcast %jit3A_267 : f32 to vector<64x1024xf32>
    %select_n3A_270 = arith.select %and3A_265, %broadcast_in_dim3A_268, %broadcast_in_dim3A_269 : vector<64x1024xi1>, vector<64x1024xf32>
    %ge3A_271 = arith.cmpf oge, %reshape3A_185, %sub3A_236 : vector<64x1024xf32>
    %lt3A_272 = arith.cmpf olt, %reshape3A_185, %sub3A_245 : vector<64x1024xf32>
    %and3A_273 = arith.andi %ge3A_271, %lt3A_272 : vector<64x1024xi1>
    %jit3A_274 = arith.constant 1.000000e+00 : f32
    %jit3A_275 = arith.constant 0.000000e+00 : f32
    %broadcast_in_dim3A_276 = vector.broadcast %jit3A_274 : f32 to vector<64x1024xf32>
    %broadcast_in_dim3A_277 = vector.broadcast %jit3A_275 : f32 to vector<64x1024xf32>
    %select_n3A_278 = arith.select %and3A_273, %broadcast_in_dim3A_276, %broadcast_in_dim3A_277 : vector<64x1024xi1>, vector<64x1024xf32>
    %ge3A_279 = arith.cmpf oge, %reshape3A_185, %sub3A_245 : vector<64x1024xf32>
    %lt3A_280 = arith.cmpf olt, %reshape3A_185, %sub3A_254 : vector<64x1024xf32>
    %and3A_281 = arith.andi %ge3A_279, %lt3A_280 : vector<64x1024xi1>
    %jit3A_282 = arith.constant 1.000000e+00 : f32
    %jit3A_283 = arith.constant 0.000000e+00 : f32
    %broadcast_in_dim3A_284 = vector.broadcast %jit3A_282 : f32 to vector<64x1024xf32>
    %broadcast_in_dim3A_285 = vector.broadcast %jit3A_283 : f32 to vector<64x1024xf32>
    %select_n3A_286 = arith.select %and3A_281, %broadcast_in_dim3A_284, %broadcast_in_dim3A_285 : vector<64x1024xi1>, vector<64x1024xf32>
    %sub3A_287 = arith.subf %reshape3A_185, %sub3A_218 : vector<64x1024xf32>
    %sub3A_288 = arith.subf %sub3A_227, %sub3A_218 : vector<64x1024xf32>
    %div3A_289 = arith.divf %sub3A_287, %sub3A_288 : vector<64x1024xf32>
    %mul3A_290 = arith.mulf %div3A_289, %select_n3A_262 : vector<64x1024xf32>
    %sub3A_291 = arith.subf %sub3A_236, %reshape3A_185 : vector<64x1024xf32>
    %sub3A_292 = arith.subf %sub3A_236, %sub3A_227 : vector<64x1024xf32>
    %div3A_293 = arith.divf %sub3A_291, %sub3A_292 : vector<64x1024xf32>
    %mul3A_294 = arith.mulf %div3A_293, %select_n3A_270 : vector<64x1024xf32>
    %add3A_295 = arith.addf %mul3A_290, %mul3A_294 : vector<64x1024xf32>
    %sub3A_296 = arith.subf %reshape3A_185, %sub3A_227 : vector<64x1024xf32>
    %sub3A_297 = arith.subf %sub3A_236, %sub3A_227 : vector<64x1024xf32>
    %div3A_298 = arith.divf %sub3A_296, %sub3A_297 : vector<64x1024xf32>
    %mul3A_299 = arith.mulf %div3A_298, %select_n3A_270 : vector<64x1024xf32>
    %sub3A_300 = arith.subf %sub3A_245, %reshape3A_185 : vector<64x1024xf32>
    %sub3A_301 = arith.subf %sub3A_245, %sub3A_236 : vector<64x1024xf32>
    %div3A_302 = arith.divf %sub3A_300, %sub3A_301 : vector<64x1024xf32>
    %mul3A_303 = arith.mulf %div3A_302, %select_n3A_278 : vector<64x1024xf32>
    %add3A_304 = arith.addf %mul3A_299, %mul3A_303 : vector<64x1024xf32>
    %sub3A_305 = arith.subf %reshape3A_185, %sub3A_236 : vector<64x1024xf32>
    %sub3A_306 = arith.subf %sub3A_245, %sub3A_236 : vector<64x1024xf32>
    %div3A_307 = arith.divf %sub3A_305, %sub3A_306 : vector<64x1024xf32>
    %mul3A_308 = arith.mulf %div3A_307, %select_n3A_278 : vector<64x1024xf32>
    %sub3A_309 = arith.subf %sub3A_254, %reshape3A_185 : vector<64x1024xf32>
    %sub3A_310 = arith.subf %sub3A_254, %sub3A_245 : vector<64x1024xf32>
    %div3A_311 = arith.divf %sub3A_309, %sub3A_310 : vector<64x1024xf32>
    %mul3A_312 = arith.mulf %div3A_311, %select_n3A_286 : vector<64x1024xf32>
    %add3A_313 = arith.addf %mul3A_308, %mul3A_312 : vector<64x1024xf32>
    %sub3A_314 = arith.subf %reshape3A_185, %sub3A_218 : vector<64x1024xf32>
    %sub3A_315 = arith.subf %sub3A_236, %sub3A_218 : vector<64x1024xf32>
    %div3A_316 = arith.divf %sub3A_314, %sub3A_315 : vector<64x1024xf32>
    %mul3A_317 = arith.mulf %div3A_316, %add3A_295 : vector<64x1024xf32>
    %sub3A_318 = arith.subf %sub3A_245, %reshape3A_185 : vector<64x1024xf32>
    %sub3A_319 = arith.subf %sub3A_245, %sub3A_227 : vector<64x1024xf32>
    %div3A_320 = arith.divf %sub3A_318, %sub3A_319 : vector<64x1024xf32>
    %mul3A_321 = arith.mulf %div3A_320, %add3A_304 : vector<64x1024xf32>
    %add3A_322 = arith.addf %mul3A_317, %mul3A_321 : vector<64x1024xf32>
    %sub3A_323 = arith.subf %reshape3A_185, %sub3A_227 : vector<64x1024xf32>
    %sub3A_324 = arith.subf %sub3A_245, %sub3A_227 : vector<64x1024xf32>
    %div3A_325 = arith.divf %sub3A_323, %sub3A_324 : vector<64x1024xf32>
    %mul3A_326 = arith.mulf %div3A_325, %add3A_304 : vector<64x1024xf32>
    %sub3A_327 = arith.subf %sub3A_254, %reshape3A_185 : vector<64x1024xf32>
    %sub3A_328 = arith.subf %sub3A_254, %sub3A_236 : vector<64x1024xf32>
    %div3A_329 = arith.divf %sub3A_327, %sub3A_328 : vector<64x1024xf32>
    %mul3A_330 = arith.mulf %div3A_329, %add3A_313 : vector<64x1024xf32>
    %add3A_331 = arith.addf %mul3A_326, %mul3A_330 : vector<64x1024xf32>
    %sub3A_332 = arith.subf %reshape3A_185, %sub3A_218 : vector<64x1024xf32>
    %sub3A_333 = arith.subf %sub3A_245, %sub3A_218 : vector<64x1024xf32>
    %div3A_334 = arith.divf %sub3A_332, %sub3A_333 : vector<64x1024xf32>
    %mul3A_335 = arith.mulf %div3A_334, %add3A_322 : vector<64x1024xf32>
    %sub3A_336 = arith.subf %sub3A_254, %reshape3A_185 : vector<64x1024xf32>
    %sub3A_337 = arith.subf %sub3A_254, %sub3A_227 : vector<64x1024xf32>
    %div3A_338 = arith.divf %sub3A_336, %sub3A_337 : vector<64x1024xf32>
    %mul3A_339 = arith.mulf %div3A_338, %add3A_331 : vector<64x1024xf32>
    %add3A_340 = arith.addf %mul3A_335, %mul3A_339 : vector<64x1024xf32>
    %dot_general3A_341 = arith.constant dense<0.000000e+00> : vector<64x128xf32>
    %dot_general3A_342 = tpu.matmul %add3A_340, %get3A_173, %dot_general3A_341 {dimension_numbers = #tpu.dot_dimension_numbers<[1], [0], [0], [1], [0, 0, 1, 1], [], []>, transpose_lhs_hint = false} : vector<64x1024xf32>, vector<1024x128xf32>, vector<64x128xf32> -> vector<64x128xf32>
    %add3A_343 = arith.addf %dot_general3A_182, %dot_general3A_342 : vector<64x128xf32>
    %iota3A_344 = tpu.iota {dimensions = array<i32: 1>} : vector<64x128xi32>
    %lt3A_345 = arith.constant 10 : i32
    %lt3A_346 = vector.broadcast %lt3A_345 : i32 to vector<64x128xi32>
    %lt3A_347 = arith.cmpi slt, %iota3A_344, %lt3A_346 : vector<64x128xi32>
    %jit3A_348 = arith.constant -1.000000e+30 : f32
    %broadcast_in_dim3A_349 = vector.broadcast %jit3A_348 : f32 to vector<64x128xf32>
    %select_n3A_350 = arith.select %lt3A_347, %add3A_343, %broadcast_in_dim3A_349 : vector<64x128xi1>, vector<64x128xf32>
    %reduce_max3A = arith.constant dense<0xFF800000> : vector<64xf32>
    %reduce_max3A_351 = vector.multi_reduction <maximumf>, %select_n3A_350, %reduce_max3A [1] : vector<64x128xf32> to vector<64xf32>
    %broadcast_in_dim3A_352 = vector.shape_cast %reduce_max3A_351 : vector<64xf32> to vector<64x1xf32>
    %sub3A_353 = vector.broadcast %broadcast_in_dim3A_352 : vector<64x1xf32> to vector<64x128xf32>
    %sub3A_354 = arith.subf %add3A_343, %sub3A_353 : vector<64x128xf32>
    %exp3A = math.exp %sub3A_354 : vector<64x128xf32>
    %jit3A_355 = arith.constant 0.000000e+00 : f32
    %broadcast_in_dim3A_356 = vector.broadcast %jit3A_355 : f32 to vector<64x128xf32>
    %select_n3A_357 = arith.select %lt3A_347, %exp3A, %broadcast_in_dim3A_356 : vector<64x128xi1>, vector<64x128xf32>
    %reduce_sum3A = arith.constant dense<0.000000e+00> : vector<64xf32>
    %reduce_sum3A_358 = vector.multi_reduction <add>, %select_n3A_357, %reduce_sum3A [1] : vector<64x128xf32> to vector<64xf32>
    %broadcast_in_dim3A_359 = vector.shape_cast %reduce_sum3A_358 : vector<64xf32> to vector<64x1xf32>
    %log3A = math.log %broadcast_in_dim3A_359 : vector<64x1xf32>
    %add3A_360 = arith.addf %broadcast_in_dim3A_352, %log3A : vector<64x1xf32>
    %sub3A_361 = vector.broadcast %add3A_360 : vector<64x1xf32> to vector<64x128xf32>
    %sub3A_362 = arith.subf %add3A_343, %sub3A_361 : vector<64x128xf32>
    %swap3A = arith.constant 0 : index
    %swap3A_363 = arith.constant 0 : index
    %swap3A_364 = vector.load %arg5[%swap3A, %swap3A_363] : memref<64x128xf32, #tpu.memory_space<vmem>>, vector<64x128xf32>
    tpu.vector_store %arg5[%swap3A, %swap3A_363], %sub3A_362 {strides = array<i32>} : memref<64x128xf32, #tpu.memory_space<vmem>>, vector<64x128xf32>,
    return
  }
}

</mosaic_0001>

<sc_bundles>
// kernel: gather_offload_async_start.1
scs
__scs_entry_jumppad:
0x0: {  	(pc) =	sbr.rel $0x88, $3  }
0x1: {  	(tag) =	ssettag $0x0;
	lr =	simm.s32 $0x1  }
0x2: {  	[smem:$0x3F80] =	sst lr;
	_ =	strace $0xD0000000  }
0x3: {  	_ = 	snop  }
0x4: {  	_ = 	snop  }
0x5: {  	_ = 	snop  }
0x6: {  	_ = 	snop  }
0x7: {  	_ = 	snop  }
__scs_overlays_trampoline_lowered:
0x8: {  	[smem:$0x3F8F] =	sst s0  }
0x9: {  	[smem:$0x3F90] =	sst s1  }
0xa: {  	[smem:$0x3F91] =	sst s2  }
0xb: {  	[smem:$0x3F92] =	sst s3  }
0xc: {  	[smem:$0x3F93] =	sst s4  }
0xd: {  	[smem:$0x3F94] =	sst s5  }
0xe: {  	[smem:$0x3F95] =	sst s6  }
0xf: {  	[smem:$0x3F96] =	sst s7  }
0x10: {  	[smem:$0x3F97] =	sst s8  }
0x11: {  	[smem:$0x3F98] =	sst s9;
	s0 =	simm.s32 @!p0 $0x0  }
0x12: {  	s1 =	sld [smem:$0x3F7E];
	s0 =	simm.s32 @p0 $0x1  }
0x13: {  	[smem:$0x3F99] =	sst s0;
	s0 =	simm.s32 @!p1 $0x0  }
0x14: {  	s2 =	sld [smem:$0x3F7D];
	s0 =	simm.s32 @p1 $0x1  }
0x15: {  	[smem:$0x3F9A] =	sst s0;
	s0 =	simm.s32 @!p2 $0x0  }
0x16: {  	s3 =	sld [smem:$0x3FDB];
	s0 =	simm.s32 @p2 $0x1  }
0x17: {  	s4 =	simm.s32 $0x1BF5;
	[smem:$0x3F9C] =	sst s0  }
0x18: {  	s0 =	sld [smem:$0x3F7F];
	_ =	swait.ge [sflag:s4], $0x0  }
0x19: {  	s7 =	sld [smem:$0x3F80]  }
0x1a: {  	s8 =	sadd.s32 $0xFFFFE003, lr  }
0x1b: {  	s9 =	sadd.s32 $0xFFFFFEF7, lr;
	s5 =	simm.s32 $0xFFFFFFFF;
	p2 =	slt.u32 s8, $0xFFFFF086  }
0x1c: {  	p1 =	slt.u32 s9, $0xF7A;
	s5 =	simm.s32 @!p2 $0x0  }
0x1d: {  	s5 =	simm.s32 @p1 $0x1;
	p0 =	seq.s32 s7, s2  }
0x1e: {  	s7 =	smul.u32 @!p0 $0xF7A, s2;
	p2 =	seq.s32 @!p0 s5, $0x0  }
0x1f: {  	s9 =	smul.u32 $0xF7A, s1;
	s8 =	simm.s32 @!p0 $0x1BF5;
	p2 =	por !p2, p0  }
0x20: {  	[sflag:s8] =	ssyncset.s32 @!p0 $0xFFFFF086;
	s6 =	sadd.s32 @!p0 s3, s7;
	s7 =	simm.s32 @!p0 $0x108  }
0x21: {  	s3 =	sadd.s32 s3, s9;
	s6 =	sadd.s32 @!p0 $0x88, s6;
	s7 =	simm.s32 @p2 $0x1082  }
0x22: {  	[simem:s7], [sflag:s8] =	dma.local @!p0 [hbm:s6], $0xF7A  }
0x23: {  	s9 =	sor.u32 $0xD0000000, s2;
	s6 =	simm.s32 $0x108;
	_ =	swait.ge @!p0 [sflag:s8], $0x0  }
0x24: {  	s3 =	sadd.s32 $0x88, s3;
	s6 =	simm.s32 @!p1 $0x1082;
	[sflag:s4] =	ssyncset.s32 $0xFFFFF086  }
0x25: {  	[simem:s6], [sflag:s4] =	dma.local [hbm:s3], $0xF7A  }
0x26: {  	[smem:$0x3F80] =	sst s1;
	(tag) =	ssettag s2;
	_ =	strace s9  }
0x27: {  	s1 =	sld [smem:$0x3F90]  }
0x28: {  	s2 =	sld [smem:$0x3F91]  }
0x29: {  	s4 =	sld [smem:$0x3F93]  }
0x2a: {  	p0 =	seq.s32 s5, $0x0;
	s5 =	sld [smem:$0x3F94]  }
0x2b: {  	s6 =	sld [smem:$0x3F95]  }
0x2c: {  	s7 =	sld [smem:$0x3F96]  }
0x2d: {  	s3 =	simm.s32 $0x108;
	s8 =	sld [smem:$0x3F97]  }
0x2e: {  	s3 =	simm.s32 @!p0 $0x1082;
	s9 =	sld [smem:$0x3F98]  }
0x2f: {  	lr =	sadd.s32 s0, s3;
	s0 =	sld [smem:$0x3F8F]  }
0x30: {  	s3 =	sld [smem:$0x3F92]  }
0x31: {  	[smem:$0x3F9B] =	sst s10  }
0x32: {  	s10 =	sld [smem:$0x3F99];
	_ =	sdelay $0x3  }
0x33: {  	p0 =	seq.s32 s10, $0x1;
	s10 =	sld [smem:$0x3F9B];
	_ =	sdelay $0x3  }
0x34: {  	[smem:$0x3F9B] =	sst s10  }
0x35: {  	s10 =	sld [smem:$0x3F9A];
	_ =	sdelay $0x3  }
0x36: {  	p1 =	seq.s32 s10, $0x1;
	s10 =	sld [smem:$0x3F9B];
	_ =	sdelay $0x3  }
0x37: {  	[smem:$0x3F9B] =	sst s10  }
0x38: {  	s10 =	sld [smem:$0x3F9C]  }
0x39: {  	_ = 	snop;
	(pc) =	sbr.ind lr, $3  }
0x3a: {  	_ = 	snop  }
0x3b: {  	_ = 	snop  }
0x3c: {  	p2 =	seq.s32 s10, $0x1;
	s10 =	sld [smem:$0x3F9B]  }
0x3d: {  	_ =	shalt  }
0x3e: {  	_ =	shalt  }
0x3f: {  	_ =	shalt  }
0x40: {  	_ =	shalt  }
0x41: {  	_ =	shalt  }
0x42: {  	_ =	shalt  }
0x43: {  	_ =	shalt  }
0x44: {  	_ =	shalt  }
0x45: {  	_ =	shalt  }
0x46: {  	_ =	shalt  }
0x47: {  	_ =	shalt  }
0x48: {  	_ =	shalt  }
0x49: {  	_ =	shalt  }
0x4a: {  	_ =	shalt  }
0x4b: {  	_ =	shalt  }
0x4c: {  	_ =	shalt  }
0x4d: {  	_ =	shalt  }
0x4e: {  	_ =	shalt  }
0x4f: {  	_ =	shalt  }
0x50: {  	_ =	shalt  }
0x51: {  	_ =	shalt  }
0x52: {  	_ =	shalt  }
0x53: {  	_ =	shalt  }
0x54: {  	_ =	shalt  }
0x55: {  	_ =	shalt  }
0x56: {  	_ =	shalt  }
0x57: {  	_ =	shalt  }
0x58: {  	_ =	shalt  }
0x59: {  	_ =	shalt  }
0x5a: {  	_ =	shalt  }
0x5b: {  	_ =	shalt  }
0x5c: {  	_ =	shalt  }
0x5d: {  	_ =	shalt  }
0x5e: {  	_ =	shalt  }
0x5f: {  	_ =	shalt  }
0x60: {  	_ =	shalt  }
0x61: {  	_ =	shalt  }
0x62: {  	_ =	shalt  }
0x63: {  	_ =	shalt  }
0x64: {  	_ =	shalt  }
0x65: {  	_ =	shalt  }
0x66: {  	_ =	shalt  }
0x67: {  	_ =	shalt  }
0x68: {  	_ =	shalt  }
0x69: {  	_ =	shalt  }
0x6a: {  	_ =	shalt  }
0x6b: {  	_ =	shalt  }
0x6c: {  	_ =	shalt  }
0x6d: {  	_ =	shalt  }
0x6e: {  	_ =	shalt  }
0x6f: {  	_ =	shalt  }
0x70: {  	_ =	shalt  }
0x71: {  	_ =	shalt  }
0x72: {  	_ =	shalt  }
0x73: {  	_ =	shalt  }
0x74: {  	_ =	shalt  }
0x75: {  	_ =	shalt  }
0x76: {  	_ =	shalt  }
0x77: {  	_ =	shalt  }
0x78: {  	_ =	shalt  }
0x79: {  	_ =	shalt  }
0x7a: {  	_ =	shalt  }
0x7b: {  	_ =	shalt  }
0x7c: {  	_ =	shalt  }
0x7d: {  	_ =	shalt  }
0x7e: {  	_ =	shalt  }
0x7f: {  	_ =	shalt  }
0x80: {  	_ =	shalt  }
0x81: {  	_ =	shalt  }
0x82: {  	_ =	shalt  }
0x83: {  	_ =	shalt  }
0x84: {  	_ =	shalt  }
0x85: {  	_ =	shalt  }
0x86: {  	_ =	shalt  }
0x87: {  	_ =	shalt  }
.Lfunc_end0:
.L_simem_size_0:
called_computation.1_lowered:
.L_overlay_start_0:
0x88: {  	s2 =	sld [smem:$0x3FD9]  }
0x89: {  	s3 =	sld [smem:$0x3FFE];
	_ =	sdelay $0x1  }
0x8a: {  	s1 =	srdreg.scid  }
0x8b: {  	s0 =	sand.u32 $0x1, s1  }
0x8c: {  	s16 =	sshll.u32 s0, $0xA;
	s2 =	sadd.s32 s3, s2  }
0x8d: {  	s2 =	sadd.s32 s2, s16  }
0x8e: {  	[smem:$0x3FA7] =	sst s2  }
0x8f: {  	_ = 	snop  }
0x90: {  	(tm) =	ssettm $0x1  }
0x91: {  	s17 =	sld [smem:$0x3FFB];
	_ =	sdelay $0x3  }
0x92: {  	_ =	strace s17  }
0x93: {  	s2 =	sld [smem:$0x3FFC];
	_ =	sdelay $0x3  }
0x94: {  	_ =	strace s2  }
0x95: {  	s2 =	sld [smem:$0x3FFD];
	_ =	sdelay $0x3  }
0x96: {  	_ =	strace s2  }
0x97: {  	_ =	strace $0x8FFFFFFF  }
0x98: {  	s18 =	sld [smem:$0x3FDB];
	_ =	sdelay $0x1  }
0x99: {  	s19 =	simm.s32 $_scs_section_size  }
0x9a: {  	s4 =	simm.s32 $_size__tile_overlayer_lowered;
	s5 =	simm.s32 $_tile_overlayer_lowered  }
0x9b: {  	s22 =	simm.s32 $0x1BFF;
	s21 =	sshll.u32 s5, $0x1;
	s2 =	sadd.s32 s19, s18  }
0x9c: {  	s6 =	simm.s32 $0x0;
	s20 =	sshll.u32 s4, $0x1;
	s4 =	sadd.s32 s21, s2  }
0x9d: {  	[timem:s6], [sflag:s22] =	dma.local [hbm:s4], s20  }
0x9e: {  	_ =	swait.ge [sflag:s22], s20  }
0x9f: {  	s3 =	ssub.s32 $0x0, s20;
	[sflag:s22] =	ssyncset.done $0x0  }
0xa0: {  	[sflag:s22] =	ssyncadd.s32 s3;
	_ =	sdelay $0x1  }
0xa1: {  	s23 =	simm.s32 $0x1B8B  }
0xa2: {  	_ =	swait.ge [sflag:s23], $0x1  }
0xa3: {  	[sflag:s23] =	ssyncset.done $0x0  }
0xa4: {  	s25 =	simm.s32 $0x1B8E;
	s24 =	sld [smem:$0x3FFE];
	[sflag:s23] =	ssyncadd.s32 $0xFFFFFFFF  }
0xa5: {  	s26 =	simm.s32 $execute0_lowered;
	[smem:$0x3FD2] =	sst s25  }
0xa6: {  	s4 =	sshll.u32 s26, $0x1;
	_ =	strace $0x80000046;
	[dreg:$0x1] =	wrdreg $0xFFFFFFFF  }
0xa7: {  	s28 =	simm.s32 $_size_execute0_lowered;
	s2 =	sadd.s32 s2, s4;
	[dreg:$0x0] =	wrdreg $0x0  }
0xa8: {  	s4 =	sshll.u32 s28, $0x1;
	[dreg:$0x2] =	wrdreg s2  }
0xa9: {  	[dreg:$0x3] =	wrdreg s4  }
0xaa: {  	[dreg:$0x4] =	wrdreg $0xC0  }
0xab: {  	_ =	task [dreg:s6], $0x5FFFF  }
0xac: {  	[dreg:$0x1] =	wrdreg $0xFFFFFFFF  }
0xad: {  	[dreg:$0x0] =	wrdreg $0x60  }
0xae: {  	[dreg:$0x2] =	wrdreg s24  }
0xaf: {  	[dreg:$0x3] =	wrdreg $0xA  }
0xb0: {  	_ =	task.clear_ibuf [dreg:s6], $0x4FFFF;
	_ =	strace $0x90000046  }
0xb1: {  	s29 =	simm.s32 $0xA;
	_ =	strace $0x80000048  }
0xb2: {  	_ =	swait.ge [sflag:s29], $0x1  }
0xb3: {  	[sflag:s29] =	ssyncadd.s32 $0xFFFFFFFF  }
0xb4: {  	_ =	strace $0x90000048  }
0xb5: {  	_ =	sfence  }
0xb6: {  	s30 =	sld [smem:$0x0];
	_ =	sdelay $0x2  }
0xb7: {  	s31 =	sshll.u32 s1, $0xD;
	s1 =	sshrl.u32 s1, $0x2  }
0xb8: {  	s3 =	sand.u32 $0x4000, s31;
	s1 =	sadd.s32 s1, s30  }
0xb9: {  	s0 =	sor.u32 s3, s0;
	s1 =	sshll.u32 s1, $0x11  }
0xba: {  	s0 =	sor.u32 s1, s0  }
0xbb: {  	s0 =	sadd.s32 $0x8F2B, s0  }
0xbc: {  	[sflag:s0] =	ssyncadd.remote.s32 $0x1  }
0xbd: {  	_ =	sfence.sel $0xFFFF  }
0xbe: {  	[dreg:$0x0] =	wrdreg $0xFFFFFFFF;
	(pc) =	sbr.abs _section_cstart, $3  }
0xbf: {  	[dreg:$0x1] =	wrdreg $0xFFFFFFFF  }
0xc0: {  	_ =	task.clear_ibuf [dreg:s6], $0x2FFFF;
	_ =	strace $0x9FFFFFFF  }
0xc1: {  	(tm) =	ssettm $0x7FFFFFFF  }
tec
execute0_lowered:
.L_overlay_start_1:
0x0: {  	(tag) =	ssettag $0x1  }
0x1: {  	s8 =	rddreg [dreg:$0x0]  }
0x2: {  	s0 =	rddreg [dreg:$0x1];
	_ =	strace $0x80000047;
	s1 =	stileid.u32  }
0x3: {  	s3 =	srdreg.scid;
	s4 =	simm.s32 $0x1;
	s7 =	simm.s32 $0x1  }
0x4: {  	s9 =	simm.s32 $0x1;
	s10 =	simm.s32 $0x3;
	s13 =	simm.s32 $0x0  }
0x5: {  	s12 =	simm.s32 $0x0;
	s5 =	sand.u32 $0x1, s3;
	s6 =	sshll.u32 s1, $0x1  }
0x6: {  	s2 =	sadd.s32 $0x10400, s8;
	s3 =	sadd.s32 $0x1A200, s8;
	s5 =	sor.u32 s6, s5  }
.Ltmp0:
0x7: {  	[sflag:s4] =	ssyncpa.u1 $0x0;
	p0 =	slt.u32 s5, $0x9;
	(pc) =	sbr.rel .LBB2_1-.Ltmp0, $4  }
0x8: {  	s6 =	simm.s32 $0x2;
	s7 =	simm.s32 @!p0 $0x0;
	p0 =	sne.s32 s5, $0x8  }
0x9: {  	[sflag:s6] =	ssyncpa.u1 $0x0;
	s5 =	smul.u32 $0x1F40, s5;
	s9 =	simm.s32 @!p0 $0x0  }
0xa: {  	s8 =	sadd.s32 $0x24000, s8;
	[sflag:s10] =	ssyncpa.u1 $0x0;
	s7 =	sadd.s32 s9, s7  }
0xb: {  	vm0 =	vmmov $0xffff;
	s10 =	simm.s32 $0x0;
	s11 =	smov.u32 s5;
	s9 =	sadd.s32 $0x1, s7  }
.LBB2_4:
0xc: {  	v2 =	vnsel vm1, $0x0, v2  }
0xd: {  	vm1 =	vgt.s32 v0, $0x0;
	v2 =	vmin.u32 v2, $0x4E1FF  }
0xe: {  	v0 =	vnsel vm1, $0x0, v0  }
0xf: {  	v0 =	vmin.u32 v0, $0x4E1FF  }
0x10: {  	[tilespmem:s18], [sflag:$0x1] =	stream.indirect_vreg.gather [hbm4b:s2+s10], $0x1, v1, vm0, $0x4038;
	[tilespmem:$0x7D00] =	vst v63  }
0x11: {  	(ifvalue) =	ssetifvalue $0x7FFFFFFF  }
0x12: {  	[tilespmem:s15], [sflag:$0x1] =	stream.indirect_vreg.gather [hbm4b:s2+s10], $0x1, v2, vm0, $0x4038;
	[tilespmem:$0x7D00] =	vst v63  }
0x13: {  	s29 =	sadd.s32 $0x10, s15;
	(ifvalue) =	ssetifvalue $0x7FFFFFFF  }
0x14: {  	[tilespmem:s29], [sflag:$0x1] =	stream.indirect_vreg.gather [hbm4b:s2+s10], $0x1, v0, vm0, $0x4038;
	[tilespmem:$0x7D00] =	vst v63  }
0x15: {  	_ =	swait.ge [sflag:s4], $0x1F40  }
0x16: {  	s30 =	sshrl.u32 s13, $0x3;
	[sflag:s4] =	ssyncset.done $0x0  }
0x17: {  	s31 =	sand.u32 $0x7, s13;
	s15 =	sadd.s32 s8, s30;
	[sflag:s4] =	ssyncadd.s32 $0xFFFFE0C0  }
0x18: {  	[hbm4b:s15+s31] =	stream.linear.scatter [tilespmem:s14], [sflag:$0x3], $0x1F40, $0x38;
	[tilespmem:$0x7D00] =	vst v63  }
.LBB2_5:
0x19: {  	s15 =	sadd.s32 $0x3E800, s11  }
0x1a: {  	p1 =	sgt.s32 s15, $0x4E1FF  }
0x1b: {  	s15 =	smov.u32 @p1 s5;
	p1 =	sne.s32 s12, s9  }
.Ltmp1:
0x1c: {  	p0 =	slt.u32 s12, $0x2;
	(pc) =	sbr.rel @!p1 .LBB2_6-.Ltmp1, $4  }
0x1d: {  	s14 =	simm.s32 @!p0 $0x3  }
0x1e: {  	_ =	swait.ge @!p0 [sflag:s14], $0x1F40  }
0x1f: {  	s16 =	sadd.s32 $0x1, s12;
	s13 =	smov.u32 s11;
	[sflag:s14] =	ssyncset.done @!p0 $0x0  }
0x20: {  	s12 =	smov.u32 s16;
	s11 =	smov.u32 s15;
	[sflag:s14] =	ssyncadd.s32 @!p0 $0xFFFFE0C0  }
.LBB2_1:
0x21: {  	p0 =	sge.u32 s12, s7  }
0x22: {  	s14 =	sxor.u32 @!p0 $0x1, s12  }
0x23: {  	s14 =	smul.u32 @!p0 $0x7D00, s14  }
0x24: {  	s31 =	sadd.s32 $0xFFFFFFFF, s12;
	s15 =	sshrl.u32 @!p0 s11, $0x3  }
0x25: {  	s16 =	sand.u32 @!p0 $0x7, s11;
	s15 =	sadd.s32 @!p0 s3, s15;
	s14 =	sshra.s32 @!p0 s14, $0x2  }
0x26: {  	[tilespmem:s14], [sflag:$0x2] =	stream.linear.gather @!p0 [hbm4b:s15+s16], $0x1F40, $0x38;
	[tilespmem:$0x7D00] =	vst v63  }
0x27: {  	p0 =	sge.u32 s31, s7  }
.Ltmp2:
0x28: {  	_ = 	snop;
	(pc) =	sbr.rel @p0 .LBB2_5-.Ltmp2, $1  }
0x29: {  	_ =	sdelay $0x3  }
0x2a: {  	s14 =	sand.u32 $0x1, s12  }
0x2b: {  	_ =	swait.ge [sflag:s6], $0x1F40;
	p0 =	seq.s32 s14, $0x1;
	s14 =	simm.s32 $0x1F40  }
0x2c: {  	[sflag:s6] =	ssyncset.done $0x0;
	s14 =	simm.s32 @!p0 $0x0  }
0x2d: {  	[sflag:s6] =	ssyncadd.s32 $0xFFFFE0C0;
	(ifvalue) =	ssetifvalue $0x7FFFFFFF;
	v0 =	vld.msk [tilespmem:s14+$0x0 ss:$0x1], $0xffff;
	_ =	sdelay $0x4  }
0x2e: {  	s15 =	sadd.s32 $0x10, s14;
	vm1 =	vgt.s32 v0, $0x0  }
0x2f: {  	v2 =	vld.msk [tilespmem:s15+$0x0 ss:$0x1], $0xffff;
	v1 =	vnsel vm1, $0x0, v0  }
0x30: {  	v1 =	vmin.u32 v1, $0x4E1FF;
	_ =	sdelay $0x2  }
0x31: {  	s17 =	simm.s32 $0x20;
	s14 =	sadd.s32 $0x3E80, s14;
	s16 =	sadd.s32 $0x10, s15  }
0x32: {  	s15 =	sadd.s32 $0x10, s14;
	s18 =	smov.u32 s14;
	v0 =	vld.msk [tilespmem:s16+$0x0 ss:$0x1], $0xffff;
	vm1 =	vgt.s32 v2, $0x0;
	(ifvalue) =	ssetifvalue $0x7FFFFFFF  }
.LBB2_3:
0x33: {  	[tilespmem:s18], [sflag:$0x1] =	stream.indirect_vreg.gather [hbm4b:s2+s10], $0x1, v1, vm0, $0x4038;
	[tilespmem:$0x7D00] =	vst v63  }
0x34: {  	s17 =	sadd.s32 $0x10, s17  }
0x35: {  	v2 =	vnsel vm1, $0x0, v2;
	p0 =	slt.u32 s17, $0x1F30  }
.Ltmp3:
0x36: {  	s18 =	smov.u32 s15;
	v1 =	vmin.u32 v2, $0x4E1FF;
	(pc) =	sbr.rel @p0 .LBB2_3-.Ltmp3, $3  }
0x37: {  	_ =	sdelay $0x1  }
0x38: {  	s16 =	sadd.s32 $0x10, s16  }
0x39: {  	vm1 =	vgt.s32 v0, $0x0;
	s15 =	sadd.s32 $0x10, s15;
	v2 =	vmov v0;
	(ifvalue) =	ssetifvalue $0x7FFFFFFF;
	v0 =	vld.msk [tilespmem:s16+$0x0 ss:$0x1], $0xffff  }
.Ltmp4:
0x3a: {  	_ = 	snop;
	(pc) =	sbr.rel .LBB2_4-.Ltmp4, $1  }
0x3b: {  	_ =	sdelay $0x3  }
.LBB2_6:
0x3c: {  	_ =	sfence.sel $0x180000  }
0x3d: {  	s2 =	simm.s32 $0x2;
	[bflag:$0x0] =	sbarrier.arrive $0xFFFF  }
0x3e: {  	s30 =	simm.s32 $0x3;
	[sflag:s2] =	ssyncpa.u1 $0x1  }
0x3f: {  	s31 =	simm.s32 $0x1;
	[sflag:s30] =	ssyncpa.u1 $0x1  }
0x40: {  	[sflag:s31] =	ssyncpa.u1 $0x1  }
0x41: {  	p0 =	sne.s32 s1, $0x0;
	_ =	strace $0x90000047  }
0x42: {  	s0 =	sadd.s32 @!p0 $0x100000, s0;
	[bflag:$0x2] =	sbarrier.arrive $0xFFFF  }
0x43: {  	[sflag:s0] =	ssyncadd.tile.s32 @!p0 $0x1;
	_ =	shalt  }
.Lfunc_end2:
_tile_overlayer_lowered:
.L_overlay_start_2:
0x44: {  	(tag) =	ssettag $0x2  }
0x45: {  	s0 =	rddreg [dreg:$0x0];
	s2 =	stileid.u32  }
0x46: {  	s1 =	rddreg [dreg:$0x1];
	p0 =	sne.s32 s2, $0x0  }
0x47: {  	s3 =	rddreg [dreg:$0x2];
	[bflag:$0x3] =	sbarrier.arrive $0xFFFF;
	s2 =	simm.s32 @!p0 $0x1C01  }
0x48: {  	[timem:s3], [sflag:s2] =	dma.local @!p0 [hbm:s0], s1  }
0x49: {  	s0 =	simm.s32 @!p0 $0x1  }
0x4a: {  	_ =	swait.ge @!p0 [sflag:s0], s1  }
0x4b: {  	s1 =	ssub.s32 @!p0 $0x0, s1;
	[sflag:s0] =	ssyncset.done @!p0 $0x0  }
0x4c: {  	[sflag:s0] =	ssyncadd.s32 @!p0 s1  }
0x4d: {  	[bflag:$0x3] =	sbarrier.arrive $0xFFFF  }
0x4e: {  	_ =	shalt  }

// kernel: gather_offload_async_start
scs
__scs_entry_jumppad:
0x0: {  	(pc) =	sbr.rel $0x88, $3  }
0x1: {  	(tag) =	ssettag $0x0;
	lr =	simm.s32 $0x1  }
0x2: {  	[smem:$0x3F80] =	sst lr;
	_ =	strace $0xD0000000  }
0x3: {  	_ = 	snop  }
0x4: {  	_ = 	snop  }
0x5: {  	_ = 	snop  }
0x6: {  	_ = 	snop  }
0x7: {  	_ = 	snop  }
__scs_overlays_trampoline_lowered:
0x8: {  	[smem:$0x3F8F] =	sst s0  }
0x9: {  	[smem:$0x3F90] =	sst s1  }
0xa: {  	[smem:$0x3F91] =	sst s2  }
0xb: {  	[smem:$0x3F92] =	sst s3  }
0xc: {  	[smem:$0x3F93] =	sst s4  }
0xd: {  	[smem:$0x3F94] =	sst s5  }
0xe: {  	[smem:$0x3F95] =	sst s6  }
0xf: {  	[smem:$0x3F96] =	sst s7  }
0x10: {  	[smem:$0x3F97] =	sst s8  }
0x11: {  	[smem:$0x3F98] =	sst s9;
	s0 =	simm.s32 @!p0 $0x0  }
0x12: {  	s1 =	sld [smem:$0x3F7E];
	s0 =	simm.s32 @p0 $0x1  }
0x13: {  	[smem:$0x3F99] =	sst s0;
	s0 =	simm.s32 @!p1 $0x0  }
0x14: {  	s2 =	sld [smem:$0x3F7D];
	s0 =	simm.s32 @p1 $0x1  }
0x15: {  	[smem:$0x3F9A] =	sst s0;
	s0 =	simm.s32 @!p2 $0x0  }
0x16: {  	s3 =	sld [smem:$0x3FDB];
	s0 =	simm.s32 @p2 $0x1  }
0x17: {  	s4 =	simm.s32 $0x1BF5;
	[smem:$0x3F9C] =	sst s0  }
0x18: {  	s0 =	sld [smem:$0x3F7F];
	_ =	swait.ge [sflag:s4], $0x0  }
0x19: {  	s7 =	sld [smem:$0x3F80]  }
0x1a: {  	s8 =	sadd.s32 $0xFFFFE003, lr  }
0x1b: {  	s9 =	sadd.s32 $0xFFFFFEF7, lr;
	s5 =	simm.s32 $0xFFFFFFFF;
	p2 =	slt.u32 s8, $0xFFFFF086  }
0x1c: {  	p1 =	slt.u32 s9, $0xF7A;
	s5 =	simm.s32 @!p2 $0x0  }
0x1d: {  	s5 =	simm.s32 @p1 $0x1;
	p0 =	seq.s32 s7, s2  }
0x1e: {  	s7 =	smul.u32 @!p0 $0xF7A, s2;
	p2 =	seq.s32 @!p0 s5, $0x0  }
0x1f: {  	s9 =	smul.u32 $0xF7A, s1;
	s8 =	simm.s32 @!p0 $0x1BF5;
	p2 =	por !p2, p0  }
0x20: {  	[sflag:s8] =	ssyncset.s32 @!p0 $0xFFFFF086;
	s6 =	sadd.s32 @!p0 s3, s7;
	s7 =	simm.s32 @!p0 $0x108  }
0x21: {  	s3 =	sadd.s32 s3, s9;
	s6 =	sadd.s32 @!p0 $0x88, s6;
	s7 =	simm.s32 @p2 $0x1082  }
0x22: {  	[simem:s7], [sflag:s8] =	dma.local @!p0 [hbm:s6], $0xF7A  }
0x23: {  	s9 =	sor.u32 $0xD0000000, s2;
	s6 =	simm.s32 $0x108;
	_ =	swait.ge @!p0 [sflag:s8], $0x0  }
0x24: {  	s3 =	sadd.s32 $0x88, s3;
	s6 =	simm.s32 @!p1 $0x1082;
	[sflag:s4] =	ssyncset.s32 $0xFFFFF086  }
0x25: {  	[simem:s6], [sflag:s4] =	dma.local [hbm:s3], $0xF7A  }
0x26: {  	[smem:$0x3F80] =	sst s1;
	(tag) =	ssettag s2;
	_ =	strace s9  }
0x27: {  	s1 =	sld [smem:$0x3F90]  }
0x28: {  	s2 =	sld [smem:$0x3F91]  }
0x29: {  	s4 =	sld [smem:$0x3F93]  }
0x2a: {  	p0 =	seq.s32 s5, $0x0;
	s5 =	sld [smem:$0x3F94]  }
0x2b: {  	s6 =	sld [smem:$0x3F95]  }
0x2c: {  	s7 =	sld [smem:$0x3F96]  }
0x2d: {  	s3 =	simm.s32 $0x108;
	s8 =	sld [smem:$0x3F97]  }
0x2e: {  	s3 =	simm.s32 @!p0 $0x1082;
	s9 =	sld [smem:$0x3F98]  }
0x2f: {  	lr =	sadd.s32 s0, s3;
	s0 =	sld [smem:$0x3F8F]  }
0x30: {  	s3 =	sld [smem:$0x3F92]  }
0x31: {  	[smem:$0x3F9B] =	sst s10  }
0x32: {  	s10 =	sld [smem:$0x3F99];
	_ =	sdelay $0x3  }
0x33: {  	p0 =	seq.s32 s10, $0x1;
	s10 =	sld [smem:$0x3F9B];
	_ =	sdelay $0x3  }
0x34: {  	[smem:$0x3F9B] =	sst s10  }
0x35: {  	s10 =	sld [smem:$0x3F9A];
	_ =	sdelay $0x3  }
0x36: {  	p1 =	seq.s32 s10, $0x1;
	s10 =	sld [smem:$0x3F9B];
	_ =	sdelay $0x3  }
0x37: {  	[smem:$0x3F9B] =	sst s10  }
0x38: {  	s10 =	sld [smem:$0x3F9C]  }
0x39: {  	_ = 	snop;
	(pc) =	sbr.ind lr, $3  }
0x3a: {  	_ = 	snop  }
0x3b: {  	_ = 	snop  }
0x3c: {  	p2 =	seq.s32 s10, $0x1;
	s10 =	sld [smem:$0x3F9B]  }
0x3d: {  	_ =	shalt  }
0x3e: {  	_ =	shalt  }
0x3f: {  	_ =	shalt  }
0x40: {  	_ =	shalt  }
0x41: {  	_ =	shalt  }
0x42: {  	_ =	shalt  }
0x43: {  	_ =	shalt  }
0x44: {  	_ =	shalt  }
0x45: {  	_ =	shalt  }
0x46: {  	_ =	shalt  }
0x47: {  	_ =	shalt  }
0x48: {  	_ =	shalt  }
0x49: {  	_ =	shalt  }
0x4a: {  	_ =	shalt  }
0x4b: {  	_ =	shalt  }
0x4c: {  	_ =	shalt  }
0x4d: {  	_ =	shalt  }
0x4e: {  	_ =	shalt  }
0x4f: {  	_ =	shalt  }
0x50: {  	_ =	shalt  }
0x51: {  	_ =	shalt  }
0x52: {  	_ =	shalt  }
0x53: {  	_ =	shalt  }
0x54: {  	_ =	shalt  }
0x55: {  	_ =	shalt  }
0x56: {  	_ =	shalt  }
0x57: {  	_ =	shalt  }
0x58: {  	_ =	shalt  }
0x59: {  	_ =	shalt  }
0x5a: {  	_ =	shalt  }
0x5b: {  	_ =	shalt  }
0x5c: {  	_ =	shalt  }
0x5d: {  	_ =	shalt  }
0x5e: {  	_ =	shalt  }
0x5f: {  	_ =	shalt  }
0x60: {  	_ =	shalt  }
0x61: {  	_ =	shalt  }
0x62: {  	_ =	shalt  }
0x63: {  	_ =	shalt  }
0x64: {  	_ =	shalt  }
0x65: {  	_ =	shalt  }
0x66: {  	_ =	shalt  }
0x67: {  	_ =	shalt  }
0x68: {  	_ =	shalt  }
0x69: {  	_ =	shalt  }
0x6a: {  	_ =	shalt  }
0x6b: {  	_ =	shalt  }
0x6c: {  	_ =	shalt  }
0x6d: {  	_ =	shalt  }
0x6e: {  	_ =	shalt  }
0x6f: {  	_ =	shalt  }
0x70: {  	_ =	shalt  }
0x71: {  	_ =	shalt  }
0x72: {  	_ =	shalt  }
0x73: {  	_ =	shalt  }
0x74: {  	_ =	shalt  }
0x75: {  	_ =	shalt  }
0x76: {  	_ =	shalt  }
0x77: {  	_ =	shalt  }
0x78: {  	_ =	shalt  }
0x79: {  	_ =	shalt  }
0x7a: {  	_ =	shalt  }
0x7b: {  	_ =	shalt  }
0x7c: {  	_ =	shalt  }
0x7d: {  	_ =	shalt  }
0x7e: {  	_ =	shalt  }
0x7f: {  	_ =	shalt  }
0x80: {  	_ =	shalt  }
0x81: {  	_ =	shalt  }
0x82: {  	_ =	shalt  }
0x83: {  	_ =	shalt  }
0x84: {  	_ =	shalt  }
0x85: {  	_ =	shalt  }
0x86: {  	_ =	shalt  }
0x87: {  	_ =	shalt  }
.Lfunc_end0:
.L_simem_size_0:
called_computation_lowered:
.L_overlay_start_0:
0x88: {  	s2 =	sld [smem:$0x3FD9]  }
0x89: {  	s3 =	sld [smem:$0x3FFE];
	_ =	sdelay $0x1  }
0x8a: {  	s1 =	srdreg.scid  }
0x8b: {  	s0 =	sand.u32 $0x1, s1  }
0x8c: {  	s17 =	sshll.u32 s0, $0xA;
	s2 =	sadd.s32 s3, s2  }
0x8d: {  	s2 =	sadd.s32 s2, s17  }
0x8e: {  	[smem:$0x3FA7] =	sst s2  }
0x8f: {  	_ = 	snop  }
0x90: {  	(tm) =	ssettm $0x1  }
0x91: {  	s18 =	sld [smem:$0x3FFB];
	_ =	sdelay $0x3  }
0x92: {  	_ =	strace s18  }
0x93: {  	s2 =	sld [smem:$0x3FFC];
	_ =	sdelay $0x3  }
0x94: {  	_ =	strace s2  }
0x95: {  	s2 =	sld [smem:$0x3FFD];
	_ =	sdelay $0x3  }
0x96: {  	_ =	strace s2  }
0x97: {  	_ =	strace $0x8FFFFFFF  }
0x98: {  	s19 =	sld [smem:$0x3FDB];
	_ =	sdelay $0x1  }
0x99: {  	s20 =	simm.s32 $_scs_section_size  }
0x9a: {  	s4 =	simm.s32 $_size__tile_overlayer_lowered;
	s5 =	simm.s32 $_tile_overlayer_lowered  }
0x9b: {  	s6 =	simm.s32 $0x1BFF;
	s21 =	sshll.u32 s5, $0x1;
	s3 =	sadd.s32 s20, s19  }
0x9c: {  	s22 =	simm.s32 $0x0;
	s4 =	sshll.u32 s4, $0x1;
	s5 =	sadd.s32 s21, s3  }
0x9d: {  	[timem:s22], [sflag:s6] =	dma.local [hbm:s5], s4  }
0x9e: {  	_ =	swait.ge [sflag:s6], s4  }
0x9f: {  	s4 =	ssub.s32 $0x0, s4;
	[sflag:s6] =	ssyncset.done $0x0  }
0xa0: {  	[sflag:s6] =	ssyncadd.s32 s4;
	_ =	sdelay $0x1  }
0xa1: {  	s23 =	simm.s32 $0x1B8B  }
0xa2: {  	_ =	swait.ge [sflag:s23], $0x1  }
0xa3: {  	[sflag:s23] =	ssyncset.done $0x0  }
0xa4: {  	[sflag:s23] =	ssyncadd.s32 $0xFFFFFFFF  }
0xa5: {  	s4 =	sld [smem:$0x0]  }
0xa6: {  	s5 =	sand.u32 $0xFFFFFFFE, s1  }
0xa7: {  	p0 =	sne.s32 s1, s5  }
0xa8: {  	s5 =	sshll.u32 @p0 s5, $0xE  }
0xa9: {  	s5 =	sadd.s32 @p0 $0x11B8D, s5;
	s6 =	sshll.u32 @p0 s4, $0x11  }
0xaa: {  	s5 =	sor.u32 @p0 s6, s5  }
0xab: {  	[sflag:s5] =	ssyncadd.remote.s32 @p0 $0x1;
	_ =	sdelay $0x1  }
0xac: {  	s5 =	simm.s32 @p0 $0x1B8D  }
0xad: {  	_ =	swait.eq @p0 [sflag:s5], $0x1  }
0xae: {  	[sflag:s5] =	ssyncadd.s32 @p0 $0xFFFFFFFF  }
0xaf: {  	s6 =	sshll.u32 @!p0 s1, $0xE  }
0xb0: {  	s6 =	sor.u32 @!p0 $0x4000, s6;
	s5 =	simm.s32 @!p0 $0x1B8D  }
0xb1: {  	s4 =	sshll.u32 @!p0 s4, $0x11;
	s6 =	sadd.s32 @!p0 $0x11B8D, s6;
	_ =	swait.eq @!p0 [sflag:s5], $0x1  }
0xb2: {  	s4 =	sor.u32 @!p0 s4, s6;
	[sflag:s5] =	ssyncadd.s32 @!p0 $0xFFFFFFFF  }
0xb3: {  	s25 =	simm.s32 $0x1B8E;
	s24 =	sld [smem:$0x3FFE];
	[sflag:s4] =	ssyncadd.remote.s32 @!p0 $0x1  }
0xb4: {  	s26 =	simm.s32 $execute0_lowered;
	[smem:$0x3FD2] =	sst s25  }
0xb5: {  	s5 =	sshll.u32 s26, $0x1;
	_ =	strace $0x80000049;
	[dreg:$0x1] =	wrdreg $0xFFFFFFFF  }
0xb6: {  	s28 =	simm.s32 $_size_execute0_lowered;
	s3 =	sadd.s32 s3, s5;
	[dreg:$0x0] =	wrdreg $0x0  }
0xb7: {  	s5 =	sshll.u32 s28, $0x1;
	[dreg:$0x2] =	wrdreg s3  }
0xb8: {  	[dreg:$0x3] =	wrdreg s5  }
0xb9: {  	[dreg:$0x4] =	wrdreg $0xC0  }
0xba: {  	_ =	task [dreg:s22], $0x5FFFF  }
0xbb: {  	[dreg:$0x1] =	wrdreg $0xFFFFFFFF  }
0xbc: {  	[dreg:$0x0] =	wrdreg $0x60  }
0xbd: {  	[dreg:$0x2] =	wrdreg s24  }
0xbe: {  	[dreg:$0x3] =	wrdreg $0x9  }
0xbf: {  	_ =	task.clear_ibuf [dreg:s22], $0x4FFFF;
	_ =	strace $0x90000049  }
0xc0: {  	s29 =	simm.s32 $0x9;
	_ =	strace $0x8000004B  }
0xc1: {  	_ =	swait.ge [sflag:s29], $0x1  }
0xc2: {  	[sflag:s29] =	ssyncadd.s32 $0xFFFFFFFF  }
0xc3: {  	_ =	strace $0x9000004B  }
0xc4: {  	_ =	sfence  }
0xc5: {  	s30 =	sld [smem:$0x0];
	_ =	sdelay $0x2  }
0xc6: {  	s31 =	sshll.u32 s1, $0xD;
	s1 =	sshrl.u32 s1, $0x2  }
0xc7: {  	s4 =	sand.u32 $0x4000, s31;
	s1 =	sadd.s32 s1, s30  }
0xc8: {  	s0 =	sor.u32 s4, s0;
	s1 =	sshll.u32 s1, $0x11  }
0xc9: {  	s0 =	sor.u32 s1, s0  }
0xca: {  	s0 =	sadd.s32 $0x8F2B, s0  }
0xcb: {  	[sflag:s0] =	ssyncadd.remote.s32 $0x1  }
0xcc: {  	_ =	sfence.sel $0xFFFF  }
0xcd: {  	[dreg:$0x0] =	wrdreg $0xFFFFFFFF;
	(pc) =	sbr.abs _section_cstart, $3  }
0xce: {  	[dreg:$0x1] =	wrdreg $0xFFFFFFFF  }
0xcf: {  	_ =	task.clear_ibuf [dreg:s22], $0x2FFFF;
	_ =	strace $0x9FFFFFFF  }
0xd0: {  	(tm) =	ssettm $0x7FFFFFFF  }
0xd1: {  	_ =	shalt  }
tec
execute0_lowered:
.L_overlay_start_1:
0x0: {  	(tag) =	ssettag $0x1  }
0x1: {  	s8 =	rddreg [dreg:$0x0]  }
0x2: {  	s0 =	rddreg [dreg:$0x1];
	_ =	strace $0x8000004A;
	s1 =	stileid.u32  }
0x3: {  	s3 =	srdreg.scid;
	s4 =	simm.s32 $0x1;
	s7 =	simm.s32 $0x1  }
0x4: {  	s9 =	simm.s32 $0x1;
	s10 =	simm.s32 $0x3;
	s13 =	simm.s32 $0x0  }
0x5: {  	s12 =	simm.s32 $0x0;
	s5 =	sand.u32 $0x1, s3;
	s6 =	sshll.u32 s1, $0x1  }
0x6: {  	s2 =	sadd.s32 $0x6600, s8;
	s3 =	sadd.s32 $0x1A200, s8;
	s5 =	sor.u32 s6, s5  }
.Ltmp0:
0x7: {  	[sflag:s4] =	ssyncpa.u1 $0x0;
	p0 =	slt.u32 s5, $0x9;
	(pc) =	sbr.rel .LBB2_1-.Ltmp0, $4  }
0x8: {  	s6 =	simm.s32 $0x2;
	s7 =	simm.s32 @!p0 $0x0;
	p0 =	sne.s32 s5, $0x8  }
0x9: {  	[sflag:s6] =	ssyncpa.u1 $0x0;
	s5 =	smul.u32 $0x1F40, s5;
	s9 =	simm.s32 @!p0 $0x0  }
0xa: {  	s8 =	sadd.s32 $0x2DE00, s8;
	[sflag:s10] =	ssyncpa.u1 $0x0;
	s7 =	sadd.s32 s9, s7  }
0xb: {  	vm0 =	vmmov $0xffff;
	s10 =	simm.s32 $0x0;
	s11 =	smov.u32 s5;
	s9 =	sadd.s32 $0x1, s7  }
.LBB2_4:
0xc: {  	v2 =	vnsel vm1, $0x0, v2  }
0xd: {  	vm1 =	vgt.s32 v0, $0x0;
	v2 =	vmin.u32 v2, $0x4E1FF  }
0xe: {  	v0 =	vnsel vm1, $0x0, v0  }
0xf: {  	v0 =	vmin.u32 v0, $0x4E1FF  }
0x10: {  	[tilespmem:s18], [sflag:$0x1] =	stream.indirect_vreg.gather [hbm4b:s2+s10], $0x1, v1, vm0, $0x4038;
	[tilespmem:$0x7D00] =	vst v63  }
0x11: {  	(ifvalue) =	ssetifvalue $0x7FFFFFFF  }
0x12: {  	[tilespmem:s15], [sflag:$0x1] =	stream.indirect_vreg.gather [hbm4b:s2+s10], $0x1, v2, vm0, $0x4038;
	[tilespmem:$0x7D00] =	vst v63  }
0x13: {  	s29 =	sadd.s32 $0x10, s15;
	(ifvalue) =	ssetifvalue $0x7FFFFFFF  }
0x14: {  	[tilespmem:s29], [sflag:$0x1] =	stream.indirect_vreg.gather [hbm4b:s2+s10], $0x1, v0, vm0, $0x4038;
	[tilespmem:$0x7D00] =	vst v63  }
0x15: {  	_ =	swait.ge [sflag:s4], $0x1F40  }
0x16: {  	s30 =	sshrl.u32 s13, $0x3;
	[sflag:s4] =	ssyncset.done $0x0  }
0x17: {  	s31 =	sand.u32 $0x7, s13;
	s15 =	sadd.s32 s8, s30;
	[sflag:s4] =	ssyncadd.s32 $0xFFFFE0C0  }
0x18: {  	[hbm4b:s15+s31] =	stream.linear.scatter [tilespmem:s14], [sflag:$0x3], $0x1F40, $0x38;
	[tilespmem:$0x7D00] =	vst v63  }
.LBB2_5:
0x19: {  	s15 =	sadd.s32 $0x3E800, s11  }
0x1a: {  	p1 =	sgt.s32 s15, $0x4E1FF  }
0x1b: {  	s15 =	smov.u32 @p1 s5;
	p1 =	sne.s32 s12, s9  }
.Ltmp1:
0x1c: {  	p0 =	slt.u32 s12, $0x2;
	(pc) =	sbr.rel @!p1 .LBB2_6-.Ltmp1, $4  }
0x1d: {  	s14 =	simm.s32 @!p0 $0x3  }
0x1e: {  	_ =	swait.ge @!p0 [sflag:s14], $0x1F40  }
0x1f: {  	s16 =	sadd.s32 $0x1, s12;
	s13 =	smov.u32 s11;
	[sflag:s14] =	ssyncset.done @!p0 $0x0  }
0x20: {  	s12 =	smov.u32 s16;
	s11 =	smov.u32 s15;
	[sflag:s14] =	ssyncadd.s32 @!p0 $0xFFFFE0C0  }
.LBB2_1:
0x21: {  	p0 =	sge.u32 s12, s7  }
0x22: {  	s14 =	sxor.u32 @!p0 $0x1, s12  }
0x23: {  	s14 =	smul.u32 @!p0 $0x7D00, s14  }
0x24: {  	s31 =	sadd.s32 $0xFFFFFFFF, s12;
	s15 =	sshrl.u32 @!p0 s11, $0x3  }
0x25: {  	s16 =	sand.u32 @!p0 $0x7, s11;
	s15 =	sadd.s32 @!p0 s3, s15;
	s14 =	sshra.s32 @!p0 s14, $0x2  }
0x26: {  	[tilespmem:s14], [sflag:$0x2] =	stream.linear.gather @!p0 [hbm4b:s15+s16], $0x1F40, $0x38;
	[tilespmem:$0x7D00] =	vst v63  }
0x27: {  	p0 =	sge.u32 s31, s7  }
.Ltmp2:
0x28: {  	_ = 	snop;
	(pc) =	sbr.rel @p0 .LBB2_5-.Ltmp2, $1  }
0x29: {  	_ =	sdelay $0x3  }
0x2a: {  	s14 =	sand.u32 $0x1, s12  }
0x2b: {  	_ =	swait.ge [sflag:s6], $0x1F40;
	p0 =	seq.s32 s14, $0x1;
	s14 =	simm.s32 $0x1F40  }
0x2c: {  	[sflag:s6] =	ssyncset.done $0x0;
	s14 =	simm.s32 @!p0 $0x0  }
0x2d: {  	[sflag:s6] =	ssyncadd.s32 $0xFFFFE0C0;
	(ifvalue) =	ssetifvalue $0x7FFFFFFF;
	v0 =	vld.msk [tilespmem:s14+$0x0 ss:$0x1], $0xffff;
	_ =	sdelay $0x4  }
0x2e: {  	s15 =	sadd.s32 $0x10, s14;
	vm1 =	vgt.s32 v0, $0x0  }
0x2f: {  	v2 =	vld.msk [tilespmem:s15+$0x0 ss:$0x1], $0xffff;
	v1 =	vnsel vm1, $0x0, v0  }
0x30: {  	v1 =	vmin.u32 v1, $0x4E1FF;
	_ =	sdelay $0x2  }
0x31: {  	s17 =	simm.s32 $0x20;
	s14 =	sadd.s32 $0x3E80, s14;
	s16 =	sadd.s32 $0x10, s15  }
0x32: {  	s15 =	sadd.s32 $0x10, s14;
	s18 =	smov.u32 s14;
	v0 =	vld.msk [tilespmem:s16+$0x0 ss:$0x1], $0xffff;
	vm1 =	vgt.s32 v2, $0x0;
	(ifvalue) =	ssetifvalue $0x7FFFFFFF  }
.LBB2_3:
0x33: {  	[tilespmem:s18], [sflag:$0x1] =	stream.indirect_vreg.gather [hbm4b:s2+s10], $0x1, v1, vm0, $0x4038;
	[tilespmem:$0x7D00] =	vst v63  }
0x34: {  	s17 =	sadd.s32 $0x10, s17  }
0x35: {  	v2 =	vnsel vm1, $0x0, v2;
	p0 =	slt.u32 s17, $0x1F30  }
.Ltmp3:
0x36: {  	s18 =	smov.u32 s15;
	v1 =	vmin.u32 v2, $0x4E1FF;
	(pc) =	sbr.rel @p0 .LBB2_3-.Ltmp3, $3  }
0x37: {  	_ =	sdelay $0x1  }
0x38: {  	s16 =	sadd.s32 $0x10, s16  }
0x39: {  	vm1 =	vgt.s32 v0, $0x0;
	s15 =	sadd.s32 $0x10, s15;
	v2 =	vmov v0;
	(ifvalue) =	ssetifvalue $0x7FFFFFFF;
	v0 =	vld.msk [tilespmem:s16+$0x0 ss:$0x1], $0xffff  }
.Ltmp4:
0x3a: {  	_ = 	snop;
	(pc) =	sbr.rel .LBB2_4-.Ltmp4, $1  }
0x3b: {  	_ =	sdelay $0x3  }
.LBB2_6:
0x3c: {  	_ =	sfence.sel $0x180000  }
0x3d: {  	s2 =	simm.s32 $0x2;
	[bflag:$0x0] =	sbarrier.arrive $0xFFFF  }
0x3e: {  	s30 =	simm.s32 $0x3;
	[sflag:s2] =	ssyncpa.u1 $0x1  }
0x3f: {  	s31 =	simm.s32 $0x1;
	[sflag:s30] =	ssyncpa.u1 $0x1  }
0x40: {  	[sflag:s31] =	ssyncpa.u1 $0x1  }
0x41: {  	p0 =	sne.s32 s1, $0x0;
	_ =	strace $0x9000004A  }
0x42: {  	s0 =	sadd.s32 @!p0 $0x100000, s0;
	[bflag:$0x2] =	sbarrier.arrive $0xFFFF  }
0x43: {  	[sflag:s0] =	ssyncadd.tile.s32 @!p0 $0x1;
	_ =	shalt  }
.Lfunc_end2:
_tile_overlayer_lowered:
.L_overlay_start_2:
0x44: {  	(tag) =	ssettag $0x2  }
0x45: {  	s0 =	rddreg [dreg:$0x0];
	s2 =	stileid.u32  }
0x46: {  	s1 =	rddreg [dreg:$0x1];
	p0 =	sne.s32 s2, $0x0  }
0x47: {  	s3 =	rddreg [dreg:$0x2];
	[bflag:$0x3] =	sbarrier.arrive $0xFFFF;
	s2 =	simm.s32 @!p0 $0x1C01  }
0x48: {  	[timem:s3], [sflag:s2] =	dma.local @!p0 [hbm:s0], s1  }
0x49: {  	s0 =	simm.s32 @!p0 $0x1  }
0x4a: {  	_ =	swait.ge @!p0 [sflag:s0], s1  }
0x4b: {  	s1 =	ssub.s32 @!p0 $0x0, s1;
	[sflag:s0] =	ssyncset.done @!p0 $0x0  }
0x4c: {  	[sflag:s0] =	ssyncadd.s32 @!p0 s1  }
0x4d: {  	[bflag:$0x3] =	sbarrier.arrive $0xFFFF  }
0x4e: {  	_ =	shalt  }

// kernel: kernel.13.cloned.1.call-start
scs
__scs_entry_jumppad:
0x0: {  	(pc) =	sbr.rel $0x88, $3  }
0x1: {  	(tag) =	ssettag $0x0;
	lr =	simm.s32 $0x1  }
0x2: {  	[smem:$0x3F80] =	sst lr;
	_ =	strace $0xD0000000  }
0x3: {  	_ = 	snop  }
0x4: {  	_ = 	snop  }
0x5: {  	_ = 	snop  }
0x6: {  	_ = 	snop  }
0x7: {  	_ = 	snop  }
__scs_overlays_trampoline_lowered:
0x8: {  	[smem:$0x3F8F] =	sst s0  }
0x9: {  	[smem:$0x3F90] =	sst s1  }
0xa: {  	[smem:$0x3F91] =	sst s2  }
0xb: {  	[smem:$0x3F92] =	sst s3  }
0xc: {  	[smem:$0x3F93] =	sst s4  }
0xd: {  	[smem:$0x3F94] =	sst s5  }
0xe: {  	[smem:$0x3F95] =	sst s6  }
0xf: {  	[smem:$0x3F96] =	sst s7  }
0x10: {  	[smem:$0x3F97] =	sst s8  }
0x11: {  	[smem:$0x3F98] =	sst s9;
	s0 =	simm.s32 @!p0 $0x0  }
0x12: {  	s1 =	sld [smem:$0x3F7E];
	s0 =	simm.s32 @p0 $0x1  }
0x13: {  	[smem:$0x3F99] =	sst s0;
	s0 =	simm.s32 @!p1 $0x0  }
0x14: {  	s2 =	sld [smem:$0x3F7D];
	s0 =	simm.s32 @p1 $0x1  }
0x15: {  	[smem:$0x3F9A] =	sst s0;
	s0 =	simm.s32 @!p2 $0x0  }
0x16: {  	s3 =	sld [smem:$0x3FDB];
	s0 =	simm.s32 @p2 $0x1  }
0x17: {  	s4 =	simm.s32 $0x1BF5;
	[smem:$0x3F9C] =	sst s0  }
0x18: {  	s0 =	sld [smem:$0x3F7F];
	_ =	swait.ge [sflag:s4], $0x0  }
0x19: {  	s7 =	sld [smem:$0x3F80]  }
0x1a: {  	s8 =	sadd.s32 $0xFFFFE003, lr  }
0x1b: {  	s9 =	sadd.s32 $0xFFFFFEF7, lr;
	s5 =	simm.s32 $0xFFFFFFFF;
	p2 =	slt.u32 s8, $0xFFFFF086  }
0x1c: {  	p1 =	slt.u32 s9, $0xF7A;
	s5 =	simm.s32 @!p2 $0x0  }
0x1d: {  	s5 =	simm.s32 @p1 $0x1;
	p0 =	seq.s32 s7, s2  }
0x1e: {  	s7 =	smul.u32 @!p0 $0xF7A, s2;
	p2 =	seq.s32 @!p0 s5, $0x0  }
0x1f: {  	s9 =	smul.u32 $0xF7A, s1;
	s8 =	simm.s32 @!p0 $0x1BF5;
	p2 =	por !p2, p0  }
0x20: {  	[sflag:s8] =	ssyncset.s32 @!p0 $0xFFFFF086;
	s6 =	sadd.s32 @!p0 s3, s7;
	s7 =	simm.s32 @!p0 $0x108  }
0x21: {  	s3 =	sadd.s32 s3, s9;
	s6 =	sadd.s32 @!p0 $0x88, s6;
	s7 =	simm.s32 @p2 $0x1082  }
0x22: {  	[simem:s7], [sflag:s8] =	dma.local @!p0 [hbm:s6], $0xF7A  }
0x23: {  	s9 =	sor.u32 $0xD0000000, s2;
	s6 =	simm.s32 $0x108;
	_ =	swait.ge @!p0 [sflag:s8], $0x0  }
0x24: {  	s3 =	sadd.s32 $0x88, s3;
	s6 =	simm.s32 @!p1 $0x1082;
	[sflag:s4] =	ssyncset.s32 $0xFFFFF086  }
0x25: {  	[simem:s6], [sflag:s4] =	dma.local [hbm:s3], $0xF7A  }
0x26: {  	[smem:$0x3F80] =	sst s1;
	(tag) =	ssettag s2;
	_ =	strace s9  }
0x27: {  	s1 =	sld [smem:$0x3F90]  }
0x28: {  	s2 =	sld [smem:$0x3F91]  }
0x29: {  	s4 =	sld [smem:$0x3F93]  }
0x2a: {  	p0 =	seq.s32 s5, $0x0;
	s5 =	sld [smem:$0x3F94]  }
0x2b: {  	s6 =	sld [smem:$0x3F95]  }
0x2c: {  	s7 =	sld [smem:$0x3F96]  }
0x2d: {  	s3 =	simm.s32 $0x108;
	s8 =	sld [smem:$0x3F97]  }
0x2e: {  	s3 =	simm.s32 @!p0 $0x1082;
	s9 =	sld [smem:$0x3F98]  }
0x2f: {  	lr =	sadd.s32 s0, s3;
	s0 =	sld [smem:$0x3F8F]  }
0x30: {  	s3 =	sld [smem:$0x3F92]  }
0x31: {  	[smem:$0x3F9B] =	sst s10  }
0x32: {  	s10 =	sld [smem:$0x3F99];
	_ =	sdelay $0x3  }
0x33: {  	p0 =	seq.s32 s10, $0x1;
	s10 =	sld [smem:$0x3F9B];
	_ =	sdelay $0x3  }
0x34: {  	[smem:$0x3F9B] =	sst s10  }
0x35: {  	s10 =	sld [smem:$0x3F9A];
	_ =	sdelay $0x3  }
0x36: {  	p1 =	seq.s32 s10, $0x1;
	s10 =	sld [smem:$0x3F9B];
	_ =	sdelay $0x3  }
0x37: {  	[smem:$0x3F9B] =	sst s10  }
0x38: {  	s10 =	sld [smem:$0x3F9C]  }
0x39: {  	_ = 	snop;
	(pc) =	sbr.ind lr, $3  }
0x3a: {  	_ = 	snop  }
0x3b: {  	_ = 	snop  }
0x3c: {  	p2 =	seq.s32 s10, $0x1;
	s10 =	sld [smem:$0x3F9B]  }
0x3d: {  	_ =	shalt  }
0x3e: {  	_ =	shalt  }
0x3f: {  	_ =	shalt  }
0x40: {  	_ =	shalt  }
0x41: {  	_ =	shalt  }
0x42: {  	_ =	shalt  }
0x43: {  	_ =	shalt  }
0x44: {  	_ =	shalt  }
0x45: {  	_ =	shalt  }
0x46: {  	_ =	shalt  }
0x47: {  	_ =	shalt  }
0x48: {  	_ =	shalt  }
0x49: {  	_ =	shalt  }
0x4a: {  	_ =	shalt  }
0x4b: {  	_ =	shalt  }
0x4c: {  	_ =	shalt  }
0x4d: {  	_ =	shalt  }
0x4e: {  	_ =	shalt  }
0x4f: {  	_ =	shalt  }
0x50: {  	_ =	shalt  }
0x51: {  	_ =	shalt  }
0x52: {  	_ =	shalt  }
0x53: {  	_ =	shalt  }
0x54: {  	_ =	shalt  }
0x55: {  	_ =	shalt  }
0x56: {  	_ =	shalt  }
0x57: {  	_ =	shalt  }
0x58: {  	_ =	shalt  }
0x59: {  	_ =	shalt  }
0x5a: {  	_ =	shalt  }
0x5b: {  	_ =	shalt  }
0x5c: {  	_ =	shalt  }
0x5d: {  	_ =	shalt  }
0x5e: {  	_ =	shalt  }
0x5f: {  	_ =	shalt  }
0x60: {  	_ =	shalt  }
0x61: {  	_ =	shalt  }
0x62: {  	_ =	shalt  }
0x63: {  	_ =	shalt  }
0x64: {  	_ =	shalt  }
0x65: {  	_ =	shalt  }
0x66: {  	_ =	shalt  }
0x67: {  	_ =	shalt  }
0x68: {  	_ =	shalt  }
0x69: {  	_ =	shalt  }
0x6a: {  	_ =	shalt  }
0x6b: {  	_ =	shalt  }
0x6c: {  	_ =	shalt  }
0x6d: {  	_ =	shalt  }
0x6e: {  	_ =	shalt  }
0x6f: {  	_ =	shalt  }
0x70: {  	_ =	shalt  }
0x71: {  	_ =	shalt  }
0x72: {  	_ =	shalt  }
0x73: {  	_ =	shalt  }
0x74: {  	_ =	shalt  }
0x75: {  	_ =	shalt  }
0x76: {  	_ =	shalt  }
0x77: {  	_ =	shalt  }
0x78: {  	_ =	shalt  }
0x79: {  	_ =	shalt  }
0x7a: {  	_ =	shalt  }
0x7b: {  	_ =	shalt  }
0x7c: {  	_ =	shalt  }
0x7d: {  	_ =	shalt  }
0x7e: {  	_ =	shalt  }
0x7f: {  	_ =	shalt  }
0x80: {  	_ =	shalt  }
0x81: {  	_ =	shalt  }
0x82: {  	_ =	shalt  }
0x83: {  	_ =	shalt  }
0x84: {  	_ =	shalt  }
0x85: {  	_ =	shalt  }
0x86: {  	_ =	shalt  }
0x87: {  	_ =	shalt  }
.Lfunc_end0:
.L_simem_size_0:
called_computation.2_lowered:
.L_overlay_start_0:
0x88: {  	s2 =	sld [smem:$0x3FD9]  }
0x89: {  	s3 =	sld [smem:$0x3FFE];
	_ =	sdelay $0x1  }
0x8a: {  	s1 =	srdreg.scid  }
0x8b: {  	s0 =	sand.u32 $0x1, s1  }
0x8c: {  	s17 =	sshll.u32 s0, $0xA;
	s2 =	sadd.s32 s3, s2  }
0x8d: {  	s2 =	sadd.s32 s2, s17  }
0x8e: {  	[smem:$0x3FA7] =	sst s2  }
0x8f: {  	_ = 	snop  }
0x90: {  	s2 =	sld [smem:$0x3FC9];
	(tm) =	ssettm $0x1  }
0x91: {  	s18 =	sld [smem:$0x3FFB];
	_ =	sdelay $0x3  }
0x92: {  	_ =	strace s18  }
0x93: {  	s3 =	sld [smem:$0x3FFC];
	_ =	sdelay $0x3  }
0x94: {  	_ =	strace s3  }
0x95: {  	s3 =	sld [smem:$0x3FFD];
	_ =	sdelay $0x3  }
0x96: {  	_ =	strace s3  }
0x97: {  	_ =	strace $0x8FFFFFFF  }
0x98: {  	s19 =	sld [smem:$0x3FDB];
	_ =	sdelay $0x1  }
0x99: {  	s4 =	simm.s32 $_scs_section_size  }
0x9a: {  	s5 =	simm.s32 $_size__tile_overlayer_lowered;
	s6 =	simm.s32 $_tile_overlayer_lowered  }
0x9b: {  	s22 =	simm.s32 $0x1BFF;
	s21 =	sshll.u32 s6, $0x1;
	s3 =	sadd.s32 s4, s19  }
0x9c: {  	s7 =	simm.s32 $0x0;
	s20 =	sshll.u32 s5, $0x1;
	s5 =	sadd.s32 s21, s3  }
0x9d: {  	[timem:s7], [sflag:s22] =	dma.local [hbm:s5], s20  }
0x9e: {  	_ =	swait.ge [sflag:s22], s20  }
0x9f: {  	s4 =	ssub.s32 $0x0, s20;
	[sflag:s22] =	ssyncset.done $0x0  }
0xa0: {  	[sflag:s22] =	ssyncadd.s32 s4;
	_ =	sdelay $0x1  }
0xa1: {  	s23 =	simm.s32 $0x1B8B  }
0xa2: {  	_ =	swait.ge [sflag:s23], $0x1  }
0xa3: {  	[sflag:s23] =	ssyncset.done $0x0  }
0xa4: {  	s25 =	simm.s32 $0x1B8E;
	s24 =	sld [smem:$0x3FFE];
	[sflag:s23] =	ssyncadd.s32 $0xFFFFFFFF  }
0xa5: {  	s26 =	simm.s32 $execute0_lowered;
	[smem:$0x3FD2] =	sst s25  }
0xa6: {  	s5 =	sshll.u32 s26, $0x1;
	_ =	strace $0x8000004C;
	[dreg:$0x1] =	wrdreg $0xFFFFFFFF  }
0xa7: {  	s28 =	simm.s32 $_size_execute0_lowered;
	s3 =	sadd.s32 s3, s5;
	[dreg:$0x0] =	wrdreg $0x0  }
0xa8: {  	s5 =	sshll.u32 s28, $0x1;
	[dreg:$0x2] =	wrdreg s3  }
0xa9: {  	[dreg:$0x3] =	wrdreg s5  }
0xaa: {  	[dreg:$0x4] =	wrdreg $0xC0  }
0xab: {  	_ =	task [dreg:s7], $0x5FFFF  }
0xac: {  	[dreg:$0x1] =	wrdreg $0xFFFFFFFF  }
0xad: {  	[dreg:$0x0] =	wrdreg $0x60  }
0xae: {  	[dreg:$0x2] =	wrdreg s2  }
0xaf: {  	[dreg:$0x3] =	wrdreg s24  }
0xb0: {  	[dreg:$0x4] =	wrdreg $0x29000  }
0xb1: {  	[dreg:$0x5] =	wrdreg $0x9  }
0xb2: {  	_ =	task.clear_ibuf [dreg:s7], $0x6FFFF;
	_ =	strace $0x9000004C  }
0xb3: {  	s29 =	simm.s32 $0x9;
	_ =	strace $0x8000004E  }
0xb4: {  	_ =	swait.ge [sflag:s29], $0x1  }
0xb5: {  	[sflag:s29] =	ssyncadd.s32 $0xFFFFFFFF  }
0xb6: {  	_ =	strace $0x9000004E  }
0xb7: {  	_ =	sfence  }
0xb8: {  	s30 =	sld [smem:$0x0];
	_ =	sdelay $0x2  }
0xb9: {  	s31 =	sshll.u32 s1, $0xD;
	s1 =	sshrl.u32 s1, $0x2  }
0xba: {  	s3 =	sand.u32 $0x4000, s31;
	s1 =	sadd.s32 s1, s30  }
0xbb: {  	s0 =	sor.u32 s3, s0;
	s1 =	sshll.u32 s1, $0x11  }
0xbc: {  	s0 =	sor.u32 s1, s0  }
0xbd: {  	s0 =	sadd.s32 $0x8F2B, s0  }
0xbe: {  	[sflag:s0] =	ssyncadd.remote.s32 $0x1  }
0xbf: {  	_ =	sfence.sel $0xFFFF  }
0xc0: {  	[dreg:$0x0] =	wrdreg $0xFFFFFFFF;
	(pc) =	sbr.abs _section_cstart, $3  }
0xc1: {  	[dreg:$0x1] =	wrdreg $0xFFFFFFFF  }
0xc2: {  	_ =	task.clear_ibuf [dreg:s7], $0x2FFFF;
	_ =	strace $0x9FFFFFFF  }
0xc3: {  	(tm) =	ssettm $0x7FFFFFFF  }
tec
execute0_lowered:
.L_overlay_start_1:
0x0: {  	(tag) =	ssettag $0x1  }
0x1: {  	s1 =	rddreg [dreg:$0x0]  }
0x2: {  	s5 =	rddreg [dreg:$0x1]  }
0x3: {  	s0 =	srdreg.scid;
	s3 =	rddreg [dreg:$0x2]  }
0x4: {  	s2 =	rddreg [dreg:$0x3];
	s6 =	sand.u32 $0x1, s0  }
0x5: {  	s4 =	simm.s32 $0x0;
	s0 =	stileid.u32;
	s7 =	smul.u32 $0x27100, s6  }
0x6: {  	s13 =	simm.s32 $0x80;
	s14 =	simm.s32 $0x50;
	s8 =	smul.u32 $0x2710, s0  }
0x7: {  	s15 =	simm.s32 $0x100;
	s16 =	simm.s32 $0x1;
	s26 =	smul.u32 $0x14000, s0  }
0x8: {  	s17 =	simm.s32 $0x0;
	[smem:$0x7FF] =	sst s4;
	s9 =	smul.u32 $0x140000, s6  }
0x9: {  	_ =	strace $0x8000004D;
	s6 =	ssub.s32 $0x2, s6;
	s29 =	smul.u32 $0x50000, s0  }
0xa: {  	s31 =	sshll.u32 s0, $0x6;
	s11 =	sshrl.u32 s6, $0x1;
	s7 =	sadd.s32 s8, s7  }
0xb: {  	s28 =	sshrl.u32 s26, $0x3;
	s8 =	sadd.s32 s26, s9;
	s11 =	ssub.s32 s6, s11  }
0xc: {  	s30 =	sshrl.u32 s29, $0x2;
	s6 =	sor.u32 $0x1C02, s31;
	s7 =	sshrl.u32 s7, $0x3  }
0xd: {  	s8 =	sshrl.u32 s8, $0x3;
	s10 =	sadd.s32 s7, s5;
	s7 =	sadd.s32 s28, s5  }
0xe: {  	s12 =	sadd.s32 s30, s3;
	s8 =	sadd.s32 s8, s5;
	s5 =	sadd.s32 $0x37C00, s7  }
0xf: {  	s7 =	sadd.s32 $0x5FC00, s8;
	s8 =	smax.u32 s11, $0x1;
	s9 =	sadd.s32 $0x24000, s10  }
0x10: {  	s10 =	sadd.s32 $0x2DE00, s10;
	s11 =	sshrl.u32 s12, $0x3;
	s12 =	simm.s32 $0x2  }
.LBB2_1:
0x11: {  	[spmem:s11], [sflag:s6] =	dma.local [hbm:s5], $0x2800  }
0x12: {  	_ =	swait.ge [sflag:s12], $0x2800  }
0x13: {  	[sflag:s12] =	ssyncset.done $0x0  }
0x14: {  	[sflag:s12] =	ssyncadd.s32 $0xFFFFD800  }
0x15: {  	s18 =	sadd.s32 $0x0, s10;
	[bflag:$0x0] =	sbarrier.arrive $0xFFFF  }
0x16: {  	[tilespmem:s4], [sflag:$0x2] =	stream.linear.gather [hbm4b:s18+s4], $0x50, $0x38;
	[tilespmem:$0x16900] =	vst v63  }
0x17: {  	_ =	swait.ge [sflag:s12], $0x50  }
0x18: {  	[sflag:s12] =	ssyncset.done $0x0  }
0x19: {  	s31 =	sadd.s32 $0x0, s9;
	[sflag:s12] =	ssyncadd.s32 $0xFFFFFFB0  }
0x1a: {  	[tilespmem:s13], [sflag:$0x2] =	stream.linear.gather [hbm4b:s31+s4], $0x50, $0x38;
	[tilespmem:$0x16900] =	vst v63  }
0x1b: {  	_ =	swait.ge [sflag:s12], $0x50  }
0x1c: {  	[sflag:s12] =	ssyncset.done $0x0  }
0x1d: {  	[sflag:s12] =	ssyncadd.s32 $0xFFFFFFB0  }
0x1e: {  	[tilespmem:s15], [sflag:$0x1] =	stream.indirect.gather [hbm4b:s1+s14], $0x80, s4, s14, $0xb8;
	[tilespmem:$0x16900] =	vst v63  }
0x1f: {  	_ =	swait.ge [sflag:s16], $0x2800  }
0x20: {  	[sflag:s16] =	ssyncset.done $0x0  }
0x21: {  	[sflag:s16] =	ssyncadd.s32 $0xFFFFD800  }
0x22: {  	[spmem:s3] =	stream.indirect.scatter.add.f32 [tilespmem:s15], [sflag:$0x2], $0x80, s13, s14, $0xb8;
	[tilespmem:$0x16900] =	vst v63  }
0x23: {  	_ =	swait.ge [sflag:s12], $0x2800  }
0x24: {  	s19 =	simm.s32 $0x14;
	s18 =	simm.s32 $0xA;
	[sflag:s12] =	ssyncset.done $0x0  }
.LBB2_2:
0x25: {  	s20 =	sadd.s32 s18, s10  }
0x26: {  	[sflag:s12] =	ssyncadd.s32 $0xFFFFD800;
	s21 =	smov.u32 s19;
	s22 =	sadd.s32 $0xA, s19  }
0x27: {  	[tilespmem:s4], [sflag:$0x2] =	stream.linear.gather [hbm4b:s20+s4], $0x50, $0x38;
	[tilespmem:$0x16900] =	vst v63  }
0x28: {  	p0 =	sne.s32 s19, $0x4D8;
	_ =	swait.ge [sflag:s12], $0x50  }
0x29: {  	[sflag:s12] =	ssyncset.done $0x0  }
0x2a: {  	s19 =	sadd.s32 s18, s9;
	s18 =	smov.u32 s21;
	[sflag:s12] =	ssyncadd.s32 $0xFFFFFFB0  }
0x2b: {  	[tilespmem:s13], [sflag:$0x2] =	stream.linear.gather [hbm4b:s19+s4], $0x50, $0x38;
	[tilespmem:$0x16900] =	vst v63  }
0x2c: {  	_ =	swait.ge [sflag:s12], $0x50  }
0x2d: {  	[sflag:s12] =	ssyncset.done $0x0  }
0x2e: {  	[sflag:s12] =	ssyncadd.s32 $0xFFFFFFB0  }
0x2f: {  	[tilespmem:s15], [sflag:$0x1] =	stream.indirect.gather [hbm4b:s1+s14], $0x80, s4, s14, $0xb8;
	[tilespmem:$0x16900] =	vst v63  }
0x30: {  	_ =	swait.ge [sflag:s16], $0x2800  }
.Ltmp0:
0x31: {  	[sflag:s16] =	ssyncset.done $0x0;
	(pc) =	sbr.rel @p0 .LBB2_2-.Ltmp0, $4  }
0x32: {  	[sflag:s16] =	ssyncadd.s32 $0xFFFFD800  }
0x33: {  	[spmem:s3] =	stream.indirect.scatter.add.f32 [tilespmem:s15], [sflag:$0x2], $0x80, s13, s14, $0xb8;
	[tilespmem:$0x16900] =	vst v63  }
0x34: {  	_ =	swait.ge [sflag:s12], $0x2800  }
0x35: {  	s19 =	smov.u32 s22;
	[sflag:s12] =	ssyncset.done $0x0  }
0x36: {  	s19 =	sadd.s32 s18, s10;
	[sflag:s12] =	ssyncadd.s32 $0xFFFFD800  }
0x37: {  	[tilespmem:s4], [sflag:$0x2] =	stream.linear.gather [hbm4b:s19+s4], $0x50, $0x38;
	[tilespmem:$0x16900] =	vst v63  }
0x38: {  	_ =	swait.ge [sflag:s12], $0x50  }
0x39: {  	[sflag:s12] =	ssyncset.done $0x0  }
0x3a: {  	s31 =	sadd.s32 s18, s9;
	[sflag:s12] =	ssyncadd.s32 $0xFFFFFFB0  }
0x3b: {  	[tilespmem:s13], [sflag:$0x2] =	stream.linear.gather [hbm4b:s31+s4], $0x50, $0x38;
	[tilespmem:$0x16900] =	vst v63  }
0x3c: {  	_ =	swait.ge [sflag:s12], $0x50  }
0x3d: {  	[sflag:s12] =	ssyncset.done $0x0  }
0x3e: {  	[sflag:s12] =	ssyncadd.s32 $0xFFFFFFB0  }
0x3f: {  	[tilespmem:s15], [sflag:$0x1] =	stream.indirect.gather [hbm4b:s1+s14], $0x80, s4, s14, $0xb8;
	[tilespmem:$0x16900] =	vst v63  }
0x40: {  	_ =	swait.ge [sflag:s16], $0x2800  }
0x41: {  	[sflag:s16] =	ssyncset.done $0x0  }
0x42: {  	[sflag:s16] =	ssyncadd.s32 $0xFFFFD800  }
0x43: {  	[spmem:s3] =	stream.indirect.scatter.add.f32 [tilespmem:s15], [sflag:$0x2], $0x80, s13, s14, $0xb8;
	[tilespmem:$0x16900] =	vst v63  }
0x44: {  	_ =	swait.ge [sflag:s12], $0x2800  }
0x45: {  	s17 =	sadd.s32 $0x1, s17;
	[sflag:s12] =	ssyncset.done $0x0  }
0x46: {  	p0 =	sne.s32 s17, s8;
	[sflag:s12] =	ssyncadd.s32 $0xFFFFD800  }
.Ltmp1:
0x47: {  	[bflag:$0x0] =	sbarrier.arrive $0xFFFF;
	(pc) =	sbr.rel @p0 .LBB2_1-.Ltmp1, $4  }
0x48: {  	[hbm:s7], [sflag:s6] =	dma.local [spmem:s11], $0x2800  }
0x49: {  	_ =	swait.ge [sflag:s12], $0x2800  }
0x4a: {  	[sflag:s12] =	ssyncset.done $0x0  }
0x4b: {  	[sflag:s12] =	ssyncadd.s32 $0xFFFFD800  }
0x4c: {  	_ =	sfence.sel $0x180000  }
0x4d: {  	[bflag:$0x0] =	sbarrier.arrive $0xFFFF  }
0x4e: {  	p0 =	sne.s32 s0, $0x0;
	_ =	strace $0x9000004D  }
0x4f: {  	s0 =	sadd.s32 @!p0 $0x100000, s2;
	[bflag:$0x2] =	sbarrier.arrive $0xFFFF  }
0x50: {  	[sflag:s0] =	ssyncadd.tile.s32 @!p0 $0x1;
	_ =	shalt  }
.Lfunc_end2:
_tile_overlayer_lowered:
.L_overlay_start_2:
0x51: {  	(tag) =	ssettag $0x2  }
0x52: {  	s0 =	rddreg [dreg:$0x0];
	s2 =	stileid.u32  }
0x53: {  	s1 =	rddreg [dreg:$0x1];
	p0 =	sne.s32 s2, $0x0  }
0x54: {  	s3 =	rddreg [dreg:$0x2];
	[bflag:$0x3] =	sbarrier.arrive $0xFFFF;
	s2 =	simm.s32 @!p0 $0x1C02  }
0x55: {  	[timem:s3], [sflag:s2] =	dma.local @!p0 [hbm:s0], s1  }
0x56: {  	s0 =	simm.s32 @!p0 $0x2  }
0x57: {  	_ =	swait.ge @!p0 [sflag:s0], s1  }
0x58: {  	s1 =	ssub.s32 @!p0 $0x0, s1;
	[sflag:s0] =	ssyncset.done @!p0 $0x0  }
0x59: {  	[sflag:s0] =	ssyncadd.s32 @!p0 s1  }
0x5a: {  	[bflag:$0x3] =	sbarrier.arrive $0xFFFF  }
0x5b: {  	_ =	shalt  }

// kernel: kernel.16.cloned.1.call-start
scs
__scs_entry_jumppad:
0x0: {  	(pc) =	sbr.rel $0x88, $3  }
0x1: {  	(tag) =	ssettag $0x0;
	lr =	simm.s32 $0x1  }
0x2: {  	[smem:$0x3F80] =	sst lr;
	_ =	strace $0xD0000000  }
0x3: {  	_ = 	snop  }
0x4: {  	_ = 	snop  }
0x5: {  	_ = 	snop  }
0x6: {  	_ = 	snop  }
0x7: {  	_ = 	snop  }
__scs_overlays_trampoline_lowered:
0x8: {  	[smem:$0x3F8F] =	sst s0  }
0x9: {  	[smem:$0x3F90] =	sst s1  }
0xa: {  	[smem:$0x3F91] =	sst s2  }
0xb: {  	[smem:$0x3F92] =	sst s3  }
0xc: {  	[smem:$0x3F93] =	sst s4  }
0xd: {  	[smem:$0x3F94] =	sst s5  }
0xe: {  	[smem:$0x3F95] =	sst s6  }
0xf: {  	[smem:$0x3F96] =	sst s7  }
0x10: {  	[smem:$0x3F97] =	sst s8  }
0x11: {  	[smem:$0x3F98] =	sst s9;
	s0 =	simm.s32 @!p0 $0x0  }
0x12: {  	s1 =	sld [smem:$0x3F7E];
	s0 =	simm.s32 @p0 $0x1  }
0x13: {  	[smem:$0x3F99] =	sst s0;
	s0 =	simm.s32 @!p1 $0x0  }
0x14: {  	s2 =	sld [smem:$0x3F7D];
	s0 =	simm.s32 @p1 $0x1  }
0x15: {  	[smem:$0x3F9A] =	sst s0;
	s0 =	simm.s32 @!p2 $0x0  }
0x16: {  	s3 =	sld [smem:$0x3FDB];
	s0 =	simm.s32 @p2 $0x1  }
0x17: {  	s4 =	simm.s32 $0x1BF5;
	[smem:$0x3F9C] =	sst s0  }
0x18: {  	s0 =	sld [smem:$0x3F7F];
	_ =	swait.ge [sflag:s4], $0x0  }
0x19: {  	s7 =	sld [smem:$0x3F80]  }
0x1a: {  	s8 =	sadd.s32 $0xFFFFE003, lr  }
0x1b: {  	s9 =	sadd.s32 $0xFFFFFEF7, lr;
	s5 =	simm.s32 $0xFFFFFFFF;
	p2 =	slt.u32 s8, $0xFFFFF086  }
0x1c: {  	p1 =	slt.u32 s9, $0xF7A;
	s5 =	simm.s32 @!p2 $0x0  }
0x1d: {  	s5 =	simm.s32 @p1 $0x1;
	p0 =	seq.s32 s7, s2  }
0x1e: {  	s7 =	smul.u32 @!p0 $0xF7A, s2;
	p2 =	seq.s32 @!p0 s5, $0x0  }
0x1f: {  	s9 =	smul.u32 $0xF7A, s1;
	s8 =	simm.s32 @!p0 $0x1BF5;
	p2 =	por !p2, p0  }
0x20: {  	[sflag:s8] =	ssyncset.s32 @!p0 $0xFFFFF086;
	s6 =	sadd.s32 @!p0 s3, s7;
	s7 =	simm.s32 @!p0 $0x108  }
0x21: {  	s3 =	sadd.s32 s3, s9;
	s6 =	sadd.s32 @!p0 $0x88, s6;
	s7 =	simm.s32 @p2 $0x1082  }
0x22: {  	[simem:s7], [sflag:s8] =	dma.local @!p0 [hbm:s6], $0xF7A  }
0x23: {  	s9 =	sor.u32 $0xD0000000, s2;
	s6 =	simm.s32 $0x108;
	_ =	swait.ge @!p0 [sflag:s8], $0x0  }
0x24: {  	s3 =	sadd.s32 $0x88, s3;
	s6 =	simm.s32 @!p1 $0x1082;
	[sflag:s4] =	ssyncset.s32 $0xFFFFF086  }
0x25: {  	[simem:s6], [sflag:s4] =	dma.local [hbm:s3], $0xF7A  }
0x26: {  	[smem:$0x3F80] =	sst s1;
	(tag) =	ssettag s2;
	_ =	strace s9  }
0x27: {  	s1 =	sld [smem:$0x3F90]  }
0x28: {  	s2 =	sld [smem:$0x3F91]  }
0x29: {  	s4 =	sld [smem:$0x3F93]  }
0x2a: {  	p0 =	seq.s32 s5, $0x0;
	s5 =	sld [smem:$0x3F94]  }
0x2b: {  	s6 =	sld [smem:$0x3F95]  }
0x2c: {  	s7 =	sld [smem:$0x3F96]  }
0x2d: {  	s3 =	simm.s32 $0x108;
	s8 =	sld [smem:$0x3F97]  }
0x2e: {  	s3 =	simm.s32 @!p0 $0x1082;
	s9 =	sld [smem:$0x3F98]  }
0x2f: {  	lr =	sadd.s32 s0, s3;
	s0 =	sld [smem:$0x3F8F]  }
0x30: {  	s3 =	sld [smem:$0x3F92]  }
0x31: {  	[smem:$0x3F9B] =	sst s10  }
0x32: {  	s10 =	sld [smem:$0x3F99];
	_ =	sdelay $0x3  }
0x33: {  	p0 =	seq.s32 s10, $0x1;
	s10 =	sld [smem:$0x3F9B];
	_ =	sdelay $0x3  }
0x34: {  	[smem:$0x3F9B] =	sst s10  }
0x35: {  	s10 =	sld [smem:$0x3F9A];
	_ =	sdelay $0x3  }
0x36: {  	p1 =	seq.s32 s10, $0x1;
	s10 =	sld [smem:$0x3F9B];
	_ =	sdelay $0x3  }
0x37: {  	[smem:$0x3F9B] =	sst s10  }
0x38: {  	s10 =	sld [smem:$0x3F9C]  }
0x39: {  	_ = 	snop;
	(pc) =	sbr.ind lr, $3  }
0x3a: {  	_ = 	snop  }
0x3b: {  	_ = 	snop  }
0x3c: {  	p2 =	seq.s32 s10, $0x1;
	s10 =	sld [smem:$0x3F9B]  }
0x3d: {  	_ =	shalt  }
0x3e: {  	_ =	shalt  }
0x3f: {  	_ =	shalt  }
0x40: {  	_ =	shalt  }
0x41: {  	_ =	shalt  }
0x42: {  	_ =	shalt  }
0x43: {  	_ =	shalt  }
0x44: {  	_ =	shalt  }
0x45: {  	_ =	shalt  }
0x46: {  	_ =	shalt  }
0x47: {  	_ =	shalt  }
0x48: {  	_ =	shalt  }
0x49: {  	_ =	shalt  }
0x4a: {  	_ =	shalt  }
0x4b: {  	_ =	shalt  }
0x4c: {  	_ =	shalt  }
0x4d: {  	_ =	shalt  }
0x4e: {  	_ =	shalt  }
0x4f: {  	_ =	shalt  }
0x50: {  	_ =	shalt  }
0x51: {  	_ =	shalt  }
0x52: {  	_ =	shalt  }
0x53: {  	_ =	shalt  }
0x54: {  	_ =	shalt  }
0x55: {  	_ =	shalt  }
0x56: {  	_ =	shalt  }
0x57: {  	_ =	shalt  }
0x58: {  	_ =	shalt  }
0x59: {  	_ =	shalt  }
0x5a: {  	_ =	shalt  }
0x5b: {  	_ =	shalt  }
0x5c: {  	_ =	shalt  }
0x5d: {  	_ =	shalt  }
0x5e: {  	_ =	shalt  }
0x5f: {  	_ =	shalt  }
0x60: {  	_ =	shalt  }
0x61: {  	_ =	shalt  }
0x62: {  	_ =	shalt  }
0x63: {  	_ =	shalt  }
0x64: {  	_ =	shalt  }
0x65: {  	_ =	shalt  }
0x66: {  	_ =	shalt  }
0x67: {  	_ =	shalt  }
0x68: {  	_ =	shalt  }
0x69: {  	_ =	shalt  }
0x6a: {  	_ =	shalt  }
0x6b: {  	_ =	shalt  }
0x6c: {  	_ =	shalt  }
0x6d: {  	_ =	shalt  }
0x6e: {  	_ =	shalt  }
0x6f: {  	_ =	shalt  }
0x70: {  	_ =	shalt  }
0x71: {  	_ =	shalt  }
0x72: {  	_ =	shalt  }
0x73: {  	_ =	shalt  }
0x74: {  	_ =	shalt  }
0x75: {  	_ =	shalt  }
0x76: {  	_ =	shalt  }
0x77: {  	_ =	shalt  }
0x78: {  	_ =	shalt  }
0x79: {  	_ =	shalt  }
0x7a: {  	_ =	shalt  }
0x7b: {  	_ =	shalt  }
0x7c: {  	_ =	shalt  }
0x7d: {  	_ =	shalt  }
0x7e: {  	_ =	shalt  }
0x7f: {  	_ =	shalt  }
0x80: {  	_ =	shalt  }
0x81: {  	_ =	shalt  }
0x82: {  	_ =	shalt  }
0x83: {  	_ =	shalt  }
0x84: {  	_ =	shalt  }
0x85: {  	_ =	shalt  }
0x86: {  	_ =	shalt  }
0x87: {  	_ =	shalt  }
.Lfunc_end0:
.L_simem_size_0:
called_computation.3_lowered:
.L_overlay_start_0:
0x88: {  	s2 =	sld [smem:$0x3FD9]  }
0x89: {  	s3 =	sld [smem:$0x3FFE];
	_ =	sdelay $0x1  }
0x8a: {  	s1 =	srdreg.scid  }
0x8b: {  	s0 =	sand.u32 $0x1, s1  }
0x8c: {  	s16 =	sshll.u32 s0, $0xA;
	s2 =	sadd.s32 s3, s2  }
0x8d: {  	s2 =	sadd.s32 s2, s16  }
0x8e: {  	[smem:$0x3FA7] =	sst s2  }
0x8f: {  	_ = 	snop  }
0x90: {  	(tm) =	ssettm $0x1  }
0x91: {  	s17 =	sld [smem:$0x3FFB];
	_ =	sdelay $0x3  }
0x92: {  	_ =	strace s17  }
0x93: {  	s2 =	sld [smem:$0x3FFC];
	_ =	sdelay $0x3  }
0x94: {  	_ =	strace s2  }
0x95: {  	s2 =	sld [smem:$0x3FFD];
	_ =	sdelay $0x3  }
0x96: {  	_ =	strace s2  }
0x97: {  	_ =	strace $0x8FFFFFFF  }
0x98: {  	s18 =	sld [smem:$0x3FDB];
	_ =	sdelay $0x1  }
0x99: {  	s19 =	simm.s32 $_scs_section_size  }
0x9a: {  	s4 =	simm.s32 $_size__tile_overlayer_lowered;
	s5 =	simm.s32 $_tile_overlayer_lowered  }
0x9b: {  	s22 =	simm.s32 $0x1BFF;
	s21 =	sshll.u32 s5, $0x1;
	s2 =	sadd.s32 s19, s18  }
0x9c: {  	s6 =	simm.s32 $0x0;
	s20 =	sshll.u32 s4, $0x1;
	s4 =	sadd.s32 s21, s2  }
0x9d: {  	[timem:s6], [sflag:s22] =	dma.local [hbm:s4], s20  }
0x9e: {  	_ =	swait.ge [sflag:s22], s20  }
0x9f: {  	s3 =	ssub.s32 $0x0, s20;
	[sflag:s22] =	ssyncset.done $0x0  }
0xa0: {  	[sflag:s22] =	ssyncadd.s32 s3;
	_ =	sdelay $0x1  }
0xa1: {  	s23 =	simm.s32 $0x1B8B  }
0xa2: {  	_ =	swait.ge [sflag:s23], $0x1  }
0xa3: {  	[sflag:s23] =	ssyncset.done $0x0  }
0xa4: {  	s25 =	simm.s32 $0x1B8E;
	s24 =	sld [smem:$0x3FFE];
	[sflag:s23] =	ssyncadd.s32 $0xFFFFFFFF  }
0xa5: {  	s26 =	simm.s32 $execute0_lowered;
	[smem:$0x3FD2] =	sst s25  }
0xa6: {  	s4 =	sshll.u32 s26, $0x1;
	_ =	strace $0x8000004F;
	[dreg:$0x1] =	wrdreg $0xFFFFFFFF  }
0xa7: {  	s28 =	simm.s32 $_size_execute0_lowered;
	s2 =	sadd.s32 s2, s4;
	[dreg:$0x0] =	wrdreg $0x0  }
0xa8: {  	s4 =	sshll.u32 s28, $0x1;
	[dreg:$0x2] =	wrdreg s2  }
0xa9: {  	[dreg:$0x3] =	wrdreg s4  }
0xaa: {  	[dreg:$0x4] =	wrdreg $0xC0  }
0xab: {  	_ =	task [dreg:s6], $0x5FFFF  }
0xac: {  	[dreg:$0x1] =	wrdreg $0xFFFFFFFF  }
0xad: {  	[dreg:$0x0] =	wrdreg $0x60  }
0xae: {  	[dreg:$0x2] =	wrdreg s24  }
0xaf: {  	[dreg:$0x3] =	wrdreg $0x29000  }
0xb0: {  	[dreg:$0x4] =	wrdreg $0x9  }
0xb1: {  	_ =	task.clear_ibuf [dreg:s6], $0x5FFFF;
	_ =	strace $0x9000004F  }
0xb2: {  	s29 =	simm.s32 $0x9;
	_ =	strace $0x80000051  }
0xb3: {  	_ =	swait.ge [sflag:s29], $0x1  }
0xb4: {  	[sflag:s29] =	ssyncadd.s32 $0xFFFFFFFF  }
0xb5: {  	_ =	strace $0x90000051  }
0xb6: {  	_ =	sfence  }
0xb7: {  	s30 =	sld [smem:$0x0];
	_ =	sdelay $0x2  }
0xb8: {  	s31 =	sshll.u32 s1, $0xD;
	s1 =	sshrl.u32 s1, $0x2  }
0xb9: {  	s3 =	sand.u32 $0x4000, s31;
	s1 =	sadd.s32 s1, s30  }
0xba: {  	s0 =	sor.u32 s3, s0;
	s1 =	sshll.u32 s1, $0x11  }
0xbb: {  	s0 =	sor.u32 s1, s0  }
0xbc: {  	s0 =	sadd.s32 $0x8F2B, s0  }
0xbd: {  	[sflag:s0] =	ssyncadd.remote.s32 $0x1  }
0xbe: {  	_ =	sfence.sel $0xFFFF  }
0xbf: {  	[dreg:$0x0] =	wrdreg $0xFFFFFFFF;
	(pc) =	sbr.abs _section_cstart, $3  }
0xc0: {  	[dreg:$0x1] =	wrdreg $0xFFFFFFFF  }
0xc1: {  	_ =	task.clear_ibuf [dreg:s6], $0x2FFFF;
	_ =	strace $0x9FFFFFFF  }
0xc2: {  	(tm) =	ssettm $0x7FFFFFFF  }
0xc3: {  	_ =	shalt  }
tec
execute0_lowered:
.L_overlay_start_1:
0x0: {  	(tag) =	ssettag $0x1  }
0x1: {  	s5 =	rddreg [dreg:$0x0]  }
0x2: {  	s0 =	srdreg.scid;
	s2 =	rddreg [dreg:$0x1]  }
0x3: {  	s1 =	rddreg [dreg:$0x2];
	s3 =	simm.s32 $0x0;
	s6 =	sand.u32 $0x1, s0  }
0x4: {  	s13 =	simm.s32 $0x80;
	s0 =	stileid.u32;
	s4 =	smul.u32 $0x27100, s6  }
0x5: {  	s14 =	simm.s32 $0x50;
	s15 =	simm.s32 $0x100;
	s7 =	smul.u32 $0x2710, s0  }
0x6: {  	s16 =	simm.s32 $0x1;
	[smem:$0x7FF] =	sst s3;
	s26 =	smul.u32 $0x14000, s0  }
0x7: {  	s17 =	simm.s32 $0x0;
	_ =	strace $0x80000050;
	s9 =	smul.u32 $0x140000, s6  }
0x8: {  	s6 =	ssub.s32 $0x2, s6;
	s29 =	smul.u32 $0x50000, s0;
	s31 =	sshll.u32 s0, $0x6  }
0x9: {  	s11 =	sshrl.u32 s6, $0x1;
	s4 =	sadd.s32 s7, s4;
	s28 =	sshrl.u32 s26, $0x3  }
0xa: {  	s7 =	sadd.s32 s26, s9;
	s11 =	ssub.s32 s6, s11;
	s30 =	sshrl.u32 s29, $0x2  }
0xb: {  	s6 =	sor.u32 $0x1C02, s31;
	s8 =	sshrl.u32 s4, $0x3;
	s4 =	sadd.s32 $0x5FC00, s5  }
0xc: {  	s7 =	sshrl.u32 s7, $0x3;
	s10 =	sadd.s32 s8, s5;
	s8 =	sadd.s32 s28, s5  }
0xd: {  	s12 =	sadd.s32 s30, s2;
	s7 =	sadd.s32 s7, s5;
	s5 =	sadd.s32 $0x37C00, s8  }
0xe: {  	s7 =	sadd.s32 $0x86E00, s7;
	s8 =	smax.u32 s11, $0x1;
	s9 =	sadd.s32 $0x24000, s10  }
0xf: {  	s10 =	sadd.s32 $0x2DE00, s10;
	s11 =	sshrl.u32 s12, $0x3;
	s12 =	simm.s32 $0x2  }
.LBB2_1:
0x10: {  	[spmem:s11], [sflag:s6] =	dma.local [hbm:s5], $0x2800  }
0x11: {  	_ =	swait.ge [sflag:s12], $0x2800  }
0x12: {  	[sflag:s12] =	ssyncset.done $0x0  }
0x13: {  	[sflag:s12] =	ssyncadd.s32 $0xFFFFD800  }
0x14: {  	s18 =	sadd.s32 $0x0, s10;
	[bflag:$0x0] =	sbarrier.arrive $0xFFFF  }
0x15: {  	[tilespmem:s3], [sflag:$0x2] =	stream.linear.gather [hbm4b:s18+s3], $0x50, $0x38;
	[tilespmem:$0x16900] =	vst v63  }
0x16: {  	_ =	swait.ge [sflag:s12], $0x50  }
0x17: {  	[sflag:s12] =	ssyncset.done $0x0  }
0x18: {  	s31 =	sadd.s32 $0x0, s9;
	[sflag:s12] =	ssyncadd.s32 $0xFFFFFFB0  }
0x19: {  	[tilespmem:s13], [sflag:$0x2] =	stream.linear.gather [hbm4b:s31+s3], $0x50, $0x38;
	[tilespmem:$0x16900] =	vst v63  }
0x1a: {  	_ =	swait.ge [sflag:s12], $0x50  }
0x1b: {  	[sflag:s12] =	ssyncset.done $0x0  }
0x1c: {  	[sflag:s12] =	ssyncadd.s32 $0xFFFFFFB0  }
0x1d: {  	[tilespmem:s15], [sflag:$0x1] =	stream.indirect.gather [hbm4b:s4+s14], $0x80, s3, s14, $0xb8;
	[tilespmem:$0x16900] =	vst v63  }
0x1e: {  	_ =	swait.ge [sflag:s16], $0x2800  }
0x1f: {  	[sflag:s16] =	ssyncset.done $0x0  }
0x20: {  	[sflag:s16] =	ssyncadd.s32 $0xFFFFD800  }
0x21: {  	[spmem:s2] =	stream.indirect.scatter.add.f32 [tilespmem:s15], [sflag:$0x2], $0x80, s13, s14, $0xb8;
	[tilespmem:$0x16900] =	vst v63  }
0x22: {  	_ =	swait.ge [sflag:s12], $0x2800  }
0x23: {  	s19 =	simm.s32 $0x14;
	s18 =	simm.s32 $0xA;
	[sflag:s12] =	ssyncset.done $0x0  }
.LBB2_2:
0x24: {  	s20 =	sadd.s32 s18, s10  }
0x25: {  	[sflag:s12] =	ssyncadd.s32 $0xFFFFD800;
	s21 =	smov.u32 s19;
	s22 =	sadd.s32 $0xA, s19  }
0x26: {  	[tilespmem:s3], [sflag:$0x2] =	stream.linear.gather [hbm4b:s20+s3], $0x50, $0x38;
	[tilespmem:$0x16900] =	vst v63  }
0x27: {  	p0 =	sne.s32 s19, $0x4D8;
	_ =	swait.ge [sflag:s12], $0x50  }
0x28: {  	[sflag:s12] =	ssyncset.done $0x0  }
0x29: {  	s19 =	sadd.s32 s18, s9;
	s18 =	smov.u32 s21;
	[sflag:s12] =	ssyncadd.s32 $0xFFFFFFB0  }
0x2a: {  	[tilespmem:s13], [sflag:$0x2] =	stream.linear.gather [hbm4b:s19+s3], $0x50, $0x38;
	[tilespmem:$0x16900] =	vst v63  }
0x2b: {  	_ =	swait.ge [sflag:s12], $0x50  }
0x2c: {  	[sflag:s12] =	ssyncset.done $0x0  }
0x2d: {  	[sflag:s12] =	ssyncadd.s32 $0xFFFFFFB0  }
0x2e: {  	[tilespmem:s15], [sflag:$0x1] =	stream.indirect.gather [hbm4b:s4+s14], $0x80, s3, s14, $0xb8;
	[tilespmem:$0x16900] =	vst v63  }
0x2f: {  	_ =	swait.ge [sflag:s16], $0x2800  }
.Ltmp0:
0x30: {  	[sflag:s16] =	ssyncset.done $0x0;
	(pc) =	sbr.rel @p0 .LBB2_2-.Ltmp0, $4  }
0x31: {  	[sflag:s16] =	ssyncadd.s32 $0xFFFFD800  }
0x32: {  	[spmem:s2] =	stream.indirect.scatter.add.f32 [tilespmem:s15], [sflag:$0x2], $0x80, s13, s14, $0xb8;
	[tilespmem:$0x16900] =	vst v63  }
0x33: {  	_ =	swait.ge [sflag:s12], $0x2800  }
0x34: {  	s19 =	smov.u32 s22;
	[sflag:s12] =	ssyncset.done $0x0  }
0x35: {  	s19 =	sadd.s32 s18, s10;
	[sflag:s12] =	ssyncadd.s32 $0xFFFFD800  }
0x36: {  	[tilespmem:s3], [sflag:$0x2] =	stream.linear.gather [hbm4b:s19+s3], $0x50, $0x38;
	[tilespmem:$0x16900] =	vst v63  }
0x37: {  	_ =	swait.ge [sflag:s12], $0x50  }
0x38: {  	[sflag:s12] =	ssyncset.done $0x0  }
0x39: {  	s31 =	sadd.s32 s18, s9;
	[sflag:s12] =	ssyncadd.s32 $0xFFFFFFB0  }
0x3a: {  	[tilespmem:s13], [sflag:$0x2] =	stream.linear.gather [hbm4b:s31+s3], $0x50, $0x38;
	[tilespmem:$0x16900] =	vst v63  }
0x3b: {  	_ =	swait.ge [sflag:s12], $0x50  }
0x3c: {  	[sflag:s12] =	ssyncset.done $0x0  }
0x3d: {  	[sflag:s12] =	ssyncadd.s32 $0xFFFFFFB0  }
0x3e: {  	[tilespmem:s15], [sflag:$0x1] =	stream.indirect.gather [hbm4b:s4+s14], $0x80, s3, s14, $0xb8;
	[tilespmem:$0x16900] =	vst v63  }
0x3f: {  	_ =	swait.ge [sflag:s16], $0x2800  }
0x40: {  	[sflag:s16] =	ssyncset.done $0x0  }
0x41: {  	[sflag:s16] =	ssyncadd.s32 $0xFFFFD800  }
0x42: {  	[spmem:s2] =	stream.indirect.scatter.add.f32 [tilespmem:s15], [sflag:$0x2], $0x80, s13, s14, $0xb8;
	[tilespmem:$0x16900] =	vst v63  }
0x43: {  	_ =	swait.ge [sflag:s12], $0x2800  }
0x44: {  	s17 =	sadd.s32 $0x1, s17;
	[sflag:s12] =	ssyncset.done $0x0  }
0x45: {  	p0 =	sne.s32 s17, s8;
	[sflag:s12] =	ssyncadd.s32 $0xFFFFD800  }
.Ltmp1:
0x46: {  	[bflag:$0x0] =	sbarrier.arrive $0xFFFF;
	(pc) =	sbr.rel @p0 .LBB2_1-.Ltmp1, $4  }
0x47: {  	[hbm:s7], [sflag:s6] =	dma.local [spmem:s11], $0x2800  }
0x48: {  	_ =	swait.ge [sflag:s12], $0x2800  }
0x49: {  	[sflag:s12] =	ssyncset.done $0x0  }
0x4a: {  	[sflag:s12] =	ssyncadd.s32 $0xFFFFD800  }
0x4b: {  	_ =	sfence.sel $0x180000  }
0x4c: {  	[bflag:$0x0] =	sbarrier.arrive $0xFFFF  }
0x4d: {  	p0 =	sne.s32 s0, $0x0;
	_ =	strace $0x90000050  }
0x4e: {  	s0 =	sadd.s32 @!p0 $0x100000, s1;
	[bflag:$0x2] =	sbarrier.arrive $0xFFFF  }
0x4f: {  	[sflag:s0] =	ssyncadd.tile.s32 @!p0 $0x1;
	_ =	shalt  }
.Lfunc_end2:
_tile_overlayer_lowered:
.L_overlay_start_2:
0x50: {  	(tag) =	ssettag $0x2  }
0x51: {  	s0 =	rddreg [dreg:$0x0];
	s2 =	stileid.u32  }
0x52: {  	s1 =	rddreg [dreg:$0x1];
	p0 =	sne.s32 s2, $0x0  }
0x53: {  	s3 =	rddreg [dreg:$0x2];
	[bflag:$0x3] =	sbarrier.arrive $0xFFFF;
	s2 =	simm.s32 @!p0 $0x1C02  }
0x54: {  	[timem:s3], [sflag:s2] =	dma.local @!p0 [hbm:s0], s1  }
0x55: {  	s0 =	simm.s32 @!p0 $0x2  }
0x56: {  	_ =	swait.ge @!p0 [sflag:s0], s1  }
0x57: {  	s1 =	ssub.s32 @!p0 $0x0, s1;
	[sflag:s0] =	ssyncset.done @!p0 $0x0  }
0x58: {  	[sflag:s0] =	ssyncadd.s32 @!p0 s1  }
0x59: {  	[bflag:$0x3] =	sbarrier.arrive $0xFFFF  }
0x5a: {  	_ =	shalt  }

// kernel: kernel.19.cloned.1.call-start
scs
__scs_entry_jumppad:
0x0: {  	(pc) =	sbr.rel $0x88, $3  }
0x1: {  	(tag) =	ssettag $0x0;
	lr =	simm.s32 $0x1  }
0x2: {  	[smem:$0x3F80] =	sst lr;
	_ =	strace $0xD0000000  }
0x3: {  	_ = 	snop  }
0x4: {  	_ = 	snop  }
0x5: {  	_ = 	snop  }
0x6: {  	_ = 	snop  }
0x7: {  	_ = 	snop  }
__scs_overlays_trampoline_lowered:
0x8: {  	[smem:$0x3F8F] =	sst s0  }
0x9: {  	[smem:$0x3F90] =	sst s1  }
0xa: {  	[smem:$0x3F91] =	sst s2  }
0xb: {  	[smem:$0x3F92] =	sst s3  }
0xc: {  	[smem:$0x3F93] =	sst s4  }
0xd: {  	[smem:$0x3F94] =	sst s5  }
0xe: {  	[smem:$0x3F95] =	sst s6  }
0xf: {  	[smem:$0x3F96] =	sst s7  }
0x10: {  	[smem:$0x3F97] =	sst s8  }
0x11: {  	[smem:$0x3F98] =	sst s9;
	s0 =	simm.s32 @!p0 $0x0  }
0x12: {  	s1 =	sld [smem:$0x3F7E];
	s0 =	simm.s32 @p0 $0x1  }
0x13: {  	[smem:$0x3F99] =	sst s0;
	s0 =	simm.s32 @!p1 $0x0  }
0x14: {  	s2 =	sld [smem:$0x3F7D];
	s0 =	simm.s32 @p1 $0x1  }
0x15: {  	[smem:$0x3F9A] =	sst s0;
	s0 =	simm.s32 @!p2 $0x0  }
0x16: {  	s3 =	sld [smem:$0x3FDB];
	s0 =	simm.s32 @p2 $0x1  }
0x17: {  	s4 =	simm.s32 $0x1BF5;
	[smem:$0x3F9C] =	sst s0  }
0x18: {  	s0 =	sld [smem:$0x3F7F];
	_ =	swait.ge [sflag:s4], $0x0  }
0x19: {  	s7 =	sld [smem:$0x3F80]  }
0x1a: {  	s8 =	sadd.s32 $0xFFFFE003, lr  }
0x1b: {  	s9 =	sadd.s32 $0xFFFFFEF7, lr;
	s5 =	simm.s32 $0xFFFFFFFF;
	p2 =	slt.u32 s8, $0xFFFFF086  }
0x1c: {  	p1 =	slt.u32 s9, $0xF7A;
	s5 =	simm.s32 @!p2 $0x0  }
0x1d: {  	s5 =	simm.s32 @p1 $0x1;
	p0 =	seq.s32 s7, s2  }
0x1e: {  	s7 =	smul.u32 @!p0 $0xF7A, s2;
	p2 =	seq.s32 @!p0 s5, $0x0  }
0x1f: {  	s9 =	smul.u32 $0xF7A, s1;
	s8 =	simm.s32 @!p0 $0x1BF5;
	p2 =	por !p2, p0  }
0x20: {  	[sflag:s8] =	ssyncset.s32 @!p0 $0xFFFFF086;
	s6 =	sadd.s32 @!p0 s3, s7;
	s7 =	simm.s32 @!p0 $0x108  }
0x21: {  	s3 =	sadd.s32 s3, s9;
	s6 =	sadd.s32 @!p0 $0x88, s6;
	s7 =	simm.s32 @p2 $0x1082  }
0x22: {  	[simem:s7], [sflag:s8] =	dma.local @!p0 [hbm:s6], $0xF7A  }
0x23: {  	s9 =	sor.u32 $0xD0000000, s2;
	s6 =	simm.s32 $0x108;
	_ =	swait.ge @!p0 [sflag:s8], $0x0  }
0x24: {  	s3 =	sadd.s32 $0x88, s3;
	s6 =	simm.s32 @!p1 $0x1082;
	[sflag:s4] =	ssyncset.s32 $0xFFFFF086  }
0x25: {  	[simem:s6], [sflag:s4] =	dma.local [hbm:s3], $0xF7A  }
0x26: {  	[smem:$0x3F80] =	sst s1;
	(tag) =	ssettag s2;
	_ =	strace s9  }
0x27: {  	s1 =	sld [smem:$0x3F90]  }
0x28: {  	s2 =	sld [smem:$0x3F91]  }
0x29: {  	s4 =	sld [smem:$0x3F93]  }
0x2a: {  	p0 =	seq.s32 s5, $0x0;
	s5 =	sld [smem:$0x3F94]  }
0x2b: {  	s6 =	sld [smem:$0x3F95]  }
0x2c: {  	s7 =	sld [smem:$0x3F96]  }
0x2d: {  	s3 =	simm.s32 $0x108;
	s8 =	sld [smem:$0x3F97]  }
0x2e: {  	s3 =	simm.s32 @!p0 $0x1082;
	s9 =	sld [smem:$0x3F98]  }
0x2f: {  	lr =	sadd.s32 s0, s3;
	s0 =	sld [smem:$0x3F8F]  }
0x30: {  	s3 =	sld [smem:$0x3F92]  }
0x31: {  	[smem:$0x3F9B] =	sst s10  }
0x32: {  	s10 =	sld [smem:$0x3F99];
	_ =	sdelay $0x3  }
0x33: {  	p0 =	seq.s32 s10, $0x1;
	s10 =	sld [smem:$0x3F9B];
	_ =	sdelay $0x3  }
0x34: {  	[smem:$0x3F9B] =	sst s10  }
0x35: {  	s10 =	sld [smem:$0x3F9A];
	_ =	sdelay $0x3  }
0x36: {  	p1 =	seq.s32 s10, $0x1;
	s10 =	sld [smem:$0x3F9B];
	_ =	sdelay $0x3  }
0x37: {  	[smem:$0x3F9B] =	sst s10  }
0x38: {  	s10 =	sld [smem:$0x3F9C]  }
0x39: {  	_ = 	snop;
	(pc) =	sbr.ind lr, $3  }
0x3a: {  	_ = 	snop  }
0x3b: {  	_ = 	snop  }
0x3c: {  	p2 =	seq.s32 s10, $0x1;
	s10 =	sld [smem:$0x3F9B]  }
0x3d: {  	_ =	shalt  }
0x3e: {  	_ =	shalt  }
0x3f: {  	_ =	shalt  }
0x40: {  	_ =	shalt  }
0x41: {  	_ =	shalt  }
0x42: {  	_ =	shalt  }
0x43: {  	_ =	shalt  }
0x44: {  	_ =	shalt  }
0x45: {  	_ =	shalt  }
0x46: {  	_ =	shalt  }
0x47: {  	_ =	shalt  }
0x48: {  	_ =	shalt  }
0x49: {  	_ =	shalt  }
0x4a: {  	_ =	shalt  }
0x4b: {  	_ =	shalt  }
0x4c: {  	_ =	shalt  }
0x4d: {  	_ =	shalt  }
0x4e: {  	_ =	shalt  }
0x4f: {  	_ =	shalt  }
0x50: {  	_ =	shalt  }
0x51: {  	_ =	shalt  }
0x52: {  	_ =	shalt  }
0x53: {  	_ =	shalt  }
0x54: {  	_ =	shalt  }
0x55: {  	_ =	shalt  }
0x56: {  	_ =	shalt  }
0x57: {  	_ =	shalt  }
0x58: {  	_ =	shalt  }
0x59: {  	_ =	shalt  }
0x5a: {  	_ =	shalt  }
0x5b: {  	_ =	shalt  }
0x5c: {  	_ =	shalt  }
0x5d: {  	_ =	shalt  }
0x5e: {  	_ =	shalt  }
0x5f: {  	_ =	shalt  }
0x60: {  	_ =	shalt  }
0x61: {  	_ =	shalt  }
0x62: {  	_ =	shalt  }
0x63: {  	_ =	shalt  }
0x64: {  	_ =	shalt  }
0x65: {  	_ =	shalt  }
0x66: {  	_ =	shalt  }
0x67: {  	_ =	shalt  }
0x68: {  	_ =	shalt  }
0x69: {  	_ =	shalt  }
0x6a: {  	_ =	shalt  }
0x6b: {  	_ =	shalt  }
0x6c: {  	_ =	shalt  }
0x6d: {  	_ =	shalt  }
0x6e: {  	_ =	shalt  }
0x6f: {  	_ =	shalt  }
0x70: {  	_ =	shalt  }
0x71: {  	_ =	shalt  }
0x72: {  	_ =	shalt  }
0x73: {  	_ =	shalt  }
0x74: {  	_ =	shalt  }
0x75: {  	_ =	shalt  }
0x76: {  	_ =	shalt  }
0x77: {  	_ =	shalt  }
0x78: {  	_ =	shalt  }
0x79: {  	_ =	shalt  }
0x7a: {  	_ =	shalt  }
0x7b: {  	_ =	shalt  }
0x7c: {  	_ =	shalt  }
0x7d: {  	_ =	shalt  }
0x7e: {  	_ =	shalt  }
0x7f: {  	_ =	shalt  }
0x80: {  	_ =	shalt  }
0x81: {  	_ =	shalt  }
0x82: {  	_ =	shalt  }
0x83: {  	_ =	shalt  }
0x84: {  	_ =	shalt  }
0x85: {  	_ =	shalt  }
0x86: {  	_ =	shalt  }
0x87: {  	_ =	shalt  }
.Lfunc_end0:
.L_simem_size_0:
called_computation.4_lowered:
.L_overlay_start_0:
0x88: {  	s2 =	sld [smem:$0x3FD9]  }
0x89: {  	s3 =	sld [smem:$0x3FFE];
	_ =	sdelay $0x1  }
0x8a: {  	s1 =	srdreg.scid  }
0x8b: {  	s0 =	sand.u32 $0x1, s1  }
0x8c: {  	s16 =	sshll.u32 s0, $0xA;
	s2 =	sadd.s32 s3, s2  }
0x8d: {  	s2 =	sadd.s32 s2, s16  }
0x8e: {  	[smem:$0x3FA7] =	sst s2  }
0x8f: {  	_ = 	snop  }
0x90: {  	(tm) =	ssettm $0x1  }
0x91: {  	s17 =	sld [smem:$0x3FFB];
	_ =	sdelay $0x3  }
0x92: {  	_ =	strace s17  }
0x93: {  	s2 =	sld [smem:$0x3FFC];
	_ =	sdelay $0x3  }
0x94: {  	_ =	strace s2  }
0x95: {  	s2 =	sld [smem:$0x3FFD];
	_ =	sdelay $0x3  }
0x96: {  	_ =	strace s2  }
0x97: {  	_ =	strace $0x8FFFFFFF  }
0x98: {  	s18 =	sld [smem:$0x3FDB];
	_ =	sdelay $0x1  }
0x99: {  	s19 =	simm.s32 $_scs_section_size  }
0x9a: {  	s4 =	simm.s32 $_size__tile_overlayer_lowered;
	s5 =	simm.s32 $_tile_overlayer_lowered  }
0x9b: {  	s22 =	simm.s32 $0x1BFF;
	s21 =	sshll.u32 s5, $0x1;
	s2 =	sadd.s32 s19, s18  }
0x9c: {  	s6 =	simm.s32 $0x0;
	s20 =	sshll.u32 s4, $0x1;
	s4 =	sadd.s32 s21, s2  }
0x9d: {  	[timem:s6], [sflag:s22] =	dma.local [hbm:s4], s20  }
0x9e: {  	_ =	swait.ge [sflag:s22], s20  }
0x9f: {  	s3 =	ssub.s32 $0x0, s20;
	[sflag:s22] =	ssyncset.done $0x0  }
0xa0: {  	[sflag:s22] =	ssyncadd.s32 s3;
	_ =	sdelay $0x1  }
0xa1: {  	s23 =	simm.s32 $0x1B8B  }
0xa2: {  	_ =	swait.ge [sflag:s23], $0x1  }
0xa3: {  	[sflag:s23] =	ssyncset.done $0x0  }
0xa4: {  	s25 =	simm.s32 $0x1B8E;
	s24 =	sld [smem:$0x3FFE];
	[sflag:s23] =	ssyncadd.s32 $0xFFFFFFFF  }
0xa5: {  	s26 =	simm.s32 $execute0_lowered;
	[smem:$0x3FD2] =	sst s25  }
0xa6: {  	s4 =	sshll.u32 s26, $0x1;
	_ =	strace $0x80000052;
	[dreg:$0x1] =	wrdreg $0xFFFFFFFF  }
0xa7: {  	s28 =	simm.s32 $_size_execute0_lowered;
	s2 =	sadd.s32 s2, s4;
	[dreg:$0x0] =	wrdreg $0x0  }
0xa8: {  	s4 =	sshll.u32 s28, $0x1;
	[dreg:$0x2] =	wrdreg s2  }
0xa9: {  	[dreg:$0x3] =	wrdreg s4  }
0xaa: {  	[dreg:$0x4] =	wrdreg $0xC0  }
0xab: {  	_ =	task [dreg:s6], $0x5FFFF  }
0xac: {  	[dreg:$0x1] =	wrdreg $0xFFFFFFFF  }
0xad: {  	[dreg:$0x0] =	wrdreg $0x60  }
0xae: {  	[dreg:$0x2] =	wrdreg s24  }
0xaf: {  	[dreg:$0x3] =	wrdreg $0x29000  }
0xb0: {  	[dreg:$0x4] =	wrdreg $0x9  }
0xb1: {  	_ =	task.clear_ibuf [dreg:s6], $0x5FFFF;
	_ =	strace $0x90000052  }
0xb2: {  	s29 =	simm.s32 $0x9;
	_ =	strace $0x80000054  }
0xb3: {  	_ =	swait.ge [sflag:s29], $0x1  }
0xb4: {  	[sflag:s29] =	ssyncadd.s32 $0xFFFFFFFF  }
0xb5: {  	_ =	strace $0x90000054  }
0xb6: {  	_ =	sfence  }
0xb7: {  	s30 =	sld [smem:$0x0];
	_ =	sdelay $0x2  }
0xb8: {  	s31 =	sshll.u32 s1, $0xD;
	s1 =	sshrl.u32 s1, $0x2  }
0xb9: {  	s3 =	sand.u32 $0x4000, s31;
	s1 =	sadd.s32 s1, s30  }
0xba: {  	s0 =	sor.u32 s3, s0;
	s1 =	sshll.u32 s1, $0x11  }
0xbb: {  	s0 =	sor.u32 s1, s0  }
0xbc: {  	s0 =	sadd.s32 $0x8F2B, s0  }
0xbd: {  	[sflag:s0] =	ssyncadd.remote.s32 $0x1  }
0xbe: {  	_ =	sfence.sel $0xFFFF  }
0xbf: {  	[dreg:$0x0] =	wrdreg $0xFFFFFFFF;
	(pc) =	sbr.abs _section_cstart, $3  }
0xc0: {  	[dreg:$0x1] =	wrdreg $0xFFFFFFFF  }
0xc1: {  	_ =	task.clear_ibuf [dreg:s6], $0x2FFFF;
	_ =	strace $0x9FFFFFFF  }
0xc2: {  	(tm) =	ssettm $0x7FFFFFFF  }
0xc3: {  	_ =	shalt  }
tec
execute0_lowered:
.L_overlay_start_1:
0x0: {  	(tag) =	ssettag $0x1  }
0x1: {  	s5 =	rddreg [dreg:$0x0]  }
0x2: {  	s0 =	srdreg.scid;
	s2 =	rddreg [dreg:$0x1]  }
0x3: {  	s1 =	rddreg [dreg:$0x2];
	s3 =	simm.s32 $0x0;
	s6 =	sand.u32 $0x1, s0  }
0x4: {  	s13 =	simm.s32 $0x80;
	s0 =	stileid.u32;
	s4 =	smul.u32 $0x27100, s6  }
0x5: {  	s14 =	simm.s32 $0x50;
	s15 =	simm.s32 $0x100;
	s7 =	smul.u32 $0x2710, s0  }
0x6: {  	s16 =	simm.s32 $0x1;
	[smem:$0x7FF] =	sst s3;
	s26 =	smul.u32 $0x14000, s0  }
0x7: {  	s17 =	simm.s32 $0x0;
	_ =	strace $0x80000053;
	s9 =	smul.u32 $0x140000, s6  }
0x8: {  	s6 =	ssub.s32 $0x2, s6;
	s29 =	smul.u32 $0x50000, s0;
	s31 =	sshll.u32 s0, $0x6  }
0x9: {  	s11 =	sshrl.u32 s6, $0x1;
	s4 =	sadd.s32 s7, s4;
	s28 =	sshrl.u32 s26, $0x3  }
0xa: {  	s7 =	sadd.s32 s26, s9;
	s11 =	ssub.s32 s6, s11;
	s30 =	sshrl.u32 s29, $0x2  }
0xb: {  	s6 =	sor.u32 $0x1C02, s31;
	s8 =	sshrl.u32 s4, $0x3;
	s4 =	sadd.s32 $0x5FC00, s5  }
0xc: {  	s7 =	sshrl.u32 s7, $0x3;
	s10 =	sadd.s32 s8, s5;
	s8 =	sadd.s32 s28, s5  }
0xd: {  	s12 =	sadd.s32 s30, s2;
	s7 =	sadd.s32 s7, s5;
	s5 =	sadd.s32 $0x37C00, s8  }
0xe: {  	s7 =	sadd.s32 $0x86E00, s7;
	s8 =	smax.u32 s11, $0x1;
	s9 =	sadd.s32 $0x24000, s10  }
0xf: {  	s10 =	sadd.s32 $0x2DE00, s10;
	s11 =	sshrl.u32 s12, $0x3;
	s12 =	simm.s32 $0x2  }
.LBB2_1:
0x10: {  	[spmem:s11], [sflag:s6] =	dma.local [hbm:s5], $0x2800  }
0x11: {  	_ =	swait.ge [sflag:s12], $0x2800  }
0x12: {  	[sflag:s12] =	ssyncset.done $0x0  }
0x13: {  	[sflag:s12] =	ssyncadd.s32 $0xFFFFD800  }
0x14: {  	s18 =	sadd.s32 $0x0, s10;
	[bflag:$0x0] =	sbarrier.arrive $0xFFFF  }
0x15: {  	[tilespmem:s3], [sflag:$0x2] =	stream.linear.gather [hbm4b:s18+s3], $0x50, $0x38;
	[tilespmem:$0x16900] =	vst v63  }
0x16: {  	_ =	swait.ge [sflag:s12], $0x50  }
0x17: {  	[sflag:s12] =	ssyncset.done $0x0  }
0x18: {  	s31 =	sadd.s32 $0x0, s9;
	[sflag:s12] =	ssyncadd.s32 $0xFFFFFFB0  }
0x19: {  	[tilespmem:s13], [sflag:$0x2] =	stream.linear.gather [hbm4b:s31+s3], $0x50, $0x38;
	[tilespmem:$0x16900] =	vst v63  }
0x1a: {  	_ =	swait.ge [sflag:s12], $0x50  }
0x1b: {  	[sflag:s12] =	ssyncset.done $0x0  }
0x1c: {  	[sflag:s12] =	ssyncadd.s32 $0xFFFFFFB0  }
0x1d: {  	[tilespmem:s15], [sflag:$0x1] =	stream.indirect.gather [hbm4b:s4+s14], $0x80, s3, s14, $0xb8;
	[tilespmem:$0x16900] =	vst v63  }
0x1e: {  	_ =	swait.ge [sflag:s16], $0x2800  }
0x1f: {  	[sflag:s16] =	ssyncset.done $0x0  }
0x20: {  	[sflag:s16] =	ssyncadd.s32 $0xFFFFD800  }
0x21: {  	[spmem:s2] =	stream.indirect.scatter.add.f32 [tilespmem:s15], [sflag:$0x2], $0x80, s13, s14, $0xb8;
	[tilespmem:$0x16900] =	vst v63  }
0x22: {  	_ =	swait.ge [sflag:s12], $0x2800  }
0x23: {  	s19 =	simm.s32 $0x14;
	s18 =	simm.s32 $0xA;
	[sflag:s12] =	ssyncset.done $0x0  }
.LBB2_2:
0x24: {  	s20 =	sadd.s32 s18, s10  }
0x25: {  	[sflag:s12] =	ssyncadd.s32 $0xFFFFD800;
	s21 =	smov.u32 s19;
	s22 =	sadd.s32 $0xA, s19  }
0x26: {  	[tilespmem:s3], [sflag:$0x2] =	stream.linear.gather [hbm4b:s20+s3], $0x50, $0x38;
	[tilespmem:$0x16900] =	vst v63  }
0x27: {  	p0 =	sne.s32 s19, $0x4D8;
	_ =	swait.ge [sflag:s12], $0x50  }
0x28: {  	[sflag:s12] =	ssyncset.done $0x0  }
0x29: {  	s19 =	sadd.s32 s18, s9;
	s18 =	smov.u32 s21;
	[sflag:s12] =	ssyncadd.s32 $0xFFFFFFB0  }
0x2a: {  	[tilespmem:s13], [sflag:$0x2] =	stream.linear.gather [hbm4b:s19+s3], $0x50, $0x38;
	[tilespmem:$0x16900] =	vst v63  }
0x2b: {  	_ =	swait.ge [sflag:s12], $0x50  }
0x2c: {  	[sflag:s12] =	ssyncset.done $0x0  }
0x2d: {  	[sflag:s12] =	ssyncadd.s32 $0xFFFFFFB0  }
0x2e: {  	[tilespmem:s15], [sflag:$0x1] =	stream.indirect.gather [hbm4b:s4+s14], $0x80, s3, s14, $0xb8;
	[tilespmem:$0x16900] =	vst v63  }
0x2f: {  	_ =	swait.ge [sflag:s16], $0x2800  }
.Ltmp0:
0x30: {  	[sflag:s16] =	ssyncset.done $0x0;
	(pc) =	sbr.rel @p0 .LBB2_2-.Ltmp0, $4  }
0x31: {  	[sflag:s16] =	ssyncadd.s32 $0xFFFFD800  }
0x32: {  	[spmem:s2] =	stream.indirect.scatter.add.f32 [tilespmem:s15], [sflag:$0x2], $0x80, s13, s14, $0xb8;
	[tilespmem:$0x16900] =	vst v63  }
0x33: {  	_ =	swait.ge [sflag:s12], $0x2800  }
0x34: {  	s19 =	smov.u32 s22;
	[sflag:s12] =	ssyncset.done $0x0  }
0x35: {  	s19 =	sadd.s32 s18, s10;
	[sflag:s12] =	ssyncadd.s32 $0xFFFFD800  }
0x36: {  	[tilespmem:s3], [sflag:$0x2] =	stream.linear.gather [hbm4b:s19+s3], $0x50, $0x38;
	[tilespmem:$0x16900] =	vst v63  }
0x37: {  	_ =	swait.ge [sflag:s12], $0x50  }
0x38: {  	[sflag:s12] =	ssyncset.done $0x0  }
0x39: {  	s31 =	sadd.s32 s18, s9;
	[sflag:s12] =	ssyncadd.s32 $0xFFFFFFB0  }
0x3a: {  	[tilespmem:s13], [sflag:$0x2] =	stream.linear.gather [hbm4b:s31+s3], $0x50, $0x38;
	[tilespmem:$0x16900] =	vst v63  }
0x3b: {  	_ =	swait.ge [sflag:s12], $0x50  }
0x3c: {  	[sflag:s12] =	ssyncset.done $0x0  }
0x3d: {  	[sflag:s12] =	ssyncadd.s32 $0xFFFFFFB0  }
0x3e: {  	[tilespmem:s15], [sflag:$0x1] =	stream.indirect.gather [hbm4b:s4+s14], $0x80, s3, s14, $0xb8;
	[tilespmem:$0x16900] =	vst v63  }
0x3f: {  	_ =	swait.ge [sflag:s16], $0x2800  }
0x40: {  	[sflag:s16] =	ssyncset.done $0x0  }
0x41: {  	[sflag:s16] =	ssyncadd.s32 $0xFFFFD800  }
0x42: {  	[spmem:s2] =	stream.indirect.scatter.add.f32 [tilespmem:s15], [sflag:$0x2], $0x80, s13, s14, $0xb8;
	[tilespmem:$0x16900] =	vst v63  }
0x43: {  	_ =	swait.ge [sflag:s12], $0x2800  }
0x44: {  	s17 =	sadd.s32 $0x1, s17;
	[sflag:s12] =	ssyncset.done $0x0  }
0x45: {  	p0 =	sne.s32 s17, s8;
	[sflag:s12] =	ssyncadd.s32 $0xFFFFD800  }
.Ltmp1:
0x46: {  	[bflag:$0x0] =	sbarrier.arrive $0xFFFF;
	(pc) =	sbr.rel @p0 .LBB2_1-.Ltmp1, $4  }
0x47: {  	[hbm:s7], [sflag:s6] =	dma.local [spmem:s11], $0x2800  }
0x48: {  	_ =	swait.ge [sflag:s12], $0x2800  }
0x49: {  	[sflag:s12] =	ssyncset.done $0x0  }
0x4a: {  	[sflag:s12] =	ssyncadd.s32 $0xFFFFD800  }
0x4b: {  	_ =	sfence.sel $0x180000  }
0x4c: {  	[bflag:$0x0] =	sbarrier.arrive $0xFFFF  }
0x4d: {  	p0 =	sne.s32 s0, $0x0;
	_ =	strace $0x90000053  }
0x4e: {  	s0 =	sadd.s32 @!p0 $0x100000, s1;
	[bflag:$0x2] =	sbarrier.arrive $0xFFFF  }
0x4f: {  	[sflag:s0] =	ssyncadd.tile.s32 @!p0 $0x1;
	_ =	shalt  }
.Lfunc_end2:
_tile_overlayer_lowered:
.L_overlay_start_2:
0x50: {  	(tag) =	ssettag $0x2  }
0x51: {  	s0 =	rddreg [dreg:$0x0];
	s2 =	stileid.u32  }
0x52: {  	s1 =	rddreg [dreg:$0x1];
	p0 =	sne.s32 s2, $0x0  }
0x53: {  	s3 =	rddreg [dreg:$0x2];
	[bflag:$0x3] =	sbarrier.arrive $0xFFFF;
	s2 =	simm.s32 @!p0 $0x1C02  }
0x54: {  	[timem:s3], [sflag:s2] =	dma.local @!p0 [hbm:s0], s1  }
0x55: {  	s0 =	simm.s32 @!p0 $0x2  }
0x56: {  	_ =	swait.ge @!p0 [sflag:s0], s1  }
0x57: {  	s1 =	ssub.s32 @!p0 $0x0, s1;
	[sflag:s0] =	ssyncset.done @!p0 $0x0  }
0x58: {  	[sflag:s0] =	ssyncadd.s32 @!p0 s1  }
0x59: {  	[bflag:$0x3] =	sbarrier.arrive $0xFFFF  }
0x5a: {  	_ =	shalt  }

// kernel: kernel.22.cloned.1.call-start
scs
__scs_entry_jumppad:
0x0: {  	(pc) =	sbr.rel $0x88, $3  }
0x1: {  	(tag) =	ssettag $0x0;
	lr =	simm.s32 $0x1  }
0x2: {  	[smem:$0x3F80] =	sst lr;
	_ =	strace $0xD0000000  }
0x3: {  	_ = 	snop  }
0x4: {  	_ = 	snop  }
0x5: {  	_ = 	snop  }
0x6: {  	_ = 	snop  }
0x7: {  	_ = 	snop  }
__scs_overlays_trampoline_lowered:
0x8: {  	[smem:$0x3F8F] =	sst s0  }
0x9: {  	[smem:$0x3F90] =	sst s1  }
0xa: {  	[smem:$0x3F91] =	sst s2  }
0xb: {  	[smem:$0x3F92] =	sst s3  }
0xc: {  	[smem:$0x3F93] =	sst s4  }
0xd: {  	[smem:$0x3F94] =	sst s5  }
0xe: {  	[smem:$0x3F95] =	sst s6  }
0xf: {  	[smem:$0x3F96] =	sst s7  }
0x10: {  	[smem:$0x3F97] =	sst s8  }
0x11: {  	[smem:$0x3F98] =	sst s9;
	s0 =	simm.s32 @!p0 $0x0  }
0x12: {  	s1 =	sld [smem:$0x3F7E];
	s0 =	simm.s32 @p0 $0x1  }
0x13: {  	[smem:$0x3F99] =	sst s0;
	s0 =	simm.s32 @!p1 $0x0  }
0x14: {  	s2 =	sld [smem:$0x3F7D];
	s0 =	simm.s32 @p1 $0x1  }
0x15: {  	[smem:$0x3F9A] =	sst s0;
	s0 =	simm.s32 @!p2 $0x0  }
0x16: {  	s3 =	sld [smem:$0x3FDB];
	s0 =	simm.s32 @p2 $0x1  }
0x17: {  	s4 =	simm.s32 $0x1BF5;
	[smem:$0x3F9C] =	sst s0  }
0x18: {  	s0 =	sld [smem:$0x3F7F];
	_ =	swait.ge [sflag:s4], $0x0  }
0x19: {  	s7 =	sld [smem:$0x3F80]  }
0x1a: {  	s8 =	sadd.s32 $0xFFFFE003, lr  }
0x1b: {  	s9 =	sadd.s32 $0xFFFFFEF7, lr;
	s5 =	simm.s32 $0xFFFFFFFF;
	p2 =	slt.u32 s8, $0xFFFFF086  }
0x1c: {  	p1 =	slt.u32 s9, $0xF7A;
	s5 =	simm.s32 @!p2 $0x0  }
0x1d: {  	s5 =	simm.s32 @p1 $0x1;
	p0 =	seq.s32 s7, s2  }
0x1e: {  	s7 =	smul.u32 @!p0 $0xF7A, s2;
	p2 =	seq.s32 @!p0 s5, $0x0  }
0x1f: {  	s9 =	smul.u32 $0xF7A, s1;
	s8 =	simm.s32 @!p0 $0x1BF5;
	p2 =	por !p2, p0  }
0x20: {  	[sflag:s8] =	ssyncset.s32 @!p0 $0xFFFFF086;
	s6 =	sadd.s32 @!p0 s3, s7;
	s7 =	simm.s32 @!p0 $0x108  }
0x21: {  	s3 =	sadd.s32 s3, s9;
	s6 =	sadd.s32 @!p0 $0x88, s6;
	s7 =	simm.s32 @p2 $0x1082  }
0x22: {  	[simem:s7], [sflag:s8] =	dma.local @!p0 [hbm:s6], $0xF7A  }
0x23: {  	s9 =	sor.u32 $0xD0000000, s2;
	s6 =	simm.s32 $0x108;
	_ =	swait.ge @!p0 [sflag:s8], $0x0  }
0x24: {  	s3 =	sadd.s32 $0x88, s3;
	s6 =	simm.s32 @!p1 $0x1082;
	[sflag:s4] =	ssyncset.s32 $0xFFFFF086  }
0x25: {  	[simem:s6], [sflag:s4] =	dma.local [hbm:s3], $0xF7A  }
0x26: {  	[smem:$0x3F80] =	sst s1;
	(tag) =	ssettag s2;
	_ =	strace s9  }
0x27: {  	s1 =	sld [smem:$0x3F90]  }
0x28: {  	s2 =	sld [smem:$0x3F91]  }
0x29: {  	s4 =	sld [smem:$0x3F93]  }
0x2a: {  	p0 =	seq.s32 s5, $0x0;
	s5 =	sld [smem:$0x3F94]  }
0x2b: {  	s6 =	sld [smem:$0x3F95]  }
0x2c: {  	s7 =	sld [smem:$0x3F96]  }
0x2d: {  	s3 =	simm.s32 $0x108;
	s8 =	sld [smem:$0x3F97]  }
0x2e: {  	s3 =	simm.s32 @!p0 $0x1082;
	s9 =	sld [smem:$0x3F98]  }
0x2f: {  	lr =	sadd.s32 s0, s3;
	s0 =	sld [smem:$0x3F8F]  }
0x30: {  	s3 =	sld [smem:$0x3F92]  }
0x31: {  	[smem:$0x3F9B] =	sst s10  }
0x32: {  	s10 =	sld [smem:$0x3F99];
	_ =	sdelay $0x3  }
0x33: {  	p0 =	seq.s32 s10, $0x1;
	s10 =	sld [smem:$0x3F9B];
	_ =	sdelay $0x3  }
0x34: {  	[smem:$0x3F9B] =	sst s10  }
0x35: {  	s10 =	sld [smem:$0x3F9A];
	_ =	sdelay $0x3  }
0x36: {  	p1 =	seq.s32 s10, $0x1;
	s10 =	sld [smem:$0x3F9B];
	_ =	sdelay $0x3  }
0x37: {  	[smem:$0x3F9B] =	sst s10  }
0x38: {  	s10 =	sld [smem:$0x3F9C]  }
0x39: {  	_ = 	snop;
	(pc) =	sbr.ind lr, $3  }
0x3a: {  	_ = 	snop  }
0x3b: {  	_ = 	snop  }
0x3c: {  	p2 =	seq.s32 s10, $0x1;
	s10 =	sld [smem:$0x3F9B]  }
0x3d: {  	_ =	shalt  }
0x3e: {  	_ =	shalt  }
0x3f: {  	_ =	shalt  }
0x40: {  	_ =	shalt  }
0x41: {  	_ =	shalt  }
0x42: {  	_ =	shalt  }
0x43: {  	_ =	shalt  }
0x44: {  	_ =	shalt  }
0x45: {  	_ =	shalt  }
0x46: {  	_ =	shalt  }
0x47: {  	_ =	shalt  }
0x48: {  	_ =	shalt  }
0x49: {  	_ =	shalt  }
0x4a: {  	_ =	shalt  }
0x4b: {  	_ =	shalt  }
0x4c: {  	_ =	shalt  }
0x4d: {  	_ =	shalt  }
0x4e: {  	_ =	shalt  }
0x4f: {  	_ =	shalt  }
0x50: {  	_ =	shalt  }
0x51: {  	_ =	shalt  }
0x52: {  	_ =	shalt  }
0x53: {  	_ =	shalt  }
0x54: {  	_ =	shalt  }
0x55: {  	_ =	shalt  }
0x56: {  	_ =	shalt  }
0x57: {  	_ =	shalt  }
0x58: {  	_ =	shalt  }
0x59: {  	_ =	shalt  }
0x5a: {  	_ =	shalt  }
0x5b: {  	_ =	shalt  }
0x5c: {  	_ =	shalt  }
0x5d: {  	_ =	shalt  }
0x5e: {  	_ =	shalt  }
0x5f: {  	_ =	shalt  }
0x60: {  	_ =	shalt  }
0x61: {  	_ =	shalt  }
0x62: {  	_ =	shalt  }
0x63: {  	_ =	shalt  }
0x64: {  	_ =	shalt  }
0x65: {  	_ =	shalt  }
0x66: {  	_ =	shalt  }
0x67: {  	_ =	shalt  }
0x68: {  	_ =	shalt  }
0x69: {  	_ =	shalt  }
0x6a: {  	_ =	shalt  }
0x6b: {  	_ =	shalt  }
0x6c: {  	_ =	shalt  }
0x6d: {  	_ =	shalt  }
0x6e: {  	_ =	shalt  }
0x6f: {  	_ =	shalt  }
0x70: {  	_ =	shalt  }
0x71: {  	_ =	shalt  }
0x72: {  	_ =	shalt  }
0x73: {  	_ =	shalt  }
0x74: {  	_ =	shalt  }
0x75: {  	_ =	shalt  }
0x76: {  	_ =	shalt  }
0x77: {  	_ =	shalt  }
0x78: {  	_ =	shalt  }
0x79: {  	_ =	shalt  }
0x7a: {  	_ =	shalt  }
0x7b: {  	_ =	shalt  }
0x7c: {  	_ =	shalt  }
0x7d: {  	_ =	shalt  }
0x7e: {  	_ =	shalt  }
0x7f: {  	_ =	shalt  }
0x80: {  	_ =	shalt  }
0x81: {  	_ =	shalt  }
0x82: {  	_ =	shalt  }
0x83: {  	_ =	shalt  }
0x84: {  	_ =	shalt  }
0x85: {  	_ =	shalt  }
0x86: {  	_ =	shalt  }
0x87: {  	_ =	shalt  }
.Lfunc_end0:
.L_simem_size_0:
called_computation.5_lowered:
.L_overlay_start_0:
0x88: {  	s2 =	sld [smem:$0x3FD9]  }
0x89: {  	s3 =	sld [smem:$0x3FFE];
	_ =	sdelay $0x1  }
0x8a: {  	s1 =	srdreg.scid  }
0x8b: {  	s0 =	sand.u32 $0x1, s1  }
0x8c: {  	s16 =	sshll.u32 s0, $0xA;
	s2 =	sadd.s32 s3, s2  }
0x8d: {  	s2 =	sadd.s32 s2, s16  }
0x8e: {  	[smem:$0x3FA7] =	sst s2  }
0x8f: {  	_ = 	snop  }
0x90: {  	(tm) =	ssettm $0x1  }
0x91: {  	s17 =	sld [smem:$0x3FFB];
	_ =	sdelay $0x3  }
0x92: {  	_ =	strace s17  }
0x93: {  	s2 =	sld [smem:$0x3FFC];
	_ =	sdelay $0x3  }
0x94: {  	_ =	strace s2  }
0x95: {  	s2 =	sld [smem:$0x3FFD];
	_ =	sdelay $0x3  }
0x96: {  	_ =	strace s2  }
0x97: {  	_ =	strace $0x8FFFFFFF  }
0x98: {  	s18 =	sld [smem:$0x3FDB];
	_ =	sdelay $0x1  }
0x99: {  	s19 =	simm.s32 $_scs_section_size  }
0x9a: {  	s4 =	simm.s32 $_size__tile_overlayer_lowered;
	s5 =	simm.s32 $_tile_overlayer_lowered  }
0x9b: {  	s22 =	simm.s32 $0x1BFF;
	s21 =	sshll.u32 s5, $0x1;
	s2 =	sadd.s32 s19, s18  }
0x9c: {  	s6 =	simm.s32 $0x0;
	s20 =	sshll.u32 s4, $0x1;
	s4 =	sadd.s32 s21, s2  }
0x9d: {  	[timem:s6], [sflag:s22] =	dma.local [hbm:s4], s20  }
0x9e: {  	_ =	swait.ge [sflag:s22], s20  }
0x9f: {  	s3 =	ssub.s32 $0x0, s20;
	[sflag:s22] =	ssyncset.done $0x0  }
0xa0: {  	[sflag:s22] =	ssyncadd.s32 s3;
	_ =	sdelay $0x1  }
0xa1: {  	s23 =	simm.s32 $0x1B8B  }
0xa2: {  	_ =	swait.ge [sflag:s23], $0x1  }
0xa3: {  	[sflag:s23] =	ssyncset.done $0x0  }
0xa4: {  	s25 =	simm.s32 $0x1B8E;
	s24 =	sld [smem:$0x3FFE];
	[sflag:s23] =	ssyncadd.s32 $0xFFFFFFFF  }
0xa5: {  	s26 =	simm.s32 $execute0_lowered;
	[smem:$0x3FD2] =	sst s25  }
0xa6: {  	s4 =	sshll.u32 s26, $0x1;
	_ =	strace $0x80000055;
	[dreg:$0x1] =	wrdreg $0xFFFFFFFF  }
0xa7: {  	s28 =	simm.s32 $_size_execute0_lowered;
	s2 =	sadd.s32 s2, s4;
	[dreg:$0x0] =	wrdreg $0x0  }
0xa8: {  	s4 =	sshll.u32 s28, $0x1;
	[dreg:$0x2] =	wrdreg s2  }
0xa9: {  	[dreg:$0x3] =	wrdreg s4  }
0xaa: {  	[dreg:$0x4] =	wrdreg $0xC0  }
0xab: {  	_ =	task [dreg:s6], $0x5FFFF  }
0xac: {  	[dreg:$0x1] =	wrdreg $0xFFFFFFFF  }
0xad: {  	[dreg:$0x0] =	wrdreg $0x60  }
0xae: {  	[dreg:$0x2] =	wrdreg s24  }
0xaf: {  	[dreg:$0x3] =	wrdreg $0x29000  }
0xb0: {  	[dreg:$0x4] =	wrdreg $0x9  }
0xb1: {  	_ =	task.clear_ibuf [dreg:s6], $0x5FFFF;
	_ =	strace $0x90000055  }
0xb2: {  	s29 =	simm.s32 $0x9;
	_ =	strace $0x80000057  }
0xb3: {  	_ =	swait.ge [sflag:s29], $0x1  }
0xb4: {  	[sflag:s29] =	ssyncadd.s32 $0xFFFFFFFF  }
0xb5: {  	_ =	strace $0x90000057  }
0xb6: {  	_ =	sfence  }
0xb7: {  	s30 =	sld [smem:$0x0];
	_ =	sdelay $0x2  }
0xb8: {  	s31 =	sshll.u32 s1, $0xD;
	s1 =	sshrl.u32 s1, $0x2  }
0xb9: {  	s3 =	sand.u32 $0x4000, s31;
	s1 =	sadd.s32 s1, s30  }
0xba: {  	s0 =	sor.u32 s3, s0;
	s1 =	sshll.u32 s1, $0x11  }
0xbb: {  	s0 =	sor.u32 s1, s0  }
0xbc: {  	s0 =	sadd.s32 $0x8F2B, s0  }
0xbd: {  	[sflag:s0] =	ssyncadd.remote.s32 $0x1  }
0xbe: {  	_ =	sfence.sel $0xFFFF  }
0xbf: {  	[dreg:$0x0] =	wrdreg $0xFFFFFFFF;
	(pc) =	sbr.abs _section_cstart, $3  }
0xc0: {  	[dreg:$0x1] =	wrdreg $0xFFFFFFFF  }
0xc1: {  	_ =	task.clear_ibuf [dreg:s6], $0x2FFFF;
	_ =	strace $0x9FFFFFFF  }
0xc2: {  	(tm) =	ssettm $0x7FFFFFFF  }
0xc3: {  	_ =	shalt  }
tec
execute0_lowered:
.L_overlay_start_1:
0x0: {  	(tag) =	ssettag $0x1  }
0x1: {  	s11 =	rddreg [dreg:$0x0]  }
0x2: {  	s2 =	rddreg [dreg:$0x1]  }
0x3: {  	s0 =	rddreg [dreg:$0x2];
	s3 =	simm.s32 $0x0;
	s1 =	stileid.u32  }
0x4: {  	s4 =	srdreg.scid;
	[smem:$0x7FF] =	sst s3;
	s5 =	sshll.u32 s1, $0x7  }
0x5: {  	s22 =	sand.u32 $0x1, s4;
	s26 =	sshll.u32 s1, $0xA;
	s29 =	sshll.u32 s1, $0x6  }
0x6: {  	_ =	strace $0x80000056;
	s21 =	sadd.s32 s5, s11;
	s28 =	sshll.u32 s22, $0x4  }
0x7: {  	s6 =	sadd.s32 s26, s2;
	s5 =	sor.u32 $0x1C02, s29;
	s8 =	sor.u32 s1, s28  }
0x8: {  	s4 =	sadd.s32 $0x2E400, s21;
	s7 =	sshrl.u32 s6, $0x3;
	s6 =	simm.s32 $0x2  }
0x9: {  	[spmem:s7], [sflag:s5] =	dma.local [hbm:s4], $0x80  }
0xa: {  	s8 =	smul.u32 $0x140, s8;
	_ =	swait.ge [sflag:s6], $0x80  }
0xb: {  	[sflag:s6] =	ssyncset.done $0x0  }
0xc: {  	s19 =	sadd.s32 $0x6600, s11;
	s23 =	sshrl.u32 s8, $0x3;
	[sflag:s6] =	ssyncadd.s32 $0xFFFFFF80  }
0xd: {  	s8 =	sadd.s32 s19, s23;
	[bflag:$0x0] =	sbarrier.arrive $0xFFFF  }
0xe: {  	[tilespmem:s3], [sflag:$0x2] =	stream.linear.gather [hbm4b:s8+s3], $0x50, $0x38;
	[tilespmem:$0x2D00] =	vst v63  }
0xf: {  	_ =	swait.ge [sflag:s6], $0x50  }
0x10: {  	s20 =	sadd.s32 $0x6C00, s11;
	[sflag:s6] =	ssyncset.done $0x0  }
0x11: {  	s10 =	simm.s32 $0x80;
	s9 =	sadd.s32 s20, s23;
	[sflag:s6] =	ssyncadd.s32 $0xFFFFFFB0  }
0x12: {  	[tilespmem:s10], [sflag:$0x2] =	stream.linear.gather [hbm4b:s9+s3], $0x50, $0x38;
	[tilespmem:$0x2D00] =	vst v63  }
0x13: {  	_ =	swait.ge [sflag:s6], $0x50  }
0x14: {  	s12 =	simm.s32 $0x50;
	s13 =	simm.s32 $0x100;
	[sflag:s6] =	ssyncset.done $0x0  }
0x15: {  	s14 =	simm.s32 $0x1;
	s11 =	sadd.s32 $0x7200, s11;
	[sflag:s6] =	ssyncadd.s32 $0xFFFFFFB0  }
0x16: {  	[tilespmem:s13], [sflag:$0x1] =	stream.indirect.gather [hbm4b:s11+s12], $0x80, s3, s12, $0xb8;
	[tilespmem:$0x2D00] =	vst v63  }
0x17: {  	_ =	swait.ge [sflag:s14], $0x2800  }
0x18: {  	[sflag:s14] =	ssyncset.done $0x0  }
0x19: {  	[sflag:s14] =	ssyncadd.s32 $0xFFFFD800  }
0x1a: {  	[spmem:s2] =	stream.indirect.scatter.add.f32 [tilespmem:s13], [sflag:$0x2], $0x80, s10, s12, $0xb8;
	[tilespmem:$0x2D00] =	vst v63  }
0x1b: {  	_ =	swait.ge [sflag:s6], $0x2800  }
0x1c: {  	s16 =	sadd.s32 $0xA, s23;
	[sflag:s6] =	ssyncset.done $0x0  }
0x1d: {  	s15 =	sadd.s32 s19, s16;
	[sflag:s6] =	ssyncadd.s32 $0xFFFFD800  }
0x1e: {  	[tilespmem:s3], [sflag:$0x2] =	stream.linear.gather [hbm4b:s15+s3], $0x50, $0x38;
	[tilespmem:$0x2D00] =	vst v63  }
0x1f: {  	_ =	swait.ge [sflag:s6], $0x50  }
0x20: {  	[sflag:s6] =	ssyncset.done $0x0  }
0x21: {  	s16 =	sadd.s32 s20, s16;
	[sflag:s6] =	ssyncadd.s32 $0xFFFFFFB0  }
0x22: {  	[tilespmem:s10], [sflag:$0x2] =	stream.linear.gather [hbm4b:s16+s3], $0x50, $0x38;
	[tilespmem:$0x2D00] =	vst v63  }
0x23: {  	_ =	swait.ge [sflag:s6], $0x50  }
0x24: {  	[sflag:s6] =	ssyncset.done $0x0  }
0x25: {  	[sflag:s6] =	ssyncadd.s32 $0xFFFFFFB0  }
0x26: {  	[tilespmem:s13], [sflag:$0x1] =	stream.indirect.gather [hbm4b:s11+s12], $0x80, s3, s12, $0xb8;
	[tilespmem:$0x2D00] =	vst v63  }
0x27: {  	_ =	swait.ge [sflag:s14], $0x2800  }
0x28: {  	[sflag:s14] =	ssyncset.done $0x0  }
0x29: {  	[sflag:s14] =	ssyncadd.s32 $0xFFFFD800  }
0x2a: {  	[spmem:s2] =	stream.indirect.scatter.add.f32 [tilespmem:s13], [sflag:$0x2], $0x80, s10, s12, $0xb8;
	[tilespmem:$0x2D00] =	vst v63  }
0x2b: {  	_ =	swait.ge [sflag:s6], $0x2800  }
0x2c: {  	s18 =	sadd.s32 $0x14, s23;
	[sflag:s6] =	ssyncset.done $0x0  }
0x2d: {  	s17 =	sadd.s32 s19, s18;
	[sflag:s6] =	ssyncadd.s32 $0xFFFFD800  }
0x2e: {  	[tilespmem:s3], [sflag:$0x2] =	stream.linear.gather [hbm4b:s17+s3], $0x50, $0x38;
	[tilespmem:$0x2D00] =	vst v63  }
0x2f: {  	_ =	swait.ge [sflag:s6], $0x50  }
0x30: {  	[sflag:s6] =	ssyncset.done $0x0  }
0x31: {  	s18 =	sadd.s32 s20, s18;
	[sflag:s6] =	ssyncadd.s32 $0xFFFFFFB0  }
0x32: {  	[tilespmem:s10], [sflag:$0x2] =	stream.linear.gather [hbm4b:s18+s3], $0x50, $0x38;
	[tilespmem:$0x2D00] =	vst v63  }
0x33: {  	_ =	swait.ge [sflag:s6], $0x50  }
0x34: {  	[sflag:s6] =	ssyncset.done $0x0  }
0x35: {  	[sflag:s6] =	ssyncadd.s32 $0xFFFFFFB0  }
0x36: {  	[tilespmem:s13], [sflag:$0x1] =	stream.indirect.gather [hbm4b:s11+s12], $0x80, s3, s12, $0xb8;
	[tilespmem:$0x2D00] =	vst v63  }
0x37: {  	_ =	swait.ge [sflag:s14], $0x2800  }
0x38: {  	[sflag:s14] =	ssyncset.done $0x0  }
0x39: {  	[sflag:s14] =	ssyncadd.s32 $0xFFFFD800  }
0x3a: {  	[spmem:s2] =	stream.indirect.scatter.add.f32 [tilespmem:s13], [sflag:$0x2], $0x80, s10, s12, $0xb8;
	[tilespmem:$0x2D00] =	vst v63  }
0x3b: {  	_ =	swait.ge [sflag:s6], $0x2800  }
0x3c: {  	s23 =	sadd.s32 $0x1E, s23;
	[sflag:s6] =	ssyncset.done $0x0  }
0x3d: {  	s19 =	sadd.s32 s19, s23;
	[sflag:s6] =	ssyncadd.s32 $0xFFFFD800  }
0x3e: {  	[tilespmem:s3], [sflag:$0x2] =	stream.linear.gather [hbm4b:s19+s3], $0x50, $0x38;
	[tilespmem:$0x2D00] =	vst v63  }
0x3f: {  	_ =	swait.ge [sflag:s6], $0x50  }
0x40: {  	[sflag:s6] =	ssyncset.done $0x0  }
0x41: {  	s20 =	sadd.s32 s20, s23;
	[sflag:s6] =	ssyncadd.s32 $0xFFFFFFB0  }
0x42: {  	[tilespmem:s10], [sflag:$0x2] =	stream.linear.gather [hbm4b:s20+s3], $0x50, $0x38;
	[tilespmem:$0x2D00] =	vst v63  }
0x43: {  	_ =	swait.ge [sflag:s6], $0x50  }
0x44: {  	[sflag:s6] =	ssyncset.done $0x0  }
0x45: {  	[sflag:s6] =	ssyncadd.s32 $0xFFFFFFB0  }
0x46: {  	[tilespmem:s13], [sflag:$0x1] =	stream.indirect.gather [hbm4b:s11+s12], $0x80, s3, s12, $0xb8;
	[tilespmem:$0x2D00] =	vst v63  }
0x47: {  	s30 =	ssub.s32 $0x2, s22;
	_ =	swait.ge [sflag:s14], $0x2800  }
0x48: {  	s24 =	sshrl.u32 s30, $0x1;
	[sflag:s14] =	ssyncset.done $0x0  }
0x49: {  	s23 =	ssub.s32 s30, s24;
	[sflag:s14] =	ssyncadd.s32 $0xFFFFD800  }
0x4a: {  	[spmem:s2] =	stream.indirect.scatter.add.f32 [tilespmem:s13], [sflag:$0x2], $0x80, s10, s12, $0xb8;
	[tilespmem:$0x2D00] =	vst v63  }
0x4b: {  	s31 =	smax.u32 s23, $0x1;
	_ =	swait.ge [sflag:s6], $0x2800  }
0x4c: {  	s22 =	sshll.u32 s22, $0xB;
	p0 =	sne.s32 s31, $0x1;
	[sflag:s6] =	ssyncset.done $0x0  }
.Ltmp0:
0x4d: {  	s21 =	sadd.s32 s22, s21;
	[sflag:s6] =	ssyncadd.s32 $0xFFFFD800;
	(pc) =	sbr.rel @!p0 .LBB2_2-.Ltmp0, $4  }
0x4e: {  	s21 =	sadd.s32 $0x2EC00, s21;
	[bflag:$0x0] =	sbarrier.arrive $0xFFFF  }
0x4f: {  	[hbm:s21], [sflag:s5] =	dma.local [spmem:s7], $0x80  }
0x50: {  	_ =	swait.ge [sflag:s6], $0x80  }
0x51: {  	s22 =	sadd.s32 $0xFFFFFFFF, s31;
	[sflag:s6] =	ssyncset.done $0x0  }
.LBB2_1:
0x52: {  	p0 =	sne.s32 s22, $0x1;
	s22 =	sadd.s32 $0xFFFFFFFF, s22;
	[sflag:s6] =	ssyncadd.s32 $0xFFFFFF80  }
0x53: {  	[spmem:s7], [sflag:s5] =	dma.local [hbm:s4], $0x80  }
0x54: {  	_ =	swait.ge [sflag:s6], $0x80  }
0x55: {  	[sflag:s6] =	ssyncset.done $0x0  }
0x56: {  	[sflag:s6] =	ssyncadd.s32 $0xFFFFFF80  }
0x57: {  	[bflag:$0x0] =	sbarrier.arrive $0xFFFF  }
0x58: {  	[tilespmem:s3], [sflag:$0x2] =	stream.linear.gather [hbm4b:s8+s3], $0x50, $0x38;
	[tilespmem:$0x2D00] =	vst v63  }
0x59: {  	_ =	swait.ge [sflag:s6], $0x50  }
0x5a: {  	[sflag:s6] =	ssyncset.done $0x0  }
0x5b: {  	[sflag:s6] =	ssyncadd.s32 $0xFFFFFFB0  }
0x5c: {  	[tilespmem:s10], [sflag:$0x2] =	stream.linear.gather [hbm4b:s9+s3], $0x50, $0x38;
	[tilespmem:$0x2D00] =	vst v63  }
0x5d: {  	_ =	swait.ge [sflag:s6], $0x50  }
0x5e: {  	[sflag:s6] =	ssyncset.done $0x0  }
0x5f: {  	[sflag:s6] =	ssyncadd.s32 $0xFFFFFFB0  }
0x60: {  	[tilespmem:s13], [sflag:$0x1] =	stream.indirect.gather [hbm4b:s11+s12], $0x80, s3, s12, $0xb8;
	[tilespmem:$0x2D00] =	vst v63  }
0x61: {  	_ =	swait.ge [sflag:s14], $0x2800  }
0x62: {  	[sflag:s14] =	ssyncset.done $0x0  }
0x63: {  	[sflag:s14] =	ssyncadd.s32 $0xFFFFD800  }
0x64: {  	[spmem:s2] =	stream.indirect.scatter.add.f32 [tilespmem:s13], [sflag:$0x2], $0x80, s10, s12, $0xb8;
	[tilespmem:$0x2D00] =	vst v63  }
0x65: {  	_ =	swait.ge [sflag:s6], $0x2800  }
0x66: {  	[sflag:s6] =	ssyncset.done $0x0  }
0x67: {  	[sflag:s6] =	ssyncadd.s32 $0xFFFFD800  }
0x68: {  	[tilespmem:s3], [sflag:$0x2] =	stream.linear.gather [hbm4b:s15+s3], $0x50, $0x38;
	[tilespmem:$0x2D00] =	vst v63  }
0x69: {  	_ =	swait.ge [sflag:s6], $0x50  }
0x6a: {  	[sflag:s6] =	ssyncset.done $0x0  }
0x6b: {  	[sflag:s6] =	ssyncadd.s32 $0xFFFFFFB0  }
0x6c: {  	[tilespmem:s10], [sflag:$0x2] =	stream.linear.gather [hbm4b:s16+s3], $0x50, $0x38;
	[tilespmem:$0x2D00] =	vst v63  }
0x6d: {  	_ =	swait.ge [sflag:s6], $0x50  }
0x6e: {  	[sflag:s6] =	ssyncset.done $0x0  }
0x6f: {  	[sflag:s6] =	ssyncadd.s32 $0xFFFFFFB0  }
0x70: {  	[tilespmem:s13], [sflag:$0x1] =	stream.indirect.gather [hbm4b:s11+s12], $0x80, s3, s12, $0xb8;
	[tilespmem:$0x2D00] =	vst v63  }
0x71: {  	_ =	swait.ge [sflag:s14], $0x2800  }
0x72: {  	[sflag:s14] =	ssyncset.done $0x0  }
0x73: {  	[sflag:s14] =	ssyncadd.s32 $0xFFFFD800  }
0x74: {  	[spmem:s2] =	stream.indirect.scatter.add.f32 [tilespmem:s13], [sflag:$0x2], $0x80, s10, s12, $0xb8;
	[tilespmem:$0x2D00] =	vst v63  }
0x75: {  	_ =	swait.ge [sflag:s6], $0x2800  }
0x76: {  	[sflag:s6] =	ssyncset.done $0x0  }
0x77: {  	[sflag:s6] =	ssyncadd.s32 $0xFFFFD800  }
0x78: {  	[tilespmem:s3], [sflag:$0x2] =	stream.linear.gather [hbm4b:s17+s3], $0x50, $0x38;
	[tilespmem:$0x2D00] =	vst v63  }
0x79: {  	_ =	swait.ge [sflag:s6], $0x50  }
0x7a: {  	[sflag:s6] =	ssyncset.done $0x0  }
0x7b: {  	[sflag:s6] =	ssyncadd.s32 $0xFFFFFFB0  }
0x7c: {  	[tilespmem:s10], [sflag:$0x2] =	stream.linear.gather [hbm4b:s18+s3], $0x50, $0x38;
	[tilespmem:$0x2D00] =	vst v63  }
0x7d: {  	_ =	swait.ge [sflag:s6], $0x50  }
0x7e: {  	[sflag:s6] =	ssyncset.done $0x0  }
0x7f: {  	[sflag:s6] =	ssyncadd.s32 $0xFFFFFFB0  }
0x80: {  	[tilespmem:s13], [sflag:$0x1] =	stream.indirect.gather [hbm4b:s11+s12], $0x80, s3, s12, $0xb8;
	[tilespmem:$0x2D00] =	vst v63  }
0x81: {  	_ =	swait.ge [sflag:s14], $0x2800  }
0x82: {  	[sflag:s14] =	ssyncset.done $0x0  }
0x83: {  	[sflag:s14] =	ssyncadd.s32 $0xFFFFD800  }
0x84: {  	[spmem:s2] =	stream.indirect.scatter.add.f32 [tilespmem:s13], [sflag:$0x2], $0x80, s10, s12, $0xb8;
	[tilespmem:$0x2D00] =	vst v63  }
0x85: {  	_ =	swait.ge [sflag:s6], $0x2800  }
0x86: {  	[sflag:s6] =	ssyncset.done $0x0  }
0x87: {  	[sflag:s6] =	ssyncadd.s32 $0xFFFFD800  }
0x88: {  	[tilespmem:s3], [sflag:$0x2] =	stream.linear.gather [hbm4b:s19+s3], $0x50, $0x38;
	[tilespmem:$0x2D00] =	vst v63  }
0x89: {  	_ =	swait.ge [sflag:s6], $0x50  }
0x8a: {  	[sflag:s6] =	ssyncset.done $0x0  }
0x8b: {  	[sflag:s6] =	ssyncadd.s32 $0xFFFFFFB0  }
0x8c: {  	[tilespmem:s10], [sflag:$0x2] =	stream.linear.gather [hbm4b:s20+s3], $0x50, $0x38;
	[tilespmem:$0x2D00] =	vst v63  }
0x8d: {  	_ =	swait.ge [sflag:s6], $0x50  }
0x8e: {  	[sflag:s6] =	ssyncset.done $0x0  }
0x8f: {  	[sflag:s6] =	ssyncadd.s32 $0xFFFFFFB0  }
0x90: {  	[tilespmem:s13], [sflag:$0x1] =	stream.indirect.gather [hbm4b:s11+s12], $0x80, s3, s12, $0xb8;
	[tilespmem:$0x2D00] =	vst v63  }
0x91: {  	_ =	swait.ge [sflag:s14], $0x2800  }
0x92: {  	[sflag:s14] =	ssyncset.done $0x0  }
0x93: {  	[sflag:s14] =	ssyncadd.s32 $0xFFFFD800  }
0x94: {  	[spmem:s2] =	stream.indirect.scatter.add.f32 [tilespmem:s13], [sflag:$0x2], $0x80, s10, s12, $0xb8;
	[tilespmem:$0x2D00] =	vst v63  }
0x95: {  	_ =	swait.ge [sflag:s6], $0x2800  }
0x96: {  	[sflag:s6] =	ssyncset.done $0x0  }
.Ltmp1:
0x97: {  	[sflag:s6] =	ssyncadd.s32 $0xFFFFD800;
	(pc) =	sbr.rel @p0 .LBB2_1-.Ltmp1, $4  }
0x98: {  	[bflag:$0x0] =	sbarrier.arrive $0xFFFF  }
0x99: {  	[hbm:s21], [sflag:s5] =	dma.local [spmem:s7], $0x80  }
0x9a: {  	_ =	swait.ge [sflag:s6], $0x80  }
0x9b: {  	[sflag:s6] =	ssyncset.done $0x0  }
.LBB2_2:
0x9c: {  	[sflag:s6] =	ssyncadd.s32 $0xFFFFFF80  }
0x9d: {  	_ =	sfence.sel $0x180000  }
0x9e: {  	[bflag:$0x0] =	sbarrier.arrive $0xFFFF  }
0x9f: {  	p0 =	sne.s32 s1, $0x0;
	_ =	strace $0x90000056  }
0xa0: {  	s0 =	sadd.s32 @!p0 $0x100000, s0;
	[bflag:$0x2] =	sbarrier.arrive $0xFFFF  }
0xa1: {  	[sflag:s0] =	ssyncadd.tile.s32 @!p0 $0x1;
	_ =	shalt  }
.Lfunc_end2:
_tile_overlayer_lowered:
.L_overlay_start_2:
0xa2: {  	(tag) =	ssettag $0x2  }
0xa3: {  	s0 =	rddreg [dreg:$0x0];
	s2 =	stileid.u32  }
0xa4: {  	s1 =	rddreg [dreg:$0x1];
	p0 =	sne.s32 s2, $0x0  }
0xa5: {  	s3 =	rddreg [dreg:$0x2];
	[bflag:$0x3] =	sbarrier.arrive $0xFFFF;
	s2 =	simm.s32 @!p0 $0x1C02  }
0xa6: {  	[timem:s3], [sflag:s2] =	dma.local @!p0 [hbm:s0], s1  }
0xa7: {  	s0 =	simm.s32 @!p0 $0x2  }
0xa8: {  	_ =	swait.ge @!p0 [sflag:s0], s1  }
0xa9: {  	s1 =	ssub.s32 @!p0 $0x0, s1;
	[sflag:s0] =	ssyncset.done @!p0 $0x0  }
0xaa: {  	[sflag:s0] =	ssyncadd.s32 @!p0 s1  }
0xab: {  	[bflag:$0x3] =	sbarrier.arrive $0xFFFF  }
0xac: {  	_ =	shalt  }

</sc_bundles>
